<compile_context>
chip_gen: v7x
topology: tpu7x:2x2x1
jax: 0.10.2.dev20260603
libtpu: 0.0.44.dev20260713+nightly
codegen_flags: <defaults>
</compile_context>

<pallas_src>
import functools

import jax
import jax.numpy as jnp
from jax import lax
from jax.experimental import pallas as pl
from jax.experimental.pallas import tpu as pltpu
from jax.experimental.pallas import tpu_sc as plsc

N = 32768
E = 8192
D = 256

BLK_N = 512
N_STEPS = N // BLK_N
LANES = 128
MM_CHUNKS = 8


def _argmin_body(x_ref, ebt_ref, xp_ref, ep_ref, code_ref):
    xb = x_ref[...].astype(jnp.bfloat16)
    xp = xp_ref[...]

    val = jnp.full((BLK_N, LANES), jnp.inf, jnp.float32)
    grp = jnp.zeros((BLK_N, LANES), jnp.float32)
    CB = E // MM_CHUNKS
    for c in range(MM_CHUNKS):
        mmn = jax.lax.dot_general(
            xb, ebt_ref[c * CB:(c + 1) * CB, :], (((1,), (1,)), ((), ())),
            preferred_element_type=jnp.float32)
        for gc in range(CB // LANES):
            g = c * (CB // LANES) + gc
            sl = slice(gc * LANES, (gc + 1) * LANES)
            esl = slice(g * LANES, (g + 1) * LANES)
            d_g = mmn[:, sl] + (xp + ep_ref[:, esl])
            better = d_g < val
            val = jnp.minimum(val, d_g)
            grp = jnp.where(better, jnp.float32(g), grp)

    lane = jax.lax.broadcasted_iota(jnp.int32, (BLK_N, LANES), 1).astype(jnp.float32)
    gidx = grp * jnp.float32(LANES) + lane
    bm = jnp.min(val, axis=1, keepdims=True)
    bidx = jnp.min(jnp.where(val == bm, gidx, jnp.inf), axis=1)
    code_ref[...] = bidx.astype(jnp.int32)


def _argmin_call(x, ebt, xp, ep):
    n = x.shape[0]
    return pl.pallas_call(
        _argmin_body,
        grid=(n // BLK_N,),
        in_specs=[
            pl.BlockSpec((BLK_N, D), lambda i: (i, 0)),
            pl.BlockSpec(memory_space=pltpu.VMEM),
            pl.BlockSpec((BLK_N, 1), lambda i: (i, 0)),
            pl.BlockSpec(memory_space=pltpu.VMEM),
        ],
        out_specs=pl.BlockSpec((BLK_N,), lambda i: (i,)),
        out_shape=jax.ShapeDtypeStruct((n,), jnp.int32),
    )(x, ebt, xp, ep)



def _make_gather(n):
    info = plsc.get_sparse_core_info()
    NC, NS = info.num_cores, info.num_subcores
    NW = NC * NS
    b_per_w = n // NW
    CHUNK = 128
    n_chunks = b_per_w // CHUNK

    mesh = plsc.VectorSubcoreMesh(core_axis_name="c", subcore_axis_name="s")

    @functools.partial(
        pl.kernel, mesh=mesh,
        out_type=jax.ShapeDtypeStruct((n, D), jnp.float32),
        scratch_types=[
            pltpu.VMEM((2, CHUNK), jnp.int32),
            pltpu.VMEM((CHUNK, D), jnp.float32),
            pltpu.VMEM((CHUNK, D), jnp.float32),
            pltpu.SemaphoreType.DMA,
            pltpu.SemaphoreType.DMA,
            pltpu.SemaphoreType.DMA,
            pltpu.SemaphoreType.DMA,
        ],
    )
    def gather(table_hbm, idx_hbm, out_hbm, idx_v, rows_a, rows_b,
               gs_a, gs_b, ss_a, ss_b):
        wid = lax.axis_index("s") * NC + lax.axis_index("c")
        base = wid * b_per_w
        rows = (rows_a, rows_b)
        gsem = (gs_a, gs_b)
        ssem = (ss_a, ss_b)

        def fire(c):
            b = c % 2
            off = base + c * CHUNK
            pltpu.sync_copy(idx_hbm.at[pl.ds(off, CHUNK)], idx_v.at[b])
            return pltpu.async_copy(table_hbm.at[idx_v.at[b]], rows[b], gsem[b])

        g = [fire(0), fire(1)]
        st = [None, None]
        for c in range(n_chunks):
            b = c % 2
            g[b].wait()
            st[b] = pltpu.async_copy(
                rows[b], out_hbm.at[pl.ds(base + c * CHUNK, CHUNK)], ssem[b])
            if c + 2 < n_chunks:
                st[b].wait()
                g[b] = fire(c + 2)
        for b in range(2):
            if st[b] is not None:
                st[b].wait()

    return gather


def kernel(inputs, embeddings):
    x = inputs
    e = embeddings
    et = e.T
    xp = jnp.sum(jnp.power(x, 2), axis=-1, keepdims=True)
    ep = jnp.sum(jnp.power(et, 2), axis=0, keepdims=True)
    ebn = (e * jnp.float32(-2.0)).astype(jnp.bfloat16)
    code = _argmin_call(x, ebn, xp, ep)
    quant = _make_gather(N)(e, code)
    return (code, quant)

# --- scband reference (transcript-rebuilt; emitter-appended) ---
"""Pipeline reference for scband-vqembedding-52793738003227 (READ-ONLY COPY).

The authoritative reference and input builder live on the scoring server;
editing this copy changes nothing except your own understanding.
"""

import jax, jax.numpy as jnp
import numpy as np

EMBED_NUM = 8192
EMBED_DIM = 256
N = 32768

def setup_inputs(seed: int = 0) -> dict:
    key = jax.random.key(seed)
    k1, k2 = jax.random.split(key)
    inputs = jax.random.normal(k1, (N, EMBED_DIM), dtype=jnp.float32)
    # learned codebook, matches RandomNormal(mean=0.0, stddev=0.02)
    embeddings = jax.random.normal(k2, (EMBED_NUM, EMBED_DIM), dtype=jnp.float32) * 0.02
    return {"inputs": inputs, "embeddings": embeddings}

def reference(inputs, embeddings):
    # compute_distances: ||x||^2 + ||e||^2 - 2 x e^T
    embedding_t = embeddings.T
    inputs_pow = jnp.sum(jnp.power(inputs, 2), axis=-1, keepdims=True)
    embedding_t_pow = jnp.sum(jnp.power(embedding_t, 2), axis=0, keepdims=True)
    distance_matrix = inputs_pow + embedding_t_pow - 2.0 * (inputs @ embedding_t)
    # find_nearest_embedding
    code = jnp.argmin(distance_matrix, axis=-1)
    quant = jnp.take(embeddings, code, axis=0)
    # inference path (training=False): return (code, quant); EMA buffer updates
    # are stateful + stochastic side effects and do not affect the returned values.
    return (code, quant)

if __name__ == "__main__":
    import jax
    _d = setup_inputs()
    print(jax.jit(kernel)(*tuple(_d.values())))

</pallas_src>

<mosaic_0001>
#map = affine_map<(d0, d1) -> (0, 0)>
#map1 = affine_map<(d0, d1) -> (0)>
module attributes {stable_mosaic.version = 14 : i64} {
  func.func @gather(%arg0: i32, %arg1: i32, %arg2: memref<8192x256xf32, #tpu.memory_space<hbm>>, %arg3: memref<32768xi32, #tpu.memory_space<hbm>>, %arg4: memref<32768x256xf32, #tpu.memory_space<hbm>>, %arg5: memref<2x128xi32, #tpu.memory_space<vmem>>, %arg6: memref<128x256xf32, #tpu.memory_space<vmem>>, %arg7: memref<128x256xf32, #tpu.memory_space<vmem>>, %arg8: memref<!tpu.dma_semaphore, #tpu.memory_space<semaphore_mem>>, %arg9: memref<!tpu.dma_semaphore, #tpu.memory_space<semaphore_mem>>, %arg10: memref<!tpu.dma_semaphore, #tpu.memory_space<semaphore_mem>>, %arg11: memref<!tpu.dma_semaphore, #tpu.memory_space<semaphore_mem>>) attributes {dimension_semantics = [#tpu.dimension_semantics<core_parallel>, #tpu.dimension_semantics<subcore_parallel>], iteration_bounds = array<i64: 2, 16>, scalar_prefetch = 0 : i64, scratch_operands = 7 : i64, tpu.core_type = #tpu.core_type<sc_vector_subcore>, window_params = [{transform_indices = #map}, {transform_indices = #map1}, {transform_indices = #map}]} {
    %mul3A = arith.constant 2 : i32
    %mul3A_0 = arith.muli %arg1, %mul3A : i32
    %add3A = arith.addi %mul3A_0, %arg0 : i32
    %mul3A_1 = arith.constant 1024 : i32
    %mul3A_2 = arith.muli %add3A, %mul3A_1 : i32
    %add3A_3 = arith.constant 0 : i32
    %add3A_4 = arith.addi %mul3A_2, %add3A_3 : i32
    %run_scoped3A = arith.constant 0 : i32
    "tpu.region"() ({
      %run_scoped3A_216 = tpu.sem_alloc : memref<!tpu.dma_semaphore, #tpu.memory_space<semaphore_mem>>
      %dma_start3A_217 = arith.constant 0 : i32
      %dma_start3A_218 = tpu.memref_slice %arg5[%run_scoped3A, %dma_start3A_217] : memref<2x128xi32, #tpu.memory_space<vmem>> -> memref<1x128xi32, #tpu.memory_space<vmem>>
      %dma_start3A_219 = tpu.memref_squeeze %dma_start3A_218 : memref<1x128xi32, #tpu.memory_space<vmem>> -> memref<128xi32, #tpu.memory_space<vmem>>
      %dma_start3A_220 = tpu.memref_slice %arg3[%add3A_4] : memref<32768xi32, #tpu.memory_space<hbm>> -> memref<128xi32, #tpu.memory_space<hbm>>
      %dma_start3A_221 = arith.constant 0 : i32
      %dma_start3A_222 = tpu.memref_slice %arg5[%run_scoped3A, %dma_start3A_221] : memref<2x128xi32, #tpu.memory_space<vmem>> -> memref<1x128xi32, #tpu.memory_space<vmem>>
      %dma_start3A_223 = tpu.memref_squeeze %dma_start3A_222 : memref<1x128xi32, #tpu.memory_space<vmem>> -> memref<128xi32, #tpu.memory_space<vmem>>
      %dma_start3A_224 = tpu.memref_slice %arg3[%add3A_4] : memref<32768xi32, #tpu.memory_space<hbm>> -> memref<128xi32, #tpu.memory_space<hbm>>
      tpu.enqueue_dma source(%dma_start3A_224 : memref<128xi32, #tpu.memory_space<hbm>>) target(%dma_start3A_223 : memref<128xi32, #tpu.memory_space<vmem>>) target_semaphore(%run_scoped3A_216 : memref<!tpu.dma_semaphore, #tpu.memory_space<semaphore_mem>>)
      %dma_wait3A_225 = arith.constant 0 : i32
      %dma_wait3A_226 = tpu.memref_slice %arg5[%run_scoped3A, %dma_wait3A_225] : memref<2x128xi32, #tpu.memory_space<vmem>> -> memref<1x128xi32, #tpu.memory_space<vmem>>
      %dma_wait3A_227 = tpu.memref_squeeze %dma_wait3A_226 : memref<1x128xi32, #tpu.memory_space<vmem>> -> memref<128xi32, #tpu.memory_space<vmem>>
      %dma_wait3A_228 = tpu.memref_slice %arg3[%add3A_4] : memref<32768xi32, #tpu.memory_space<hbm>> -> memref<128xi32, #tpu.memory_space<hbm>>
      %dma_wait3A_229 = arith.constant 0 : i32
      %dma_wait3A_230 = tpu.memref_slice %arg5[%run_scoped3A, %dma_wait3A_229] : memref<2x128xi32, #tpu.memory_space<vmem>> -> memref<1x128xi32, #tpu.memory_space<vmem>>
      %dma_wait3A_231 = tpu.memref_squeeze %dma_wait3A_230 : memref<1x128xi32, #tpu.memory_space<vmem>> -> memref<128xi32, #tpu.memory_space<vmem>>
      %dma_wait3A_232 = tpu.memref_slice %arg3[%add3A_4] : memref<32768xi32, #tpu.memory_space<hbm>> -> memref<128xi32, #tpu.memory_space<hbm>>
      tpu.wait_dma2 semaphore(%run_scoped3A_216 : memref<!tpu.dma_semaphore, #tpu.memory_space<semaphore_mem>>) src(%dma_wait3A_232 : memref<128xi32, #tpu.memory_space<hbm>>) dst(%dma_wait3A_231 : memref<128xi32, #tpu.memory_space<vmem>>)
      tpu.yield
    }) : () -> ()
    %dma_start3A = arith.constant 0 : i32
    %dma_start3A_5 = arith.constant 0 : i32
    %dma_start3A_6 = tpu.memref_slice %arg5[%dma_start3A, %dma_start3A_5] : memref<2x128xi32, #tpu.memory_space<vmem>> -> memref<1x128xi32, #tpu.memory_space<vmem>>
    %dma_start3A_7 = tpu.memref_squeeze %dma_start3A_6 : memref<1x128xi32, #tpu.memory_space<vmem>> -> memref<128xi32, #tpu.memory_space<vmem>>
    %dma_start3A_8 = arith.constant 0 : i32
    %dma_start3A_9 = arith.constant 0 : i32
    %dma_start3A_10 = tpu.memref_slice %arg2[%dma_start3A_8, %dma_start3A_9] : memref<8192x256xf32, #tpu.memory_space<hbm>> -> memref<8192x256xf32, #tpu.memory_space<hbm>>
    tpu.enqueue_indirect_dma source(%dma_start3A_10 : memref<8192x256xf32, #tpu.memory_space<hbm>>) target(%arg6 : memref<128x256xf32, #tpu.memory_space<vmem>>) offsets(%dma_start3A_7 : memref<128xi32, #tpu.memory_space<vmem>>) semaphore(%arg8 : memref<!tpu.dma_semaphore, #tpu.memory_space<semaphore_mem>>)
    %add3A_11 = arith.constant 128 : i32
    %add3A_12 = arith.addi %mul3A_2, %add3A_11 : i32
    %run_scoped3A_13 = arith.constant 1 : i32
    "tpu.region"() ({
      %run_scoped3A_216 = tpu.sem_alloc : memref<!tpu.dma_semaphore, #tpu.memory_space<semaphore_mem>>
      %dma_start3A_217 = arith.constant 0 : i32
      %dma_start3A_218 = tpu.memref_slice %arg5[%run_scoped3A_13, %dma_start3A_217] : memref<2x128xi32, #tpu.memory_space<vmem>> -> memref<1x128xi32, #tpu.memory_space<vmem>>
      %dma_start3A_219 = tpu.memref_squeeze %dma_start3A_218 : memref<1x128xi32, #tpu.memory_space<vmem>> -> memref<128xi32, #tpu.memory_space<vmem>>
      %dma_start3A_220 = tpu.memref_slice %arg3[%add3A_12] : memref<32768xi32, #tpu.memory_space<hbm>> -> memref<128xi32, #tpu.memory_space<hbm>>
      %dma_start3A_221 = arith.constant 0 : i32
      %dma_start3A_222 = tpu.memref_slice %arg5[%run_scoped3A_13, %dma_start3A_221] : memref<2x128xi32, #tpu.memory_space<vmem>> -> memref<1x128xi32, #tpu.memory_space<vmem>>
      %dma_start3A_223 = tpu.memref_squeeze %dma_start3A_222 : memref<1x128xi32, #tpu.memory_space<vmem>> -> memref<128xi32, #tpu.memory_space<vmem>>
      %dma_start3A_224 = tpu.memref_slice %arg3[%add3A_12] : memref<32768xi32, #tpu.memory_space<hbm>> -> memref<128xi32, #tpu.memory_space<hbm>>
      tpu.enqueue_dma source(%dma_start3A_224 : memref<128xi32, #tpu.memory_space<hbm>>) target(%dma_start3A_223 : memref<128xi32, #tpu.memory_space<vmem>>) target_semaphore(%run_scoped3A_216 : memref<!tpu.dma_semaphore, #tpu.memory_space<semaphore_mem>>)
      %dma_wait3A_225 = arith.constant 0 : i32
      %dma_wait3A_226 = tpu.memref_slice %arg5[%run_scoped3A_13, %dma_wait3A_225] : memref<2x128xi32, #tpu.memory_space<vmem>> -> memref<1x128xi32, #tpu.memory_space<vmem>>
      %dma_wait3A_227 = tpu.memref_squeeze %dma_wait3A_226 : memref<1x128xi32, #tpu.memory_space<vmem>> -> memref<128xi32, #tpu.memory_space<vmem>>
      %dma_wait3A_228 = tpu.memref_slice %arg3[%add3A_12] : memref<32768xi32, #tpu.memory_space<hbm>> -> memref<128xi32, #tpu.memory_space<hbm>>
      %dma_wait3A_229 = arith.constant 0 : i32
      %dma_wait3A_230 = tpu.memref_slice %arg5[%run_scoped3A_13, %dma_wait3A_229] : memref<2x128xi32, #tpu.memory_space<vmem>> -> memref<1x128xi32, #tpu.memory_space<vmem>>
      %dma_wait3A_231 = tpu.memref_squeeze %dma_wait3A_230 : memref<1x128xi32, #tpu.memory_space<vmem>> -> memref<128xi32, #tpu.memory_space<vmem>>
      %dma_wait3A_232 = tpu.memref_slice %arg3[%add3A_12] : memref<32768xi32, #tpu.memory_space<hbm>> -> memref<128xi32, #tpu.memory_space<hbm>>
      tpu.wait_dma2 semaphore(%run_scoped3A_216 : memref<!tpu.dma_semaphore, #tpu.memory_space<semaphore_mem>>) src(%dma_wait3A_232 : memref<128xi32, #tpu.memory_space<hbm>>) dst(%dma_wait3A_231 : memref<128xi32, #tpu.memory_space<vmem>>)
      tpu.yield
    }) : () -> ()
    %dma_start3A_14 = arith.constant 1 : i32
    %dma_start3A_15 = arith.constant 0 : i32
    %dma_start3A_16 = tpu.memref_slice %arg5[%dma_start3A_14, %dma_start3A_15] : memref<2x128xi32, #tpu.memory_space<vmem>> -> memref<1x128xi32, #tpu.memory_space<vmem>>
    %dma_start3A_17 = tpu.memref_squeeze %dma_start3A_16 : memref<1x128xi32, #tpu.memory_space<vmem>> -> memref<128xi32, #tpu.memory_space<vmem>>
    %dma_start3A_18 = arith.constant 0 : i32
    %dma_start3A_19 = arith.constant 0 : i32
    %dma_start3A_20 = tpu.memref_slice %arg2[%dma_start3A_18, %dma_start3A_19] : memref<8192x256xf32, #tpu.memory_space<hbm>> -> memref<8192x256xf32, #tpu.memory_space<hbm>>
    tpu.enqueue_indirect_dma source(%dma_start3A_20 : memref<8192x256xf32, #tpu.memory_space<hbm>>) target(%arg7 : memref<128x256xf32, #tpu.memory_space<vmem>>) offsets(%dma_start3A_17 : memref<128xi32, #tpu.memory_space<vmem>>) semaphore(%arg9 : memref<!tpu.dma_semaphore, #tpu.memory_space<semaphore_mem>>)
    %dma_wait3A = arith.constant 0 : i32
    %dma_wait3A_21 = arith.constant 0 : i32
    %dma_wait3A_22 = tpu.memref_slice %arg5[%dma_wait3A, %dma_wait3A_21] : memref<2x128xi32, #tpu.memory_space<vmem>> -> memref<1x128xi32, #tpu.memory_space<vmem>>
    %dma_wait3A_23 = tpu.memref_squeeze %dma_wait3A_22 : memref<1x128xi32, #tpu.memory_space<vmem>> -> memref<128xi32, #tpu.memory_space<vmem>>
    %dma_wait3A_24 = arith.constant 0 : i32
    %dma_wait3A_25 = arith.constant 0 : i32
    %dma_wait3A_26 = tpu.memref_slice %arg2[%dma_wait3A_24, %dma_wait3A_25] : memref<8192x256xf32, #tpu.memory_space<hbm>> -> memref<8192x256xf32, #tpu.memory_space<hbm>>
    tpu.wait_indirect_dma semaphore(%arg8 : memref<!tpu.dma_semaphore, #tpu.memory_space<semaphore_mem>>) src(%dma_wait3A_26 : memref<8192x256xf32, #tpu.memory_space<hbm>>) dst(%arg6 : memref<128x256xf32, #tpu.memory_space<vmem>>)
    %add3A_27 = arith.constant 0 : i32
    %add3A_28 = arith.addi %mul3A_2, %add3A_27 : i32
    %dma_start3A_29 = arith.constant 0 : i32
    %dma_start3A_30 = tpu.memref_slice %arg4[%add3A_28, %dma_start3A_29] : memref<32768x256xf32, #tpu.memory_space<hbm>> -> memref<128x256xf32, #tpu.memory_space<hbm>>
    %dma_start3A_31 = arith.constant 0 : i32
    %dma_start3A_32 = tpu.memref_slice %arg4[%add3A_28, %dma_start3A_31] : memref<32768x256xf32, #tpu.memory_space<hbm>> -> memref<128x256xf32, #tpu.memory_space<hbm>>
    tpu.enqueue_dma source(%arg6 : memref<128x256xf32, #tpu.memory_space<vmem>>) target(%dma_start3A_32 : memref<128x256xf32, #tpu.memory_space<hbm>>) target_semaphore(%arg10 : memref<!tpu.dma_semaphore, #tpu.memory_space<semaphore_mem>>)
    %dma_wait3A_33 = arith.constant 0 : i32
    %dma_wait3A_34 = tpu.memref_slice %arg4[%add3A_28, %dma_wait3A_33] : memref<32768x256xf32, #tpu.memory_space<hbm>> -> memref<128x256xf32, #tpu.memory_space<hbm>>
    %dma_wait3A_35 = arith.constant 0 : i32
    %dma_wait3A_36 = tpu.memref_slice %arg4[%add3A_28, %dma_wait3A_35] : memref<32768x256xf32, #tpu.memory_space<hbm>> -> memref<128x256xf32, #tpu.memory_space<hbm>>
    tpu.wait_dma2 semaphore(%arg10 : memref<!tpu.dma_semaphore, #tpu.memory_space<semaphore_mem>>) src(%arg6 : memref<128x256xf32, #tpu.memory_space<vmem>>) dst(%dma_wait3A_36 : memref<128x256xf32, #tpu.memory_space<hbm>>)
    %add3A_37 = arith.constant 256 : i32
    %add3A_38 = arith.addi %mul3A_2, %add3A_37 : i32
    %run_scoped3A_39 = arith.constant 0 : i32
    "tpu.region"() ({
      %run_scoped3A_216 = tpu.sem_alloc : memref<!tpu.dma_semaphore, #tpu.memory_space<semaphore_mem>>
      %dma_start3A_217 = arith.constant 0 : i32
      %dma_start3A_218 = tpu.memref_slice %arg5[%run_scoped3A_39, %dma_start3A_217] : memref<2x128xi32, #tpu.memory_space<vmem>> -> memref<1x128xi32, #tpu.memory_space<vmem>>
      %dma_start3A_219 = tpu.memref_squeeze %dma_start3A_218 : memref<1x128xi32, #tpu.memory_space<vmem>> -> memref<128xi32, #tpu.memory_space<vmem>>
      %dma_start3A_220 = tpu.memref_slice %arg3[%add3A_38] : memref<32768xi32, #tpu.memory_space<hbm>> -> memref<128xi32, #tpu.memory_space<hbm>>
      %dma_start3A_221 = arith.constant 0 : i32
      %dma_start3A_222 = tpu.memref_slice %arg5[%run_scoped3A_39, %dma_start3A_221] : memref<2x128xi32, #tpu.memory_space<vmem>> -> memref<1x128xi32, #tpu.memory_space<vmem>>
      %dma_start3A_223 = tpu.memref_squeeze %dma_start3A_222 : memref<1x128xi32, #tpu.memory_space<vmem>> -> memref<128xi32, #tpu.memory_space<vmem>>
      %dma_start3A_224 = tpu.memref_slice %arg3[%add3A_38] : memref<32768xi32, #tpu.memory_space<hbm>> -> memref<128xi32, #tpu.memory_space<hbm>>
      tpu.enqueue_dma source(%dma_start3A_224 : memref<128xi32, #tpu.memory_space<hbm>>) target(%dma_start3A_223 : memref<128xi32, #tpu.memory_space<vmem>>) target_semaphore(%run_scoped3A_216 : memref<!tpu.dma_semaphore, #tpu.memory_space<semaphore_mem>>)
      %dma_wait3A_225 = arith.constant 0 : i32
      %dma_wait3A_226 = tpu.memref_slice %arg5[%run_scoped3A_39, %dma_wait3A_225] : memref<2x128xi32, #tpu.memory_space<vmem>> -> memref<1x128xi32, #tpu.memory_space<vmem>>
      %dma_wait3A_227 = tpu.memref_squeeze %dma_wait3A_226 : memref<1x128xi32, #tpu.memory_space<vmem>> -> memref<128xi32, #tpu.memory_space<vmem>>
      %dma_wait3A_228 = tpu.memref_slice %arg3[%add3A_38] : memref<32768xi32, #tpu.memory_space<hbm>> -> memref<128xi32, #tpu.memory_space<hbm>>
      %dma_wait3A_229 = arith.constant 0 : i32
      %dma_wait3A_230 = tpu.memref_slice %arg5[%run_scoped3A_39, %dma_wait3A_229] : memref<2x128xi32, #tpu.memory_space<vmem>> -> memref<1x128xi32, #tpu.memory_space<vmem>>
      %dma_wait3A_231 = tpu.memref_squeeze %dma_wait3A_230 : memref<1x128xi32, #tpu.memory_space<vmem>> -> memref<128xi32, #tpu.memory_space<vmem>>
      %dma_wait3A_232 = tpu.memref_slice %arg3[%add3A_38] : memref<32768xi32, #tpu.memory_space<hbm>> -> memref<128xi32, #tpu.memory_space<hbm>>
      tpu.wait_dma2 semaphore(%run_scoped3A_216 : memref<!tpu.dma_semaphore, #tpu.memory_space<semaphore_mem>>) src(%dma_wait3A_232 : memref<128xi32, #tpu.memory_space<hbm>>) dst(%dma_wait3A_231 : memref<128xi32, #tpu.memory_space<vmem>>)
      tpu.yield
    }) : () -> ()
    %dma_start3A_40 = arith.constant 0 : i32
    %dma_start3A_41 = arith.constant 0 : i32
    %dma_start3A_42 = tpu.memref_slice %arg5[%dma_start3A_40, %dma_start3A_41] : memref<2x128xi32, #tpu.memory_space<vmem>> -> memref<1x128xi32, #tpu.memory_space<vmem>>
    %dma_start3A_43 = tpu.memref_squeeze %dma_start3A_42 : memref<1x128xi32, #tpu.memory_space<vmem>> -> memref<128xi32, #tpu.memory_space<vmem>>
    %dma_start3A_44 = arith.constant 0 : i32
    %dma_start3A_45 = arith.constant 0 : i32
    %dma_start3A_46 = tpu.memref_slice %arg2[%dma_start3A_44, %dma_start3A_45] : memref<8192x256xf32, #tpu.memory_space<hbm>> -> memref<8192x256xf32, #tpu.memory_space<hbm>>
    tpu.enqueue_indirect_dma source(%dma_start3A_46 : memref<8192x256xf32, #tpu.memory_space<hbm>>) target(%arg6 : memref<128x256xf32, #tpu.memory_space<vmem>>) offsets(%dma_start3A_43 : memref<128xi32, #tpu.memory_space<vmem>>) semaphore(%arg8 : memref<!tpu.dma_semaphore, #tpu.memory_space<semaphore_mem>>)
    %dma_wait3A_47 = arith.constant 1 : i32
    %dma_wait3A_48 = arith.constant 0 : i32
    %dma_wait3A_49 = tpu.memref_slice %arg5[%dma_wait3A_47, %dma_wait3A_48] : memref<2x128xi32, #tpu.memory_space<vmem>> -> memref<1x128xi32, #tpu.memory_space<vmem>>
    %dma_wait3A_50 = tpu.memref_squeeze %dma_wait3A_49 : memref<1x128xi32, #tpu.memory_space<vmem>> -> memref<128xi32, #tpu.memory_space<vmem>>
    %dma_wait3A_51 = arith.constant 0 : i32
    %dma_wait3A_52 = arith.constant 0 : i32
    %dma_wait3A_53 = tpu.memref_slice %arg2[%dma_wait3A_51, %dma_wait3A_52] : memref<8192x256xf32, #tpu.memory_space<hbm>> -> memref<8192x256xf32, #tpu.memory_space<hbm>>
    tpu.wait_indirect_dma semaphore(%arg9 : memref<!tpu.dma_semaphore, #tpu.memory_space<semaphore_mem>>) src(%dma_wait3A_53 : memref<8192x256xf32, #tpu.memory_space<hbm>>) dst(%arg7 : memref<128x256xf32, #tpu.memory_space<vmem>>)
    %add3A_54 = arith.constant 128 : i32
    %add3A_55 = arith.addi %mul3A_2, %add3A_54 : i32
    %dma_start3A_56 = arith.constant 0 : i32
    %dma_start3A_57 = tpu.memref_slice %arg4[%add3A_55, %dma_start3A_56] : memref<32768x256xf32, #tpu.memory_space<hbm>> -> memref<128x256xf32, #tpu.memory_space<hbm>>
    %dma_start3A_58 = arith.constant 0 : i32
    %dma_start3A_59 = tpu.memref_slice %arg4[%add3A_55, %dma_start3A_58] : memref<32768x256xf32, #tpu.memory_space<hbm>> -> memref<128x256xf32, #tpu.memory_space<hbm>>
    tpu.enqueue_dma source(%arg7 : memref<128x256xf32, #tpu.memory_space<vmem>>) target(%dma_start3A_59 : memref<128x256xf32, #tpu.memory_space<hbm>>) target_semaphore(%arg11 : memref<!tpu.dma_semaphore, #tpu.memory_space<semaphore_mem>>)
    %dma_wait3A_60 = arith.constant 0 : i32
    %dma_wait3A_61 = tpu.memref_slice %arg4[%add3A_55, %dma_wait3A_60] : memref<32768x256xf32, #tpu.memory_space<hbm>> -> memref<128x256xf32, #tpu.memory_space<hbm>>
    %dma_wait3A_62 = arith.constant 0 : i32
    %dma_wait3A_63 = tpu.memref_slice %arg4[%add3A_55, %dma_wait3A_62] : memref<32768x256xf32, #tpu.memory_space<hbm>> -> memref<128x256xf32, #tpu.memory_space<hbm>>
    tpu.wait_dma2 semaphore(%arg11 : memref<!tpu.dma_semaphore, #tpu.memory_space<semaphore_mem>>) src(%arg7 : memref<128x256xf32, #tpu.memory_space<vmem>>) dst(%dma_wait3A_63 : memref<128x256xf32, #tpu.memory_space<hbm>>)
    %add3A_64 = arith.constant 384 : i32
    %add3A_65 = arith.addi %mul3A_2, %add3A_64 : i32
    %run_scoped3A_66 = arith.constant 1 : i32
    "tpu.region"() ({
      %run_scoped3A_216 = tpu.sem_alloc : memref<!tpu.dma_semaphore, #tpu.memory_space<semaphore_mem>>
      %dma_start3A_217 = arith.constant 0 : i32
      %dma_start3A_218 = tpu.memref_slice %arg5[%run_scoped3A_66, %dma_start3A_217] : memref<2x128xi32, #tpu.memory_space<vmem>> -> memref<1x128xi32, #tpu.memory_space<vmem>>
      %dma_start3A_219 = tpu.memref_squeeze %dma_start3A_218 : memref<1x128xi32, #tpu.memory_space<vmem>> -> memref<128xi32, #tpu.memory_space<vmem>>
      %dma_start3A_220 = tpu.memref_slice %arg3[%add3A_65] : memref<32768xi32, #tpu.memory_space<hbm>> -> memref<128xi32, #tpu.memory_space<hbm>>
      %dma_start3A_221 = arith.constant 0 : i32
      %dma_start3A_222 = tpu.memref_slice %arg5[%run_scoped3A_66, %dma_start3A_221] : memref<2x128xi32, #tpu.memory_space<vmem>> -> memref<1x128xi32, #tpu.memory_space<vmem>>
      %dma_start3A_223 = tpu.memref_squeeze %dma_start3A_222 : memref<1x128xi32, #tpu.memory_space<vmem>> -> memref<128xi32, #tpu.memory_space<vmem>>
      %dma_start3A_224 = tpu.memref_slice %arg3[%add3A_65] : memref<32768xi32, #tpu.memory_space<hbm>> -> memref<128xi32, #tpu.memory_space<hbm>>
      tpu.enqueue_dma source(%dma_start3A_224 : memref<128xi32, #tpu.memory_space<hbm>>) target(%dma_start3A_223 : memref<128xi32, #tpu.memory_space<vmem>>) target_semaphore(%run_scoped3A_216 : memref<!tpu.dma_semaphore, #tpu.memory_space<semaphore_mem>>)
      %dma_wait3A_225 = arith.constant 0 : i32
      %dma_wait3A_226 = tpu.memref_slice %arg5[%run_scoped3A_66, %dma_wait3A_225] : memref<2x128xi32, #tpu.memory_space<vmem>> -> memref<1x128xi32, #tpu.memory_space<vmem>>
      %dma_wait3A_227 = tpu.memref_squeeze %dma_wait3A_226 : memref<1x128xi32, #tpu.memory_space<vmem>> -> memref<128xi32, #tpu.memory_space<vmem>>
      %dma_wait3A_228 = tpu.memref_slice %arg3[%add3A_65] : memref<32768xi32, #tpu.memory_space<hbm>> -> memref<128xi32, #tpu.memory_space<hbm>>
      %dma_wait3A_229 = arith.constant 0 : i32
      %dma_wait3A_230 = tpu.memref_slice %arg5[%run_scoped3A_66, %dma_wait3A_229] : memref<2x128xi32, #tpu.memory_space<vmem>> -> memref<1x128xi32, #tpu.memory_space<vmem>>
      %dma_wait3A_231 = tpu.memref_squeeze %dma_wait3A_230 : memref<1x128xi32, #tpu.memory_space<vmem>> -> memref<128xi32, #tpu.memory_space<vmem>>
      %dma_wait3A_232 = tpu.memref_slice %arg3[%add3A_65] : memref<32768xi32, #tpu.memory_space<hbm>> -> memref<128xi32, #tpu.memory_space<hbm>>
      tpu.wait_dma2 semaphore(%run_scoped3A_216 : memref<!tpu.dma_semaphore, #tpu.memory_space<semaphore_mem>>) src(%dma_wait3A_232 : memref<128xi32, #tpu.memory_space<hbm>>) dst(%dma_wait3A_231 : memref<128xi32, #tpu.memory_space<vmem>>)
      tpu.yield
    }) : () -> ()
    %dma_start3A_67 = arith.constant 1 : i32
    %dma_start3A_68 = arith.constant 0 : i32
    %dma_start3A_69 = tpu.memref_slice %arg5[%dma_start3A_67, %dma_start3A_68] : memref<2x128xi32, #tpu.memory_space<vmem>> -> memref<1x128xi32, #tpu.memory_space<vmem>>
    %dma_start3A_70 = tpu.memref_squeeze %dma_start3A_69 : memref<1x128xi32, #tpu.memory_space<vmem>> -> memref<128xi32, #tpu.memory_space<vmem>>
    %dma_start3A_71 = arith.constant 0 : i32
    %dma_start3A_72 = arith.constant 0 : i32
    %dma_start3A_73 = tpu.memref_slice %arg2[%dma_start3A_71, %dma_start3A_72] : memref<8192x256xf32, #tpu.memory_space<hbm>> -> memref<8192x256xf32, #tpu.memory_space<hbm>>
    tpu.enqueue_indirect_dma source(%dma_start3A_73 : memref<8192x256xf32, #tpu.memory_space<hbm>>) target(%arg7 : memref<128x256xf32, #tpu.memory_space<vmem>>) offsets(%dma_start3A_70 : memref<128xi32, #tpu.memory_space<vmem>>) semaphore(%arg9 : memref<!tpu.dma_semaphore, #tpu.memory_space<semaphore_mem>>)
    %dma_wait3A_74 = arith.constant 0 : i32
    %dma_wait3A_75 = arith.constant 0 : i32
    %dma_wait3A_76 = tpu.memref_slice %arg5[%dma_wait3A_74, %dma_wait3A_75] : memref<2x128xi32, #tpu.memory_space<vmem>> -> memref<1x128xi32, #tpu.memory_space<vmem>>
    %dma_wait3A_77 = tpu.memref_squeeze %dma_wait3A_76 : memref<1x128xi32, #tpu.memory_space<vmem>> -> memref<128xi32, #tpu.memory_space<vmem>>
    %dma_wait3A_78 = arith.constant 0 : i32
    %dma_wait3A_79 = arith.constant 0 : i32
    %dma_wait3A_80 = tpu.memref_slice %arg2[%dma_wait3A_78, %dma_wait3A_79] : memref<8192x256xf32, #tpu.memory_space<hbm>> -> memref<8192x256xf32, #tpu.memory_space<hbm>>
    tpu.wait_indirect_dma semaphore(%arg8 : memref<!tpu.dma_semaphore, #tpu.memory_space<semaphore_mem>>) src(%dma_wait3A_80 : memref<8192x256xf32, #tpu.memory_space<hbm>>) dst(%arg6 : memref<128x256xf32, #tpu.memory_space<vmem>>)
    %add3A_81 = arith.constant 256 : i32
    %add3A_82 = arith.addi %mul3A_2, %add3A_81 : i32
    %dma_start3A_83 = arith.constant 0 : i32
    %dma_start3A_84 = tpu.memref_slice %arg4[%add3A_82, %dma_start3A_83] : memref<32768x256xf32, #tpu.memory_space<hbm>> -> memref<128x256xf32, #tpu.memory_space<hbm>>
    %dma_start3A_85 = arith.constant 0 : i32
    %dma_start3A_86 = tpu.memref_slice %arg4[%add3A_82, %dma_start3A_85] : memref<32768x256xf32, #tpu.memory_space<hbm>> -> memref<128x256xf32, #tpu.memory_space<hbm>>
    tpu.enqueue_dma source(%arg6 : memref<128x256xf32, #tpu.memory_space<vmem>>) target(%dma_start3A_86 : memref<128x256xf32, #tpu.memory_space<hbm>>) target_semaphore(%arg10 : memref<!tpu.dma_semaphore, #tpu.memory_space<semaphore_mem>>)
    %dma_wait3A_87 = arith.constant 0 : i32
    %dma_wait3A_88 = tpu.memref_slice %arg4[%add3A_82, %dma_wait3A_87] : memref<32768x256xf32, #tpu.memory_space<hbm>> -> memref<128x256xf32, #tpu.memory_space<hbm>>
    %dma_wait3A_89 = arith.constant 0 : i32
    %dma_wait3A_90 = tpu.memref_slice %arg4[%add3A_82, %dma_wait3A_89] : memref<32768x256xf32, #tpu.memory_space<hbm>> -> memref<128x256xf32, #tpu.memory_space<hbm>>
    tpu.wait_dma2 semaphore(%arg10 : memref<!tpu.dma_semaphore, #tpu.memory_space<semaphore_mem>>) src(%arg6 : memref<128x256xf32, #tpu.memory_space<vmem>>) dst(%dma_wait3A_90 : memref<128x256xf32, #tpu.memory_space<hbm>>)
    %add3A_91 = arith.constant 512 : i32
    %add3A_92 = arith.addi %mul3A_2, %add3A_91 : i32
    %run_scoped3A_93 = arith.constant 0 : i32
    "tpu.region"() ({
      %run_scoped3A_216 = tpu.sem_alloc : memref<!tpu.dma_semaphore, #tpu.memory_space<semaphore_mem>>
      %dma_start3A_217 = arith.constant 0 : i32
      %dma_start3A_218 = tpu.memref_slice %arg5[%run_scoped3A_93, %dma_start3A_217] : memref<2x128xi32, #tpu.memory_space<vmem>> -> memref<1x128xi32, #tpu.memory_space<vmem>>
      %dma_start3A_219 = tpu.memref_squeeze %dma_start3A_218 : memref<1x128xi32, #tpu.memory_space<vmem>> -> memref<128xi32, #tpu.memory_space<vmem>>
      %dma_start3A_220 = tpu.memref_slice %arg3[%add3A_92] : memref<32768xi32, #tpu.memory_space<hbm>> -> memref<128xi32, #tpu.memory_space<hbm>>
      %dma_start3A_221 = arith.constant 0 : i32
      %dma_start3A_222 = tpu.memref_slice %arg5[%run_scoped3A_93, %dma_start3A_221] : memref<2x128xi32, #tpu.memory_space<vmem>> -> memref<1x128xi32, #tpu.memory_space<vmem>>
      %dma_start3A_223 = tpu.memref_squeeze %dma_start3A_222 : memref<1x128xi32, #tpu.memory_space<vmem>> -> memref<128xi32, #tpu.memory_space<vmem>>
      %dma_start3A_224 = tpu.memref_slice %arg3[%add3A_92] : memref<32768xi32, #tpu.memory_space<hbm>> -> memref<128xi32, #tpu.memory_space<hbm>>
      tpu.enqueue_dma source(%dma_start3A_224 : memref<128xi32, #tpu.memory_space<hbm>>) target(%dma_start3A_223 : memref<128xi32, #tpu.memory_space<vmem>>) target_semaphore(%run_scoped3A_216 : memref<!tpu.dma_semaphore, #tpu.memory_space<semaphore_mem>>)
      %dma_wait3A_225 = arith.constant 0 : i32
      %dma_wait3A_226 = tpu.memref_slice %arg5[%run_scoped3A_93, %dma_wait3A_225] : memref<2x128xi32, #tpu.memory_space<vmem>> -> memref<1x128xi32, #tpu.memory_space<vmem>>
      %dma_wait3A_227 = tpu.memref_squeeze %dma_wait3A_226 : memref<1x128xi32, #tpu.memory_space<vmem>> -> memref<128xi32, #tpu.memory_space<vmem>>
      %dma_wait3A_228 = tpu.memref_slice %arg3[%add3A_92] : memref<32768xi32, #tpu.memory_space<hbm>> -> memref<128xi32, #tpu.memory_space<hbm>>
      %dma_wait3A_229 = arith.constant 0 : i32
      %dma_wait3A_230 = tpu.memref_slice %arg5[%run_scoped3A_93, %dma_wait3A_229] : memref<2x128xi32, #tpu.memory_space<vmem>> -> memref<1x128xi32, #tpu.memory_space<vmem>>
      %dma_wait3A_231 = tpu.memref_squeeze %dma_wait3A_230 : memref<1x128xi32, #tpu.memory_space<vmem>> -> memref<128xi32, #tpu.memory_space<vmem>>
      %dma_wait3A_232 = tpu.memref_slice %arg3[%add3A_92] : memref<32768xi32, #tpu.memory_space<hbm>> -> memref<128xi32, #tpu.memory_space<hbm>>
      tpu.wait_dma2 semaphore(%run_scoped3A_216 : memref<!tpu.dma_semaphore, #tpu.memory_space<semaphore_mem>>) src(%dma_wait3A_232 : memref<128xi32, #tpu.memory_space<hbm>>) dst(%dma_wait3A_231 : memref<128xi32, #tpu.memory_space<vmem>>)
      tpu.yield
    }) : () -> ()
    %dma_start3A_94 = arith.constant 0 : i32
    %dma_start3A_95 = arith.constant 0 : i32
    %dma_start3A_96 = tpu.memref_slice %arg5[%dma_start3A_94, %dma_start3A_95] : memref<2x128xi32, #tpu.memory_space<vmem>> -> memref<1x128xi32, #tpu.memory_space<vmem>>
    %dma_start3A_97 = tpu.memref_squeeze %dma_start3A_96 : memref<1x128xi32, #tpu.memory_space<vmem>> -> memref<128xi32, #tpu.memory_space<vmem>>
    %dma_start3A_98 = arith.constant 0 : i32
    %dma_start3A_99 = arith.constant 0 : i32
    %dma_start3A_100 = tpu.memref_slice %arg2[%dma_start3A_98, %dma_start3A_99] : memref<8192x256xf32, #tpu.memory_space<hbm>> -> memref<8192x256xf32, #tpu.memory_space<hbm>>
    tpu.enqueue_indirect_dma source(%dma_start3A_100 : memref<8192x256xf32, #tpu.memory_space<hbm>>) target(%arg6 : memref<128x256xf32, #tpu.memory_space<vmem>>) offsets(%dma_start3A_97 : memref<128xi32, #tpu.memory_space<vmem>>) semaphore(%arg8 : memref<!tpu.dma_semaphore, #tpu.memory_space<semaphore_mem>>)
    %dma_wait3A_101 = arith.constant 1 : i32
    %dma_wait3A_102 = arith.constant 0 : i32
    %dma_wait3A_103 = tpu.memref_slice %arg5[%dma_wait3A_101, %dma_wait3A_102] : memref<2x128xi32, #tpu.memory_space<vmem>> -> memref<1x128xi32, #tpu.memory_space<vmem>>
    %dma_wait3A_104 = tpu.memref_squeeze %dma_wait3A_103 : memref<1x128xi32, #tpu.memory_space<vmem>> -> memref<128xi32, #tpu.memory_space<vmem>>
    %dma_wait3A_105 = arith.constant 0 : i32
    %dma_wait3A_106 = arith.constant 0 : i32
    %dma_wait3A_107 = tpu.memref_slice %arg2[%dma_wait3A_105, %dma_wait3A_106] : memref<8192x256xf32, #tpu.memory_space<hbm>> -> memref<8192x256xf32, #tpu.memory_space<hbm>>
    tpu.wait_indirect_dma semaphore(%arg9 : memref<!tpu.dma_semaphore, #tpu.memory_space<semaphore_mem>>) src(%dma_wait3A_107 : memref<8192x256xf32, #tpu.memory_space<hbm>>) dst(%arg7 : memref<128x256xf32, #tpu.memory_space<vmem>>)
    %add3A_108 = arith.constant 384 : i32
    %add3A_109 = arith.addi %mul3A_2, %add3A_108 : i32
    %dma_start3A_110 = arith.constant 0 : i32
    %dma_start3A_111 = tpu.memref_slice %arg4[%add3A_109, %dma_start3A_110] : memref<32768x256xf32, #tpu.memory_space<hbm>> -> memref<128x256xf32, #tpu.memory_space<hbm>>
    %dma_start3A_112 = arith.constant 0 : i32
    %dma_start3A_113 = tpu.memref_slice %arg4[%add3A_109, %dma_start3A_112] : memref<32768x256xf32, #tpu.memory_space<hbm>> -> memref<128x256xf32, #tpu.memory_space<hbm>>
    tpu.enqueue_dma source(%arg7 : memref<128x256xf32, #tpu.memory_space<vmem>>) target(%dma_start3A_113 : memref<128x256xf32, #tpu.memory_space<hbm>>) target_semaphore(%arg11 : memref<!tpu.dma_semaphore, #tpu.memory_space<semaphore_mem>>)
    %dma_wait3A_114 = arith.constant 0 : i32
    %dma_wait3A_115 = tpu.memref_slice %arg4[%add3A_109, %dma_wait3A_114] : memref<32768x256xf32, #tpu.memory_space<hbm>> -> memref<128x256xf32, #tpu.memory_space<hbm>>
    %dma_wait3A_116 = arith.constant 0 : i32
    %dma_wait3A_117 = tpu.memref_slice %arg4[%add3A_109, %dma_wait3A_116] : memref<32768x256xf32, #tpu.memory_space<hbm>> -> memref<128x256xf32, #tpu.memory_space<hbm>>
    tpu.wait_dma2 semaphore(%arg11 : memref<!tpu.dma_semaphore, #tpu.memory_space<semaphore_mem>>) src(%arg7 : memref<128x256xf32, #tpu.memory_space<vmem>>) dst(%dma_wait3A_117 : memref<128x256xf32, #tpu.memory_space<hbm>>)
    %add3A_118 = arith.constant 640 : i32
    %add3A_119 = arith.addi %mul3A_2, %add3A_118 : i32
    %run_scoped3A_120 = arith.constant 1 : i32
    "tpu.region"() ({
      %run_scoped3A_216 = tpu.sem_alloc : memref<!tpu.dma_semaphore, #tpu.memory_space<semaphore_mem>>
      %dma_start3A_217 = arith.constant 0 : i32
      %dma_start3A_218 = tpu.memref_slice %arg5[%run_scoped3A_120, %dma_start3A_217] : memref<2x128xi32, #tpu.memory_space<vmem>> -> memref<1x128xi32, #tpu.memory_space<vmem>>
      %dma_start3A_219 = tpu.memref_squeeze %dma_start3A_218 : memref<1x128xi32, #tpu.memory_space<vmem>> -> memref<128xi32, #tpu.memory_space<vmem>>
      %dma_start3A_220 = tpu.memref_slice %arg3[%add3A_119] : memref<32768xi32, #tpu.memory_space<hbm>> -> memref<128xi32, #tpu.memory_space<hbm>>
      %dma_start3A_221 = arith.constant 0 : i32
      %dma_start3A_222 = tpu.memref_slice %arg5[%run_scoped3A_120, %dma_start3A_221] : memref<2x128xi32, #tpu.memory_space<vmem>> -> memref<1x128xi32, #tpu.memory_space<vmem>>
      %dma_start3A_223 = tpu.memref_squeeze %dma_start3A_222 : memref<1x128xi32, #tpu.memory_space<vmem>> -> memref<128xi32, #tpu.memory_space<vmem>>
      %dma_start3A_224 = tpu.memref_slice %arg3[%add3A_119] : memref<32768xi32, #tpu.memory_space<hbm>> -> memref<128xi32, #tpu.memory_space<hbm>>
      tpu.enqueue_dma source(%dma_start3A_224 : memref<128xi32, #tpu.memory_space<hbm>>) target(%dma_start3A_223 : memref<128xi32, #tpu.memory_space<vmem>>) target_semaphore(%run_scoped3A_216 : memref<!tpu.dma_semaphore, #tpu.memory_space<semaphore_mem>>)
      %dma_wait3A_225 = arith.constant 0 : i32
      %dma_wait3A_226 = tpu.memref_slice %arg5[%run_scoped3A_120, %dma_wait3A_225] : memref<2x128xi32, #tpu.memory_space<vmem>> -> memref<1x128xi32, #tpu.memory_space<vmem>>
      %dma_wait3A_227 = tpu.memref_squeeze %dma_wait3A_226 : memref<1x128xi32, #tpu.memory_space<vmem>> -> memref<128xi32, #tpu.memory_space<vmem>>
      %dma_wait3A_228 = tpu.memref_slice %arg3[%add3A_119] : memref<32768xi32, #tpu.memory_space<hbm>> -> memref<128xi32, #tpu.memory_space<hbm>>
      %dma_wait3A_229 = arith.constant 0 : i32
      %dma_wait3A_230 = tpu.memref_slice %arg5[%run_scoped3A_120, %dma_wait3A_229] : memref<2x128xi32, #tpu.memory_space<vmem>> -> memref<1x128xi32, #tpu.memory_space<vmem>>
      %dma_wait3A_231 = tpu.memref_squeeze %dma_wait3A_230 : memref<1x128xi32, #tpu.memory_space<vmem>> -> memref<128xi32, #tpu.memory_space<vmem>>
      %dma_wait3A_232 = tpu.memref_slice %arg3[%add3A_119] : memref<32768xi32, #tpu.memory_space<hbm>> -> memref<128xi32, #tpu.memory_space<hbm>>
      tpu.wait_dma2 semaphore(%run_scoped3A_216 : memref<!tpu.dma_semaphore, #tpu.memory_space<semaphore_mem>>) src(%dma_wait3A_232 : memref<128xi32, #tpu.memory_space<hbm>>) dst(%dma_wait3A_231 : memref<128xi32, #tpu.memory_space<vmem>>)
      tpu.yield
    }) : () -> ()
    %dma_start3A_121 = arith.constant 1 : i32
    %dma_start3A_122 = arith.constant 0 : i32
    %dma_start3A_123 = tpu.memref_slice %arg5[%dma_start3A_121, %dma_start3A_122] : memref<2x128xi32, #tpu.memory_space<vmem>> -> memref<1x128xi32, #tpu.memory_space<vmem>>
    %dma_start3A_124 = tpu.memref_squeeze %dma_start3A_123 : memref<1x128xi32, #tpu.memory_space<vmem>> -> memref<128xi32, #tpu.memory_space<vmem>>
    %dma_start3A_125 = arith.constant 0 : i32
    %dma_start3A_126 = arith.constant 0 : i32
    %dma_start3A_127 = tpu.memref_slice %arg2[%dma_start3A_125, %dma_start3A_126] : memref<8192x256xf32, #tpu.memory_space<hbm>> -> memref<8192x256xf32, #tpu.memory_space<hbm>>
    tpu.enqueue_indirect_dma source(%dma_start3A_127 : memref<8192x256xf32, #tpu.memory_space<hbm>>) target(%arg7 : memref<128x256xf32, #tpu.memory_space<vmem>>) offsets(%dma_start3A_124 : memref<128xi32, #tpu.memory_space<vmem>>) semaphore(%arg9 : memref<!tpu.dma_semaphore, #tpu.memory_space<semaphore_mem>>)
    %dma_wait3A_128 = arith.constant 0 : i32
    %dma_wait3A_129 = arith.constant 0 : i32
    %dma_wait3A_130 = tpu.memref_slice %arg5[%dma_wait3A_128, %dma_wait3A_129] : memref<2x128xi32, #tpu.memory_space<vmem>> -> memref<1x128xi32, #tpu.memory_space<vmem>>
    %dma_wait3A_131 = tpu.memref_squeeze %dma_wait3A_130 : memref<1x128xi32, #tpu.memory_space<vmem>> -> memref<128xi32, #tpu.memory_space<vmem>>
    %dma_wait3A_132 = arith.constant 0 : i32
    %dma_wait3A_133 = arith.constant 0 : i32
    %dma_wait3A_134 = tpu.memref_slice %arg2[%dma_wait3A_132, %dma_wait3A_133] : memref<8192x256xf32, #tpu.memory_space<hbm>> -> memref<8192x256xf32, #tpu.memory_space<hbm>>
    tpu.wait_indirect_dma semaphore(%arg8 : memref<!tpu.dma_semaphore, #tpu.memory_space<semaphore_mem>>) src(%dma_wait3A_134 : memref<8192x256xf32, #tpu.memory_space<hbm>>) dst(%arg6 : memref<128x256xf32, #tpu.memory_space<vmem>>)
    %add3A_135 = arith.constant 512 : i32
    %add3A_136 = arith.addi %mul3A_2, %add3A_135 : i32
    %dma_start3A_137 = arith.constant 0 : i32
    %dma_start3A_138 = tpu.memref_slice %arg4[%add3A_136, %dma_start3A_137] : memref<32768x256xf32, #tpu.memory_space<hbm>> -> memref<128x256xf32, #tpu.memory_space<hbm>>
    %dma_start3A_139 = arith.constant 0 : i32
    %dma_start3A_140 = tpu.memref_slice %arg4[%add3A_136, %dma_start3A_139] : memref<32768x256xf32, #tpu.memory_space<hbm>> -> memref<128x256xf32, #tpu.memory_space<hbm>>
    tpu.enqueue_dma source(%arg6 : memref<128x256xf32, #tpu.memory_space<vmem>>) target(%dma_start3A_140 : memref<128x256xf32, #tpu.memory_space<hbm>>) target_semaphore(%arg10 : memref<!tpu.dma_semaphore, #tpu.memory_space<semaphore_mem>>)
    %dma_wait3A_141 = arith.constant 0 : i32
    %dma_wait3A_142 = tpu.memref_slice %arg4[%add3A_136, %dma_wait3A_141] : memref<32768x256xf32, #tpu.memory_space<hbm>> -> memref<128x256xf32, #tpu.memory_space<hbm>>
    %dma_wait3A_143 = arith.constant 0 : i32
    %dma_wait3A_144 = tpu.memref_slice %arg4[%add3A_136, %dma_wait3A_143] : memref<32768x256xf32, #tpu.memory_space<hbm>> -> memref<128x256xf32, #tpu.memory_space<hbm>>
    tpu.wait_dma2 semaphore(%arg10 : memref<!tpu.dma_semaphore, #tpu.memory_space<semaphore_mem>>) src(%arg6 : memref<128x256xf32, #tpu.memory_space<vmem>>) dst(%dma_wait3A_144 : memref<128x256xf32, #tpu.memory_space<hbm>>)
    %add3A_145 = arith.constant 768 : i32
    %add3A_146 = arith.addi %mul3A_2, %add3A_145 : i32
    %run_scoped3A_147 = arith.constant 0 : i32
    "tpu.region"() ({
      %run_scoped3A_216 = tpu.sem_alloc : memref<!tpu.dma_semaphore, #tpu.memory_space<semaphore_mem>>
      %dma_start3A_217 = arith.constant 0 : i32
      %dma_start3A_218 = tpu.memref_slice %arg5[%run_scoped3A_147, %dma_start3A_217] : memref<2x128xi32, #tpu.memory_space<vmem>> -> memref<1x128xi32, #tpu.memory_space<vmem>>
      %dma_start3A_219 = tpu.memref_squeeze %dma_start3A_218 : memref<1x128xi32, #tpu.memory_space<vmem>> -> memref<128xi32, #tpu.memory_space<vmem>>
      %dma_start3A_220 = tpu.memref_slice %arg3[%add3A_146] : memref<32768xi32, #tpu.memory_space<hbm>> -> memref<128xi32, #tpu.memory_space<hbm>>
      %dma_start3A_221 = arith.constant 0 : i32
      %dma_start3A_222 = tpu.memref_slice %arg5[%run_scoped3A_147, %dma_start3A_221] : memref<2x128xi32, #tpu.memory_space<vmem>> -> memref<1x128xi32, #tpu.memory_space<vmem>>
      %dma_start3A_223 = tpu.memref_squeeze %dma_start3A_222 : memref<1x128xi32, #tpu.memory_space<vmem>> -> memref<128xi32, #tpu.memory_space<vmem>>
      %dma_start3A_224 = tpu.memref_slice %arg3[%add3A_146] : memref<32768xi32, #tpu.memory_space<hbm>> -> memref<128xi32, #tpu.memory_space<hbm>>
      tpu.enqueue_dma source(%dma_start3A_224 : memref<128xi32, #tpu.memory_space<hbm>>) target(%dma_start3A_223 : memref<128xi32, #tpu.memory_space<vmem>>) target_semaphore(%run_scoped3A_216 : memref<!tpu.dma_semaphore, #tpu.memory_space<semaphore_mem>>)
      %dma_wait3A_225 = arith.constant 0 : i32
      %dma_wait3A_226 = tpu.memref_slice %arg5[%run_scoped3A_147, %dma_wait3A_225] : memref<2x128xi32, #tpu.memory_space<vmem>> -> memref<1x128xi32, #tpu.memory_space<vmem>>
      %dma_wait3A_227 = tpu.memref_squeeze %dma_wait3A_226 : memref<1x128xi32, #tpu.memory_space<vmem>> -> memref<128xi32, #tpu.memory_space<vmem>>
      %dma_wait3A_228 = tpu.memref_slice %arg3[%add3A_146] : memref<32768xi32, #tpu.memory_space<hbm>> -> memref<128xi32, #tpu.memory_space<hbm>>
      %dma_wait3A_229 = arith.constant 0 : i32
      %dma_wait3A_230 = tpu.memref_slice %arg5[%run_scoped3A_147, %dma_wait3A_229] : memref<2x128xi32, #tpu.memory_space<vmem>> -> memref<1x128xi32, #tpu.memory_space<vmem>>
      %dma_wait3A_231 = tpu.memref_squeeze %dma_wait3A_230 : memref<1x128xi32, #tpu.memory_space<vmem>> -> memref<128xi32, #tpu.memory_space<vmem>>
      %dma_wait3A_232 = tpu.memref_slice %arg3[%add3A_146] : memref<32768xi32, #tpu.memory_space<hbm>> -> memref<128xi32, #tpu.memory_space<hbm>>
      tpu.wait_dma2 semaphore(%run_scoped3A_216 : memref<!tpu.dma_semaphore, #tpu.memory_space<semaphore_mem>>) src(%dma_wait3A_232 : memref<128xi32, #tpu.memory_space<hbm>>) dst(%dma_wait3A_231 : memref<128xi32, #tpu.memory_space<vmem>>)
      tpu.yield
    }) : () -> ()
    %dma_start3A_148 = arith.constant 0 : i32
    %dma_start3A_149 = arith.constant 0 : i32
    %dma_start3A_150 = tpu.memref_slice %arg5[%dma_start3A_148, %dma_start3A_149] : memref<2x128xi32, #tpu.memory_space<vmem>> -> memref<1x128xi32, #tpu.memory_space<vmem>>
    %dma_start3A_151 = tpu.memref_squeeze %dma_start3A_150 : memref<1x128xi32, #tpu.memory_space<vmem>> -> memref<128xi32, #tpu.memory_space<vmem>>
    %dma_start3A_152 = arith.constant 0 : i32
    %dma_start3A_153 = arith.constant 0 : i32
    %dma_start3A_154 = tpu.memref_slice %arg2[%dma_start3A_152, %dma_start3A_153] : memref<8192x256xf32, #tpu.memory_space<hbm>> -> memref<8192x256xf32, #tpu.memory_space<hbm>>
    tpu.enqueue_indirect_dma source(%dma_start3A_154 : memref<8192x256xf32, #tpu.memory_space<hbm>>) target(%arg6 : memref<128x256xf32, #tpu.memory_space<vmem>>) offsets(%dma_start3A_151 : memref<128xi32, #tpu.memory_space<vmem>>) semaphore(%arg8 : memref<!tpu.dma_semaphore, #tpu.memory_space<semaphore_mem>>)
    %dma_wait3A_155 = arith.constant 1 : i32
    %dma_wait3A_156 = arith.constant 0 : i32
    %dma_wait3A_157 = tpu.memref_slice %arg5[%dma_wait3A_155, %dma_wait3A_156] : memref<2x128xi32, #tpu.memory_space<vmem>> -> memref<1x128xi32, #tpu.memory_space<vmem>>
    %dma_wait3A_158 = tpu.memref_squeeze %dma_wait3A_157 : memref<1x128xi32, #tpu.memory_space<vmem>> -> memref<128xi32, #tpu.memory_space<vmem>>
    %dma_wait3A_159 = arith.constant 0 : i32
    %dma_wait3A_160 = arith.constant 0 : i32
    %dma_wait3A_161 = tpu.memref_slice %arg2[%dma_wait3A_159, %dma_wait3A_160] : memref<8192x256xf32, #tpu.memory_space<hbm>> -> memref<8192x256xf32, #tpu.memory_space<hbm>>
    tpu.wait_indirect_dma semaphore(%arg9 : memref<!tpu.dma_semaphore, #tpu.memory_space<semaphore_mem>>) src(%dma_wait3A_161 : memref<8192x256xf32, #tpu.memory_space<hbm>>) dst(%arg7 : memref<128x256xf32, #tpu.memory_space<vmem>>)
    %add3A_162 = arith.constant 640 : i32
    %add3A_163 = arith.addi %mul3A_2, %add3A_162 : i32
    %dma_start3A_164 = arith.constant 0 : i32
    %dma_start3A_165 = tpu.memref_slice %arg4[%add3A_163, %dma_start3A_164] : memref<32768x256xf32, #tpu.memory_space<hbm>> -> memref<128x256xf32, #tpu.memory_space<hbm>>
    %dma_start3A_166 = arith.constant 0 : i32
    %dma_start3A_167 = tpu.memref_slice %arg4[%add3A_163, %dma_start3A_166] : memref<32768x256xf32, #tpu.memory_space<hbm>> -> memref<128x256xf32, #tpu.memory_space<hbm>>
    tpu.enqueue_dma source(%arg7 : memref<128x256xf32, #tpu.memory_space<vmem>>) target(%dma_start3A_167 : memref<128x256xf32, #tpu.memory_space<hbm>>) target_semaphore(%arg11 : memref<!tpu.dma_semaphore, #tpu.memory_space<semaphore_mem>>)
    %dma_wait3A_168 = arith.constant 0 : i32
    %dma_wait3A_169 = tpu.memref_slice %arg4[%add3A_163, %dma_wait3A_168] : memref<32768x256xf32, #tpu.memory_space<hbm>> -> memref<128x256xf32, #tpu.memory_space<hbm>>
    %dma_wait3A_170 = arith.constant 0 : i32
    %dma_wait3A_171 = tpu.memref_slice %arg4[%add3A_163, %dma_wait3A_170] : memref<32768x256xf32, #tpu.memory_space<hbm>> -> memref<128x256xf32, #tpu.memory_space<hbm>>
    tpu.wait_dma2 semaphore(%arg11 : memref<!tpu.dma_semaphore, #tpu.memory_space<semaphore_mem>>) src(%arg7 : memref<128x256xf32, #tpu.memory_space<vmem>>) dst(%dma_wait3A_171 : memref<128x256xf32, #tpu.memory_space<hbm>>)
    %add3A_172 = arith.constant 896 : i32
    %add3A_173 = arith.addi %mul3A_2, %add3A_172 : i32
    %run_scoped3A_174 = arith.constant 1 : i32
    "tpu.region"() ({
      %run_scoped3A_216 = tpu.sem_alloc : memref<!tpu.dma_semaphore, #tpu.memory_space<semaphore_mem>>
      %dma_start3A_217 = arith.constant 0 : i32
      %dma_start3A_218 = tpu.memref_slice %arg5[%run_scoped3A_174, %dma_start3A_217] : memref<2x128xi32, #tpu.memory_space<vmem>> -> memref<1x128xi32, #tpu.memory_space<vmem>>
      %dma_start3A_219 = tpu.memref_squeeze %dma_start3A_218 : memref<1x128xi32, #tpu.memory_space<vmem>> -> memref<128xi32, #tpu.memory_space<vmem>>
      %dma_start3A_220 = tpu.memref_slice %arg3[%add3A_173] : memref<32768xi32, #tpu.memory_space<hbm>> -> memref<128xi32, #tpu.memory_space<hbm>>
      %dma_start3A_221 = arith.constant 0 : i32
      %dma_start3A_222 = tpu.memref_slice %arg5[%run_scoped3A_174, %dma_start3A_221] : memref<2x128xi32, #tpu.memory_space<vmem>> -> memref<1x128xi32, #tpu.memory_space<vmem>>
      %dma_start3A_223 = tpu.memref_squeeze %dma_start3A_222 : memref<1x128xi32, #tpu.memory_space<vmem>> -> memref<128xi32, #tpu.memory_space<vmem>>
      %dma_start3A_224 = tpu.memref_slice %arg3[%add3A_173] : memref<32768xi32, #tpu.memory_space<hbm>> -> memref<128xi32, #tpu.memory_space<hbm>>
      tpu.enqueue_dma source(%dma_start3A_224 : memref<128xi32, #tpu.memory_space<hbm>>) target(%dma_start3A_223 : memref<128xi32, #tpu.memory_space<vmem>>) target_semaphore(%run_scoped3A_216 : memref<!tpu.dma_semaphore, #tpu.memory_space<semaphore_mem>>)
      %dma_wait3A_225 = arith.constant 0 : i32
      %dma_wait3A_226 = tpu.memref_slice %arg5[%run_scoped3A_174, %dma_wait3A_225] : memref<2x128xi32, #tpu.memory_space<vmem>> -> memref<1x128xi32, #tpu.memory_space<vmem>>
      %dma_wait3A_227 = tpu.memref_squeeze %dma_wait3A_226 : memref<1x128xi32, #tpu.memory_space<vmem>> -> memref<128xi32, #tpu.memory_space<vmem>>
      %dma_wait3A_228 = tpu.memref_slice %arg3[%add3A_173] : memref<32768xi32, #tpu.memory_space<hbm>> -> memref<128xi32, #tpu.memory_space<hbm>>
      %dma_wait3A_229 = arith.constant 0 : i32
      %dma_wait3A_230 = tpu.memref_slice %arg5[%run_scoped3A_174, %dma_wait3A_229] : memref<2x128xi32, #tpu.memory_space<vmem>> -> memref<1x128xi32, #tpu.memory_space<vmem>>
      %dma_wait3A_231 = tpu.memref_squeeze %dma_wait3A_230 : memref<1x128xi32, #tpu.memory_space<vmem>> -> memref<128xi32, #tpu.memory_space<vmem>>
      %dma_wait3A_232 = tpu.memref_slice %arg3[%add3A_173] : memref<32768xi32, #tpu.memory_space<hbm>> -> memref<128xi32, #tpu.memory_space<hbm>>
      tpu.wait_dma2 semaphore(%run_scoped3A_216 : memref<!tpu.dma_semaphore, #tpu.memory_space<semaphore_mem>>) src(%dma_wait3A_232 : memref<128xi32, #tpu.memory_space<hbm>>) dst(%dma_wait3A_231 : memref<128xi32, #tpu.memory_space<vmem>>)
      tpu.yield
    }) : () -> ()
    %dma_start3A_175 = arith.constant 1 : i32
    %dma_start3A_176 = arith.constant 0 : i32
    %dma_start3A_177 = tpu.memref_slice %arg5[%dma_start3A_175, %dma_start3A_176] : memref<2x128xi32, #tpu.memory_space<vmem>> -> memref<1x128xi32, #tpu.memory_space<vmem>>
    %dma_start3A_178 = tpu.memref_squeeze %dma_start3A_177 : memref<1x128xi32, #tpu.memory_space<vmem>> -> memref<128xi32, #tpu.memory_space<vmem>>
    %dma_start3A_179 = arith.constant 0 : i32
    %dma_start3A_180 = arith.constant 0 : i32
    %dma_start3A_181 = tpu.memref_slice %arg2[%dma_start3A_179, %dma_start3A_180] : memref<8192x256xf32, #tpu.memory_space<hbm>> -> memref<8192x256xf32, #tpu.memory_space<hbm>>
    tpu.enqueue_indirect_dma source(%dma_start3A_181 : memref<8192x256xf32, #tpu.memory_space<hbm>>) target(%arg7 : memref<128x256xf32, #tpu.memory_space<vmem>>) offsets(%dma_start3A_178 : memref<128xi32, #tpu.memory_space<vmem>>) semaphore(%arg9 : memref<!tpu.dma_semaphore, #tpu.memory_space<semaphore_mem>>)
    %dma_wait3A_182 = arith.constant 0 : i32
    %dma_wait3A_183 = arith.constant 0 : i32
    %dma_wait3A_184 = tpu.memref_slice %arg5[%dma_wait3A_182, %dma_wait3A_183] : memref<2x128xi32, #tpu.memory_space<vmem>> -> memref<1x128xi32, #tpu.memory_space<vmem>>
    %dma_wait3A_185 = tpu.memref_squeeze %dma_wait3A_184 : memref<1x128xi32, #tpu.memory_space<vmem>> -> memref<128xi32, #tpu.memory_space<vmem>>
    %dma_wait3A_186 = arith.constant 0 : i32
    %dma_wait3A_187 = arith.constant 0 : i32
    %dma_wait3A_188 = tpu.memref_slice %arg2[%dma_wait3A_186, %dma_wait3A_187] : memref<8192x256xf32, #tpu.memory_space<hbm>> -> memref<8192x256xf32, #tpu.memory_space<hbm>>
    tpu.wait_indirect_dma semaphore(%arg8 : memref<!tpu.dma_semaphore, #tpu.memory_space<semaphore_mem>>) src(%dma_wait3A_188 : memref<8192x256xf32, #tpu.memory_space<hbm>>) dst(%arg6 : memref<128x256xf32, #tpu.memory_space<vmem>>)
    %add3A_189 = arith.constant 768 : i32
    %add3A_190 = arith.addi %mul3A_2, %add3A_189 : i32
    %dma_start3A_191 = arith.constant 0 : i32
    %dma_start3A_192 = tpu.memref_slice %arg4[%add3A_190, %dma_start3A_191] : memref<32768x256xf32, #tpu.memory_space<hbm>> -> memref<128x256xf32, #tpu.memory_space<hbm>>
    %dma_start3A_193 = arith.constant 0 : i32
    %dma_start3A_194 = tpu.memref_slice %arg4[%add3A_190, %dma_start3A_193] : memref<32768x256xf32, #tpu.memory_space<hbm>> -> memref<128x256xf32, #tpu.memory_space<hbm>>
    tpu.enqueue_dma source(%arg6 : memref<128x256xf32, #tpu.memory_space<vmem>>) target(%dma_start3A_194 : memref<128x256xf32, #tpu.memory_space<hbm>>) target_semaphore(%arg10 : memref<!tpu.dma_semaphore, #tpu.memory_space<semaphore_mem>>)
    %dma_wait3A_195 = arith.constant 1 : i32
    %dma_wait3A_196 = arith.constant 0 : i32
    %dma_wait3A_197 = tpu.memref_slice %arg5[%dma_wait3A_195, %dma_wait3A_196] : memref<2x128xi32, #tpu.memory_space<vmem>> -> memref<1x128xi32, #tpu.memory_space<vmem>>
    %dma_wait3A_198 = tpu.memref_squeeze %dma_wait3A_197 : memref<1x128xi32, #tpu.memory_space<vmem>> -> memref<128xi32, #tpu.memory_space<vmem>>
    %dma_wait3A_199 = arith.constant 0 : i32
    %dma_wait3A_200 = arith.constant 0 : i32
    %dma_wait3A_201 = tpu.memref_slice %arg2[%dma_wait3A_199, %dma_wait3A_200] : memref<8192x256xf32, #tpu.memory_space<hbm>> -> memref<8192x256xf32, #tpu.memory_space<hbm>>
    tpu.wait_indirect_dma semaphore(%arg9 : memref<!tpu.dma_semaphore, #tpu.memory_space<semaphore_mem>>) src(%dma_wait3A_201 : memref<8192x256xf32, #tpu.memory_space<hbm>>) dst(%arg7 : memref<128x256xf32, #tpu.memory_space<vmem>>)
    %add3A_202 = arith.constant 896 : i32
    %add3A_203 = arith.addi %mul3A_2, %add3A_202 : i32
    %dma_start3A_204 = arith.constant 0 : i32
    %dma_start3A_205 = tpu.memref_slice %arg4[%add3A_203, %dma_start3A_204] : memref<32768x256xf32, #tpu.memory_space<hbm>> -> memref<128x256xf32, #tpu.memory_space<hbm>>
    %dma_start3A_206 = arith.constant 0 : i32
    %dma_start3A_207 = tpu.memref_slice %arg4[%add3A_203, %dma_start3A_206] : memref<32768x256xf32, #tpu.memory_space<hbm>> -> memref<128x256xf32, #tpu.memory_space<hbm>>
    tpu.enqueue_dma source(%arg7 : memref<128x256xf32, #tpu.memory_space<vmem>>) target(%dma_start3A_207 : memref<128x256xf32, #tpu.memory_space<hbm>>) target_semaphore(%arg11 : memref<!tpu.dma_semaphore, #tpu.memory_space<semaphore_mem>>)
    %dma_wait3A_208 = arith.constant 0 : i32
    %dma_wait3A_209 = tpu.memref_slice %arg4[%add3A_190, %dma_wait3A_208] : memref<32768x256xf32, #tpu.memory_space<hbm>> -> memref<128x256xf32, #tpu.memory_space<hbm>>
    %dma_wait3A_210 = arith.constant 0 : i32
    %dma_wait3A_211 = tpu.memref_slice %arg4[%add3A_190, %dma_wait3A_210] : memref<32768x256xf32, #tpu.memory_space<hbm>> -> memref<128x256xf32, #tpu.memory_space<hbm>>
    tpu.wait_dma2 semaphore(%arg10 : memref<!tpu.dma_semaphore, #tpu.memory_space<semaphore_mem>>) src(%arg6 : memref<128x256xf32, #tpu.memory_space<vmem>>) dst(%dma_wait3A_211 : memref<128x256xf32, #tpu.memory_space<hbm>>)
    %dma_wait3A_212 = arith.constant 0 : i32
    %dma_wait3A_213 = tpu.memref_slice %arg4[%add3A_203, %dma_wait3A_212] : memref<32768x256xf32, #tpu.memory_space<hbm>> -> memref<128x256xf32, #tpu.memory_space<hbm>>
    %dma_wait3A_214 = arith.constant 0 : i32
    %dma_wait3A_215 = tpu.memref_slice %arg4[%add3A_203, %dma_wait3A_214] : memref<32768x256xf32, #tpu.memory_space<hbm>> -> memref<128x256xf32, #tpu.memory_space<hbm>>
    tpu.wait_dma2 semaphore(%arg11 : memref<!tpu.dma_semaphore, #tpu.memory_space<semaphore_mem>>) src(%arg7 : memref<128x256xf32, #tpu.memory_space<vmem>>) dst(%dma_wait3A_215 : memref<128x256xf32, #tpu.memory_space<hbm>>)
    return
  }
}

module attributes {stable_mosaic.version = 14 : i64} {
  func.func @_argmin_body(%arg0: i32, %arg1: memref<512x256xf32, #tpu.memory_space<vmem>>, %arg2: memref<8192x256xbf16, #tpu.memory_space<vmem>>, %arg3: memref<512x1xf32, #tpu.memory_space<vmem>>, %arg4: memref<1x8192xf32, #tpu.memory_space<vmem>>, %arg5: memref<512xi32, #tpu.memory_space<vmem>>) attributes {dimension_semantics = [#tpu.dimension_semantics<arbitrary>], iteration_bounds = array<i64: 64>, scalar_prefetch = 0 : i64, scratch_operands = 0 : i64, tpu.core_type = #tpu.core_type<tc>, window_params = [{transform_indices = @transform_0, window_bounds = array<i64: 512, 256>}, {pipeline_mode = #tpu.pipeline_mode<synchronous>, transform_indices = @transform_1, window_bounds = array<i64: 8192, 256>}, {transform_indices = @transform_2, window_bounds = array<i64: 512, 1>}, {pipeline_mode = #tpu.pipeline_mode<synchronous>, transform_indices = @transform_3, window_bounds = array<i64: 1, 8192>}, {transform_indices = @transform_4, window_bounds = array<i64: 512>}]} {
    %get3A = arith.constant 0 : index
    %get3A_0 = arith.constant 0 : index
    %get3A_1 = vector.load %arg1[%get3A, %get3A_0] : memref<512x256xf32, #tpu.memory_space<vmem>>, vector<512x256xf32>
    %convert_element_type3A = arith.truncf %get3A_1 : vector<512x256xf32> to vector<512x256xbf16>
    %get3A_2 = arith.constant 0 : index
    %get3A_3 = arith.constant 0 : index
    %get3A_4 = vector.load %arg3[%get3A_2, %get3A_3] : memref<512x1xf32, #tpu.memory_space<vmem>>, vector<512x1xf32>
    %broadcast_in_dim3A = arith.constant 0x7F800000 : f32
    %broadcast_in_dim3A_5 = vector.broadcast %broadcast_in_dim3A : f32 to vector<512x128xf32>
    %broadcast_in_dim3A_6 = arith.constant 0.000000e+00 : f32
    %broadcast_in_dim3A_7 = vector.broadcast %broadcast_in_dim3A_6 : f32 to vector<512x128xf32>
    %get3A_8 = arith.constant 0 : index
    %get3A_9 = arith.constant 0 : index
    %get3A_10 = vector.load %arg2[%get3A_8, %get3A_9] : memref<8192x256xbf16, #tpu.memory_space<vmem>>, vector<1024x256xbf16>
    %dot_general3A = arith.constant dense<0.000000e+00> : vector<512x1024xf32>
    %dot_general3A_11 = tpu.matmul %convert_element_type3A, %get3A_10, %dot_general3A {dimension_numbers = #tpu.dot_dimension_numbers<[1], [1], [0], [0], [0, 0, 1, 0], [], []>, transpose_lhs_hint = false} : vector<512x256xbf16>, vector<1024x256xbf16>, vector<512x1024xf32> -> vector<512x1024xf32>
    %slice3A = vector.extract_strided_slice %dot_general3A_11 {offsets = [0, 0], sizes = [512, 128], strides = [1, 1]} : vector<512x1024xf32> to vector<512x128xf32>
    %get3A_12 = arith.constant 0 : index
    %get3A_13 = arith.constant 0 : index
    %get3A_14 = vector.load %arg4[%get3A_12, %get3A_13] : memref<1x8192xf32, #tpu.memory_space<vmem>>, vector<1x128xf32>
    %add3A = vector.broadcast %get3A_4 : vector<512x1xf32> to vector<512x128xf32>
    %add3A_15 = vector.broadcast %get3A_14 : vector<1x128xf32> to vector<512x128xf32>
    %add3A_16 = arith.addf %add3A, %add3A_15 : vector<512x128xf32>
    %add3A_17 = arith.addf %slice3A, %add3A_16 : vector<512x128xf32>
    %lt3A = arith.cmpf olt, %add3A_17, %broadcast_in_dim3A_5 : vector<512x128xf32>
    %min3A = arith.minimumf %broadcast_in_dim3A_5, %add3A_17 : vector<512x128xf32>
    %jit3A = arith.constant 0.000000e+00 : f32
    %broadcast_in_dim3A_18 = vector.broadcast %jit3A : f32 to vector<512x128xf32>
    %select_n3A = arith.select %lt3A, %broadcast_in_dim3A_18, %broadcast_in_dim3A_7 : vector<512x128xi1>, vector<512x128xf32>
    %slice3A_19 = vector.extract_strided_slice %dot_general3A_11 {offsets = [0, 128], sizes = [512, 128], strides = [1, 1]} : vector<512x1024xf32> to vector<512x128xf32>
    %get3A_20 = arith.constant 0 : index
    %get3A_21 = arith.constant 128 : index
    %get3A_22 = vector.load %arg4[%get3A_20, %get3A_21] : memref<1x8192xf32, #tpu.memory_space<vmem>>, vector<1x128xf32>
    %add3A_23 = vector.broadcast %get3A_4 : vector<512x1xf32> to vector<512x128xf32>
    %add3A_24 = vector.broadcast %get3A_22 : vector<1x128xf32> to vector<512x128xf32>
    %add3A_25 = arith.addf %add3A_23, %add3A_24 : vector<512x128xf32>
    %add3A_26 = arith.addf %slice3A_19, %add3A_25 : vector<512x128xf32>
    %lt3A_27 = arith.cmpf olt, %add3A_26, %min3A : vector<512x128xf32>
    %min3A_28 = arith.minimumf %min3A, %add3A_26 : vector<512x128xf32>
    %jit3A_29 = arith.constant 1.000000e+00 : f32
    %broadcast_in_dim3A_30 = vector.broadcast %jit3A_29 : f32 to vector<512x128xf32>
    %select_n3A_31 = arith.select %lt3A_27, %broadcast_in_dim3A_30, %select_n3A : vector<512x128xi1>, vector<512x128xf32>
    %slice3A_32 = vector.extract_strided_slice %dot_general3A_11 {offsets = [0, 256], sizes = [512, 128], strides = [1, 1]} : vector<512x1024xf32> to vector<512x128xf32>
    %get3A_33 = arith.constant 0 : index
    %get3A_34 = arith.constant 256 : index
    %get3A_35 = vector.load %arg4[%get3A_33, %get3A_34] : memref<1x8192xf32, #tpu.memory_space<vmem>>, vector<1x128xf32>
    %add3A_36 = vector.broadcast %get3A_4 : vector<512x1xf32> to vector<512x128xf32>
    %add3A_37 = vector.broadcast %get3A_35 : vector<1x128xf32> to vector<512x128xf32>
    %add3A_38 = arith.addf %add3A_36, %add3A_37 : vector<512x128xf32>
    %add3A_39 = arith.addf %slice3A_32, %add3A_38 : vector<512x128xf32>
    %lt3A_40 = arith.cmpf olt, %add3A_39, %min3A_28 : vector<512x128xf32>
    %min3A_41 = arith.minimumf %min3A_28, %add3A_39 : vector<512x128xf32>
    %jit3A_42 = arith.constant 2.000000e+00 : f32
    %broadcast_in_dim3A_43 = vector.broadcast %jit3A_42 : f32 to vector<512x128xf32>
    %select_n3A_44 = arith.select %lt3A_40, %broadcast_in_dim3A_43, %select_n3A_31 : vector<512x128xi1>, vector<512x128xf32>
    %slice3A_45 = vector.extract_strided_slice %dot_general3A_11 {offsets = [0, 384], sizes = [512, 128], strides = [1, 1]} : vector<512x1024xf32> to vector<512x128xf32>
    %get3A_46 = arith.constant 0 : index
    %get3A_47 = arith.constant 384 : index
    %get3A_48 = vector.load %arg4[%get3A_46, %get3A_47] : memref<1x8192xf32, #tpu.memory_space<vmem>>, vector<1x128xf32>
    %add3A_49 = vector.broadcast %get3A_4 : vector<512x1xf32> to vector<512x128xf32>
    %add3A_50 = vector.broadcast %get3A_48 : vector<1x128xf32> to vector<512x128xf32>
    %add3A_51 = arith.addf %add3A_49, %add3A_50 : vector<512x128xf32>
    %add3A_52 = arith.addf %slice3A_45, %add3A_51 : vector<512x128xf32>
    %lt3A_53 = arith.cmpf olt, %add3A_52, %min3A_41 : vector<512x128xf32>
    %min3A_54 = arith.minimumf %min3A_41, %add3A_52 : vector<512x128xf32>
    %jit3A_55 = arith.constant 3.000000e+00 : f32
    %broadcast_in_dim3A_56 = vector.broadcast %jit3A_55 : f32 to vector<512x128xf32>
    %select_n3A_57 = arith.select %lt3A_53, %broadcast_in_dim3A_56, %select_n3A_44 : vector<512x128xi1>, vector<512x128xf32>
    %slice3A_58 = vector.extract_strided_slice %dot_general3A_11 {offsets = [0, 512], sizes = [512, 128], strides = [1, 1]} : vector<512x1024xf32> to vector<512x128xf32>
    %get3A_59 = arith.constant 0 : index
    %get3A_60 = arith.constant 512 : index
    %get3A_61 = vector.load %arg4[%get3A_59, %get3A_60] : memref<1x8192xf32, #tpu.memory_space<vmem>>, vector<1x128xf32>
    %add3A_62 = vector.broadcast %get3A_4 : vector<512x1xf32> to vector<512x128xf32>
    %add3A_63 = vector.broadcast %get3A_61 : vector<1x128xf32> to vector<512x128xf32>
    %add3A_64 = arith.addf %add3A_62, %add3A_63 : vector<512x128xf32>
    %add3A_65 = arith.addf %slice3A_58, %add3A_64 : vector<512x128xf32>
    %lt3A_66 = arith.cmpf olt, %add3A_65, %min3A_54 : vector<512x128xf32>
    %min3A_67 = arith.minimumf %min3A_54, %add3A_65 : vector<512x128xf32>
    %jit3A_68 = arith.constant 4.000000e+00 : f32
    %broadcast_in_dim3A_69 = vector.broadcast %jit3A_68 : f32 to vector<512x128xf32>
    %select_n3A_70 = arith.select %lt3A_66, %broadcast_in_dim3A_69, %select_n3A_57 : vector<512x128xi1>, vector<512x128xf32>
    %slice3A_71 = vector.extract_strided_slice %dot_general3A_11 {offsets = [0, 640], sizes = [512, 128], strides = [1, 1]} : vector<512x1024xf32> to vector<512x128xf32>
    %get3A_72 = arith.constant 0 : index
    %get3A_73 = arith.constant 640 : index
    %get3A_74 = vector.load %arg4[%get3A_72, %get3A_73] : memref<1x8192xf32, #tpu.memory_space<vmem>>, vector<1x128xf32>
    %add3A_75 = vector.broadcast %get3A_4 : vector<512x1xf32> to vector<512x128xf32>
    %add3A_76 = vector.broadcast %get3A_74 : vector<1x128xf32> to vector<512x128xf32>
    %add3A_77 = arith.addf %add3A_75, %add3A_76 : vector<512x128xf32>
    %add3A_78 = arith.addf %slice3A_71, %add3A_77 : vector<512x128xf32>
    %lt3A_79 = arith.cmpf olt, %add3A_78, %min3A_67 : vector<512x128xf32>
    %min3A_80 = arith.minimumf %min3A_67, %add3A_78 : vector<512x128xf32>
    %jit3A_81 = arith.constant 5.000000e+00 : f32
    %broadcast_in_dim3A_82 = vector.broadcast %jit3A_81 : f32 to vector<512x128xf32>
    %select_n3A_83 = arith.select %lt3A_79, %broadcast_in_dim3A_82, %select_n3A_70 : vector<512x128xi1>, vector<512x128xf32>
    %slice3A_84 = vector.extract_strided_slice %dot_general3A_11 {offsets = [0, 768], sizes = [512, 128], strides = [1, 1]} : vector<512x1024xf32> to vector<512x128xf32>
    %get3A_85 = arith.constant 0 : index
    %get3A_86 = arith.constant 768 : index
    %get3A_87 = vector.load %arg4[%get3A_85, %get3A_86] : memref<1x8192xf32, #tpu.memory_space<vmem>>, vector<1x128xf32>
    %add3A_88 = vector.broadcast %get3A_4 : vector<512x1xf32> to vector<512x128xf32>
    %add3A_89 = vector.broadcast %get3A_87 : vector<1x128xf32> to vector<512x128xf32>
    %add3A_90 = arith.addf %add3A_88, %add3A_89 : vector<512x128xf32>
    %add3A_91 = arith.addf %slice3A_84, %add3A_90 : vector<512x128xf32>
    %lt3A_92 = arith.cmpf olt, %add3A_91, %min3A_80 : vector<512x128xf32>
    %min3A_93 = arith.minimumf %min3A_80, %add3A_91 : vector<512x128xf32>
    %jit3A_94 = arith.constant 6.000000e+00 : f32
    %broadcast_in_dim3A_95 = vector.broadcast %jit3A_94 : f32 to vector<512x128xf32>
    %select_n3A_96 = arith.select %lt3A_92, %broadcast_in_dim3A_95, %select_n3A_83 : vector<512x128xi1>, vector<512x128xf32>
    %slice3A_97 = vector.extract_strided_slice %dot_general3A_11 {offsets = [0, 896], sizes = [512, 128], strides = [1, 1]} : vector<512x1024xf32> to vector<512x128xf32>
    %get3A_98 = arith.constant 0 : index
    %get3A_99 = arith.constant 896 : index
    %get3A_100 = vector.load %arg4[%get3A_98, %get3A_99] : memref<1x8192xf32, #tpu.memory_space<vmem>>, vector<1x128xf32>
    %add3A_101 = vector.broadcast %get3A_4 : vector<512x1xf32> to vector<512x128xf32>
    %add3A_102 = vector.broadcast %get3A_100 : vector<1x128xf32> to vector<512x128xf32>
    %add3A_103 = arith.addf %add3A_101, %add3A_102 : vector<512x128xf32>
    %add3A_104 = arith.addf %slice3A_97, %add3A_103 : vector<512x128xf32>
    %lt3A_105 = arith.cmpf olt, %add3A_104, %min3A_93 : vector<512x128xf32>
    %min3A_106 = arith.minimumf %min3A_93, %add3A_104 : vector<512x128xf32>
    %jit3A_107 = arith.constant 7.000000e+00 : f32
    %broadcast_in_dim3A_108 = vector.broadcast %jit3A_107 : f32 to vector<512x128xf32>
    %select_n3A_109 = arith.select %lt3A_105, %broadcast_in_dim3A_108, %select_n3A_96 : vector<512x128xi1>, vector<512x128xf32>
    %get3A_110 = arith.constant 1024 : index
    %get3A_111 = arith.constant 0 : index
    %get3A_112 = vector.load %arg2[%get3A_110, %get3A_111] : memref<8192x256xbf16, #tpu.memory_space<vmem>>, vector<1024x256xbf16>
    %dot_general3A_113 = arith.constant dense<0.000000e+00> : vector<512x1024xf32>
    %dot_general3A_114 = tpu.matmul %convert_element_type3A, %get3A_112, %dot_general3A_113 {dimension_numbers = #tpu.dot_dimension_numbers<[1], [1], [0], [0], [0, 0, 1, 0], [], []>, transpose_lhs_hint = false} : vector<512x256xbf16>, vector<1024x256xbf16>, vector<512x1024xf32> -> vector<512x1024xf32>
    %slice3A_115 = vector.extract_strided_slice %dot_general3A_114 {offsets = [0, 0], sizes = [512, 128], strides = [1, 1]} : vector<512x1024xf32> to vector<512x128xf32>
    %get3A_116 = arith.constant 0 : index
    %get3A_117 = arith.constant 1024 : index
    %get3A_118 = vector.load %arg4[%get3A_116, %get3A_117] : memref<1x8192xf32, #tpu.memory_space<vmem>>, vector<1x128xf32>
    %add3A_119 = vector.broadcast %get3A_4 : vector<512x1xf32> to vector<512x128xf32>
    %add3A_120 = vector.broadcast %get3A_118 : vector<1x128xf32> to vector<512x128xf32>
    %add3A_121 = arith.addf %add3A_119, %add3A_120 : vector<512x128xf32>
    %add3A_122 = arith.addf %slice3A_115, %add3A_121 : vector<512x128xf32>
    %lt3A_123 = arith.cmpf olt, %add3A_122, %min3A_106 : vector<512x128xf32>
    %min3A_124 = arith.minimumf %min3A_106, %add3A_122 : vector<512x128xf32>
    %jit3A_125 = arith.constant 8.000000e+00 : f32
    %broadcast_in_dim3A_126 = vector.broadcast %jit3A_125 : f32 to vector<512x128xf32>
    %select_n3A_127 = arith.select %lt3A_123, %broadcast_in_dim3A_126, %select_n3A_109 : vector<512x128xi1>, vector<512x128xf32>
    %slice3A_128 = vector.extract_strided_slice %dot_general3A_114 {offsets = [0, 128], sizes = [512, 128], strides = [1, 1]} : vector<512x1024xf32> to vector<512x128xf32>
    %get3A_129 = arith.constant 0 : index
    %get3A_130 = arith.constant 1152 : index
    %get3A_131 = vector.load %arg4[%get3A_129, %get3A_130] : memref<1x8192xf32, #tpu.memory_space<vmem>>, vector<1x128xf32>
    %add3A_132 = vector.broadcast %get3A_4 : vector<512x1xf32> to vector<512x128xf32>
    %add3A_133 = vector.broadcast %get3A_131 : vector<1x128xf32> to vector<512x128xf32>
    %add3A_134 = arith.addf %add3A_132, %add3A_133 : vector<512x128xf32>
    %add3A_135 = arith.addf %slice3A_128, %add3A_134 : vector<512x128xf32>
    %lt3A_136 = arith.cmpf olt, %add3A_135, %min3A_124 : vector<512x128xf32>
    %min3A_137 = arith.minimumf %min3A_124, %add3A_135 : vector<512x128xf32>
    %jit3A_138 = arith.constant 9.000000e+00 : f32
    %broadcast_in_dim3A_139 = vector.broadcast %jit3A_138 : f32 to vector<512x128xf32>
    %select_n3A_140 = arith.select %lt3A_136, %broadcast_in_dim3A_139, %select_n3A_127 : vector<512x128xi1>, vector<512x128xf32>
    %slice3A_141 = vector.extract_strided_slice %dot_general3A_114 {offsets = [0, 256], sizes = [512, 128], strides = [1, 1]} : vector<512x1024xf32> to vector<512x128xf32>
    %get3A_142 = arith.constant 0 : index
    %get3A_143 = arith.constant 1280 : index
    %get3A_144 = vector.load %arg4[%get3A_142, %get3A_143] : memref<1x8192xf32, #tpu.memory_space<vmem>>, vector<1x128xf32>
    %add3A_145 = vector.broadcast %get3A_4 : vector<512x1xf32> to vector<512x128xf32>
    %add3A_146 = vector.broadcast %get3A_144 : vector<1x128xf32> to vector<512x128xf32>
    %add3A_147 = arith.addf %add3A_145, %add3A_146 : vector<512x128xf32>
    %add3A_148 = arith.addf %slice3A_141, %add3A_147 : vector<512x128xf32>
    %lt3A_149 = arith.cmpf olt, %add3A_148, %min3A_137 : vector<512x128xf32>
    %min3A_150 = arith.minimumf %min3A_137, %add3A_148 : vector<512x128xf32>
    %jit3A_151 = arith.constant 1.000000e+01 : f32
    %broadcast_in_dim3A_152 = vector.broadcast %jit3A_151 : f32 to vector<512x128xf32>
    %select_n3A_153 = arith.select %lt3A_149, %broadcast_in_dim3A_152, %select_n3A_140 : vector<512x128xi1>, vector<512x128xf32>
    %slice3A_154 = vector.extract_strided_slice %dot_general3A_114 {offsets = [0, 384], sizes = [512, 128], strides = [1, 1]} : vector<512x1024xf32> to vector<512x128xf32>
    %get3A_155 = arith.constant 0 : index
    %get3A_156 = arith.constant 1408 : index
    %get3A_157 = vector.load %arg4[%get3A_155, %get3A_156] : memref<1x8192xf32, #tpu.memory_space<vmem>>, vector<1x128xf32>
    %add3A_158 = vector.broadcast %get3A_4 : vector<512x1xf32> to vector<512x128xf32>
    %add3A_159 = vector.broadcast %get3A_157 : vector<1x128xf32> to vector<512x128xf32>
    %add3A_160 = arith.addf %add3A_158, %add3A_159 : vector<512x128xf32>
    %add3A_161 = arith.addf %slice3A_154, %add3A_160 : vector<512x128xf32>
    %lt3A_162 = arith.cmpf olt, %add3A_161, %min3A_150 : vector<512x128xf32>
    %min3A_163 = arith.minimumf %min3A_150, %add3A_161 : vector<512x128xf32>
    %jit3A_164 = arith.constant 1.100000e+01 : f32
    %broadcast_in_dim3A_165 = vector.broadcast %jit3A_164 : f32 to vector<512x128xf32>
    %select_n3A_166 = arith.select %lt3A_162, %broadcast_in_dim3A_165, %select_n3A_153 : vector<512x128xi1>, vector<512x128xf32>
    %slice3A_167 = vector.extract_strided_slice %dot_general3A_114 {offsets = [0, 512], sizes = [512, 128], strides = [1, 1]} : vector<512x1024xf32> to vector<512x128xf32>
    %get3A_168 = arith.constant 0 : index
    %get3A_169 = arith.constant 1536 : index
    %get3A_170 = vector.load %arg4[%get3A_168, %get3A_169] : memref<1x8192xf32, #tpu.memory_space<vmem>>, vector<1x128xf32>
    %add3A_171 = vector.broadcast %get3A_4 : vector<512x1xf32> to vector<512x128xf32>
    %add3A_172 = vector.broadcast %get3A_170 : vector<1x128xf32> to vector<512x128xf32>
    %add3A_173 = arith.addf %add3A_171, %add3A_172 : vector<512x128xf32>
    %add3A_174 = arith.addf %slice3A_167, %add3A_173 : vector<512x128xf32>
    %lt3A_175 = arith.cmpf olt, %add3A_174, %min3A_163 : vector<512x128xf32>
    %min3A_176 = arith.minimumf %min3A_163, %add3A_174 : vector<512x128xf32>
    %jit3A_177 = arith.constant 1.200000e+01 : f32
    %broadcast_in_dim3A_178 = vector.broadcast %jit3A_177 : f32 to vector<512x128xf32>
    %select_n3A_179 = arith.select %lt3A_175, %broadcast_in_dim3A_178, %select_n3A_166 : vector<512x128xi1>, vector<512x128xf32>
    %slice3A_180 = vector.extract_strided_slice %dot_general3A_114 {offsets = [0, 640], sizes = [512, 128], strides = [1, 1]} : vector<512x1024xf32> to vector<512x128xf32>
    %get3A_181 = arith.constant 0 : index
    %get3A_182 = arith.constant 1664 : index
    %get3A_183 = vector.load %arg4[%get3A_181, %get3A_182] : memref<1x8192xf32, #tpu.memory_space<vmem>>, vector<1x128xf32>
    %add3A_184 = vector.broadcast %get3A_4 : vector<512x1xf32> to vector<512x128xf32>
    %add3A_185 = vector.broadcast %get3A_183 : vector<1x128xf32> to vector<512x128xf32>
    %add3A_186 = arith.addf %add3A_184, %add3A_185 : vector<512x128xf32>
    %add3A_187 = arith.addf %slice3A_180, %add3A_186 : vector<512x128xf32>
    %lt3A_188 = arith.cmpf olt, %add3A_187, %min3A_176 : vector<512x128xf32>
    %min3A_189 = arith.minimumf %min3A_176, %add3A_187 : vector<512x128xf32>
    %jit3A_190 = arith.constant 1.300000e+01 : f32
    %broadcast_in_dim3A_191 = vector.broadcast %jit3A_190 : f32 to vector<512x128xf32>
    %select_n3A_192 = arith.select %lt3A_188, %broadcast_in_dim3A_191, %select_n3A_179 : vector<512x128xi1>, vector<512x128xf32>
    %slice3A_193 = vector.extract_strided_slice %dot_general3A_114 {offsets = [0, 768], sizes = [512, 128], strides = [1, 1]} : vector<512x1024xf32> to vector<512x128xf32>
    %get3A_194 = arith.constant 0 : index
    %get3A_195 = arith.constant 1792 : index
    %get3A_196 = vector.load %arg4[%get3A_194, %get3A_195] : memref<1x8192xf32, #tpu.memory_space<vmem>>, vector<1x128xf32>
    %add3A_197 = vector.broadcast %get3A_4 : vector<512x1xf32> to vector<512x128xf32>
    %add3A_198 = vector.broadcast %get3A_196 : vector<1x128xf32> to vector<512x128xf32>
    %add3A_199 = arith.addf %add3A_197, %add3A_198 : vector<512x128xf32>
    %add3A_200 = arith.addf %slice3A_193, %add3A_199 : vector<512x128xf32>
    %lt3A_201 = arith.cmpf olt, %add3A_200, %min3A_189 : vector<512x128xf32>
    %min3A_202 = arith.minimumf %min3A_189, %add3A_200 : vector<512x128xf32>
    %jit3A_203 = arith.constant 1.400000e+01 : f32
    %broadcast_in_dim3A_204 = vector.broadcast %jit3A_203 : f32 to vector<512x128xf32>
    %select_n3A_205 = arith.select %lt3A_201, %broadcast_in_dim3A_204, %select_n3A_192 : vector<512x128xi1>, vector<512x128xf32>
    %slice3A_206 = vector.extract_strided_slice %dot_general3A_114 {offsets = [0, 896], sizes = [512, 128], strides = [1, 1]} : vector<512x1024xf32> to vector<512x128xf32>
    %get3A_207 = arith.constant 0 : index
    %get3A_208 = arith.constant 1920 : index
    %get3A_209 = vector.load %arg4[%get3A_207, %get3A_208] : memref<1x8192xf32, #tpu.memory_space<vmem>>, vector<1x128xf32>
    %add3A_210 = vector.broadcast %get3A_4 : vector<512x1xf32> to vector<512x128xf32>
    %add3A_211 = vector.broadcast %get3A_209 : vector<1x128xf32> to vector<512x128xf32>
    %add3A_212 = arith.addf %add3A_210, %add3A_211 : vector<512x128xf32>
    %add3A_213 = arith.addf %slice3A_206, %add3A_212 : vector<512x128xf32>
    %lt3A_214 = arith.cmpf olt, %add3A_213, %min3A_202 : vector<512x128xf32>
    %min3A_215 = arith.minimumf %min3A_202, %add3A_213 : vector<512x128xf32>
    %jit3A_216 = arith.constant 1.500000e+01 : f32
    %broadcast_in_dim3A_217 = vector.broadcast %jit3A_216 : f32 to vector<512x128xf32>
    %select_n3A_218 = arith.select %lt3A_214, %broadcast_in_dim3A_217, %select_n3A_205 : vector<512x128xi1>, vector<512x128xf32>
    %get3A_219 = arith.constant 2048 : index
    %get3A_220 = arith.constant 0 : index
    %get3A_221 = vector.load %arg2[%get3A_219, %get3A_220] : memref<8192x256xbf16, #tpu.memory_space<vmem>>, vector<1024x256xbf16>
    %dot_general3A_222 = arith.constant dense<0.000000e+00> : vector<512x1024xf32>
    %dot_general3A_223 = tpu.matmul %convert_element_type3A, %get3A_221, %dot_general3A_222 {dimension_numbers = #tpu.dot_dimension_numbers<[1], [1], [0], [0], [0, 0, 1, 0], [], []>, transpose_lhs_hint = false} : vector<512x256xbf16>, vector<1024x256xbf16>, vector<512x1024xf32> -> vector<512x1024xf32>
    %slice3A_224 = vector.extract_strided_slice %dot_general3A_223 {offsets = [0, 0], sizes = [512, 128], strides = [1, 1]} : vector<512x1024xf32> to vector<512x128xf32>
    %get3A_225 = arith.constant 0 : index
    %get3A_226 = arith.constant 2048 : index
    %get3A_227 = vector.load %arg4[%get3A_225, %get3A_226] : memref<1x8192xf32, #tpu.memory_space<vmem>>, vector<1x128xf32>
    %add3A_228 = vector.broadcast %get3A_4 : vector<512x1xf32> to vector<512x128xf32>
    %add3A_229 = vector.broadcast %get3A_227 : vector<1x128xf32> to vector<512x128xf32>
    %add3A_230 = arith.addf %add3A_228, %add3A_229 : vector<512x128xf32>
    %add3A_231 = arith.addf %slice3A_224, %add3A_230 : vector<512x128xf32>
    %lt3A_232 = arith.cmpf olt, %add3A_231, %min3A_215 : vector<512x128xf32>
    %min3A_233 = arith.minimumf %min3A_215, %add3A_231 : vector<512x128xf32>
    %jit3A_234 = arith.constant 1.600000e+01 : f32
    %broadcast_in_dim3A_235 = vector.broadcast %jit3A_234 : f32 to vector<512x128xf32>
    %select_n3A_236 = arith.select %lt3A_232, %broadcast_in_dim3A_235, %select_n3A_218 : vector<512x128xi1>, vector<512x128xf32>
    %slice3A_237 = vector.extract_strided_slice %dot_general3A_223 {offsets = [0, 128], sizes = [512, 128], strides = [1, 1]} : vector<512x1024xf32> to vector<512x128xf32>
    %get3A_238 = arith.constant 0 : index
    %get3A_239 = arith.constant 2176 : index
    %get3A_240 = vector.load %arg4[%get3A_238, %get3A_239] : memref<1x8192xf32, #tpu.memory_space<vmem>>, vector<1x128xf32>
    %add3A_241 = vector.broadcast %get3A_4 : vector<512x1xf32> to vector<512x128xf32>
    %add3A_242 = vector.broadcast %get3A_240 : vector<1x128xf32> to vector<512x128xf32>
    %add3A_243 = arith.addf %add3A_241, %add3A_242 : vector<512x128xf32>
    %add3A_244 = arith.addf %slice3A_237, %add3A_243 : vector<512x128xf32>
    %lt3A_245 = arith.cmpf olt, %add3A_244, %min3A_233 : vector<512x128xf32>
    %min3A_246 = arith.minimumf %min3A_233, %add3A_244 : vector<512x128xf32>
    %jit3A_247 = arith.constant 1.700000e+01 : f32
    %broadcast_in_dim3A_248 = vector.broadcast %jit3A_247 : f32 to vector<512x128xf32>
    %select_n3A_249 = arith.select %lt3A_245, %broadcast_in_dim3A_248, %select_n3A_236 : vector<512x128xi1>, vector<512x128xf32>
    %slice3A_250 = vector.extract_strided_slice %dot_general3A_223 {offsets = [0, 256], sizes = [512, 128], strides = [1, 1]} : vector<512x1024xf32> to vector<512x128xf32>
    %get3A_251 = arith.constant 0 : index
    %get3A_252 = arith.constant 2304 : index
    %get3A_253 = vector.load %arg4[%get3A_251, %get3A_252] : memref<1x8192xf32, #tpu.memory_space<vmem>>, vector<1x128xf32>
    %add3A_254 = vector.broadcast %get3A_4 : vector<512x1xf32> to vector<512x128xf32>
    %add3A_255 = vector.broadcast %get3A_253 : vector<1x128xf32> to vector<512x128xf32>
    %add3A_256 = arith.addf %add3A_254, %add3A_255 : vector<512x128xf32>
    %add3A_257 = arith.addf %slice3A_250, %add3A_256 : vector<512x128xf32>
    %lt3A_258 = arith.cmpf olt, %add3A_257, %min3A_246 : vector<512x128xf32>
    %min3A_259 = arith.minimumf %min3A_246, %add3A_257 : vector<512x128xf32>
    %jit3A_260 = arith.constant 1.800000e+01 : f32
    %broadcast_in_dim3A_261 = vector.broadcast %jit3A_260 : f32 to vector<512x128xf32>
    %select_n3A_262 = arith.select %lt3A_258, %broadcast_in_dim3A_261, %select_n3A_249 : vector<512x128xi1>, vector<512x128xf32>
    %slice3A_263 = vector.extract_strided_slice %dot_general3A_223 {offsets = [0, 384], sizes = [512, 128], strides = [1, 1]} : vector<512x1024xf32> to vector<512x128xf32>
    %get3A_264 = arith.constant 0 : index
    %get3A_265 = arith.constant 2432 : index
    %get3A_266 = vector.load %arg4[%get3A_264, %get3A_265] : memref<1x8192xf32, #tpu.memory_space<vmem>>, vector<1x128xf32>
    %add3A_267 = vector.broadcast %get3A_4 : vector<512x1xf32> to vector<512x128xf32>
    %add3A_268 = vector.broadcast %get3A_266 : vector<1x128xf32> to vector<512x128xf32>
    %add3A_269 = arith.addf %add3A_267, %add3A_268 : vector<512x128xf32>
    %add3A_270 = arith.addf %slice3A_263, %add3A_269 : vector<512x128xf32>
    %lt3A_271 = arith.cmpf olt, %add3A_270, %min3A_259 : vector<512x128xf32>
    %min3A_272 = arith.minimumf %min3A_259, %add3A_270 : vector<512x128xf32>
    %jit3A_273 = arith.constant 1.900000e+01 : f32
    %broadcast_in_dim3A_274 = vector.broadcast %jit3A_273 : f32 to vector<512x128xf32>
    %select_n3A_275 = arith.select %lt3A_271, %broadcast_in_dim3A_274, %select_n3A_262 : vector<512x128xi1>, vector<512x128xf32>
    %slice3A_276 = vector.extract_strided_slice %dot_general3A_223 {offsets = [0, 512], sizes = [512, 128], strides = [1, 1]} : vector<512x1024xf32> to vector<512x128xf32>
    %get3A_277 = arith.constant 0 : index
    %get3A_278 = arith.constant 2560 : index
    %get3A_279 = vector.load %arg4[%get3A_277, %get3A_278] : memref<1x8192xf32, #tpu.memory_space<vmem>>, vector<1x128xf32>
    %add3A_280 = vector.broadcast %get3A_4 : vector<512x1xf32> to vector<512x128xf32>
    %add3A_281 = vector.broadcast %get3A_279 : vector<1x128xf32> to vector<512x128xf32>
    %add3A_282 = arith.addf %add3A_280, %add3A_281 : vector<512x128xf32>
    %add3A_283 = arith.addf %slice3A_276, %add3A_282 : vector<512x128xf32>
    %lt3A_284 = arith.cmpf olt, %add3A_283, %min3A_272 : vector<512x128xf32>
    %min3A_285 = arith.minimumf %min3A_272, %add3A_283 : vector<512x128xf32>
    %jit3A_286 = arith.constant 2.000000e+01 : f32
    %broadcast_in_dim3A_287 = vector.broadcast %jit3A_286 : f32 to vector<512x128xf32>
    %select_n3A_288 = arith.select %lt3A_284, %broadcast_in_dim3A_287, %select_n3A_275 : vector<512x128xi1>, vector<512x128xf32>
    %slice3A_289 = vector.extract_strided_slice %dot_general3A_223 {offsets = [0, 640], sizes = [512, 128], strides = [1, 1]} : vector<512x1024xf32> to vector<512x128xf32>
    %get3A_290 = arith.constant 0 : index
    %get3A_291 = arith.constant 2688 : index
    %get3A_292 = vector.load %arg4[%get3A_290, %get3A_291] : memref<1x8192xf32, #tpu.memory_space<vmem>>, vector<1x128xf32>
    %add3A_293 = vector.broadcast %get3A_4 : vector<512x1xf32> to vector<512x128xf32>
    %add3A_294 = vector.broadcast %get3A_292 : vector<1x128xf32> to vector<512x128xf32>
    %add3A_295 = arith.addf %add3A_293, %add3A_294 : vector<512x128xf32>
    %add3A_296 = arith.addf %slice3A_289, %add3A_295 : vector<512x128xf32>
    %lt3A_297 = arith.cmpf olt, %add3A_296, %min3A_285 : vector<512x128xf32>
    %min3A_298 = arith.minimumf %min3A_285, %add3A_296 : vector<512x128xf32>
    %jit3A_299 = arith.constant 2.100000e+01 : f32
    %broadcast_in_dim3A_300 = vector.broadcast %jit3A_299 : f32 to vector<512x128xf32>
    %select_n3A_301 = arith.select %lt3A_297, %broadcast_in_dim3A_300, %select_n3A_288 : vector<512x128xi1>, vector<512x128xf32>
    %slice3A_302 = vector.extract_strided_slice %dot_general3A_223 {offsets = [0, 768], sizes = [512, 128], strides = [1, 1]} : vector<512x1024xf32> to vector<512x128xf32>
    %get3A_303 = arith.constant 0 : index
    %get3A_304 = arith.constant 2816 : index
    %get3A_305 = vector.load %arg4[%get3A_303, %get3A_304] : memref<1x8192xf32, #tpu.memory_space<vmem>>, vector<1x128xf32>
    %add3A_306 = vector.broadcast %get3A_4 : vector<512x1xf32> to vector<512x128xf32>
    %add3A_307 = vector.broadcast %get3A_305 : vector<1x128xf32> to vector<512x128xf32>
    %add3A_308 = arith.addf %add3A_306, %add3A_307 : vector<512x128xf32>
    %add3A_309 = arith.addf %slice3A_302, %add3A_308 : vector<512x128xf32>
    %lt3A_310 = arith.cmpf olt, %add3A_309, %min3A_298 : vector<512x128xf32>
    %min3A_311 = arith.minimumf %min3A_298, %add3A_309 : vector<512x128xf32>
    %jit3A_312 = arith.constant 2.200000e+01 : f32
    %broadcast_in_dim3A_313 = vector.broadcast %jit3A_312 : f32 to vector<512x128xf32>
    %select_n3A_314 = arith.select %lt3A_310, %broadcast_in_dim3A_313, %select_n3A_301 : vector<512x128xi1>, vector<512x128xf32>
    %slice3A_315 = vector.extract_strided_slice %dot_general3A_223 {offsets = [0, 896], sizes = [512, 128], strides = [1, 1]} : vector<512x1024xf32> to vector<512x128xf32>
    %get3A_316 = arith.constant 0 : index
    %get3A_317 = arith.constant 2944 : index
    %get3A_318 = vector.load %arg4[%get3A_316, %get3A_317] : memref<1x8192xf32, #tpu.memory_space<vmem>>, vector<1x128xf32>
    %add3A_319 = vector.broadcast %get3A_4 : vector<512x1xf32> to vector<512x128xf32>
    %add3A_320 = vector.broadcast %get3A_318 : vector<1x128xf32> to vector<512x128xf32>
    %add3A_321 = arith.addf %add3A_319, %add3A_320 : vector<512x128xf32>
    %add3A_322 = arith.addf %slice3A_315, %add3A_321 : vector<512x128xf32>
    %lt3A_323 = arith.cmpf olt, %add3A_322, %min3A_311 : vector<512x128xf32>
    %min3A_324 = arith.minimumf %min3A_311, %add3A_322 : vector<512x128xf32>
    %jit3A_325 = arith.constant 2.300000e+01 : f32
    %broadcast_in_dim3A_326 = vector.broadcast %jit3A_325 : f32 to vector<512x128xf32>
    %select_n3A_327 = arith.select %lt3A_323, %broadcast_in_dim3A_326, %select_n3A_314 : vector<512x128xi1>, vector<512x128xf32>
    %get3A_328 = arith.constant 3072 : index
    %get3A_329 = arith.constant 0 : index
    %get3A_330 = vector.load %arg2[%get3A_328, %get3A_329] : memref<8192x256xbf16, #tpu.memory_space<vmem>>, vector<1024x256xbf16>
    %dot_general3A_331 = arith.constant dense<0.000000e+00> : vector<512x1024xf32>
    %dot_general3A_332 = tpu.matmul %convert_element_type3A, %get3A_330, %dot_general3A_331 {dimension_numbers = #tpu.dot_dimension_numbers<[1], [1], [0], [0], [0, 0, 1, 0], [], []>, transpose_lhs_hint = false} : vector<512x256xbf16>, vector<1024x256xbf16>, vector<512x1024xf32> -> vector<512x1024xf32>
    %slice3A_333 = vector.extract_strided_slice %dot_general3A_332 {offsets = [0, 0], sizes = [512, 128], strides = [1, 1]} : vector<512x1024xf32> to vector<512x128xf32>
    %get3A_334 = arith.constant 0 : index
    %get3A_335 = arith.constant 3072 : index
    %get3A_336 = vector.load %arg4[%get3A_334, %get3A_335] : memref<1x8192xf32, #tpu.memory_space<vmem>>, vector<1x128xf32>
    %add3A_337 = vector.broadcast %get3A_4 : vector<512x1xf32> to vector<512x128xf32>
    %add3A_338 = vector.broadcast %get3A_336 : vector<1x128xf32> to vector<512x128xf32>
    %add3A_339 = arith.addf %add3A_337, %add3A_338 : vector<512x128xf32>
    %add3A_340 = arith.addf %slice3A_333, %add3A_339 : vector<512x128xf32>
    %lt3A_341 = arith.cmpf olt, %add3A_340, %min3A_324 : vector<512x128xf32>
    %min3A_342 = arith.minimumf %min3A_324, %add3A_340 : vector<512x128xf32>
    %jit3A_343 = arith.constant 2.400000e+01 : f32
    %broadcast_in_dim3A_344 = vector.broadcast %jit3A_343 : f32 to vector<512x128xf32>
    %select_n3A_345 = arith.select %lt3A_341, %broadcast_in_dim3A_344, %select_n3A_327 : vector<512x128xi1>, vector<512x128xf32>
    %slice3A_346 = vector.extract_strided_slice %dot_general3A_332 {offsets = [0, 128], sizes = [512, 128], strides = [1, 1]} : vector<512x1024xf32> to vector<512x128xf32>
    %get3A_347 = arith.constant 0 : index
    %get3A_348 = arith.constant 3200 : index
    %get3A_349 = vector.load %arg4[%get3A_347, %get3A_348] : memref<1x8192xf32, #tpu.memory_space<vmem>>, vector<1x128xf32>
    %add3A_350 = vector.broadcast %get3A_4 : vector<512x1xf32> to vector<512x128xf32>
    %add3A_351 = vector.broadcast %get3A_349 : vector<1x128xf32> to vector<512x128xf32>
    %add3A_352 = arith.addf %add3A_350, %add3A_351 : vector<512x128xf32>
    %add3A_353 = arith.addf %slice3A_346, %add3A_352 : vector<512x128xf32>
    %lt3A_354 = arith.cmpf olt, %add3A_353, %min3A_342 : vector<512x128xf32>
    %min3A_355 = arith.minimumf %min3A_342, %add3A_353 : vector<512x128xf32>
    %jit3A_356 = arith.constant 2.500000e+01 : f32
    %broadcast_in_dim3A_357 = vector.broadcast %jit3A_356 : f32 to vector<512x128xf32>
    %select_n3A_358 = arith.select %lt3A_354, %broadcast_in_dim3A_357, %select_n3A_345 : vector<512x128xi1>, vector<512x128xf32>
    %slice3A_359 = vector.extract_strided_slice %dot_general3A_332 {offsets = [0, 256], sizes = [512, 128], strides = [1, 1]} : vector<512x1024xf32> to vector<512x128xf32>
    %get3A_360 = arith.constant 0 : index
    %get3A_361 = arith.constant 3328 : index
    %get3A_362 = vector.load %arg4[%get3A_360, %get3A_361] : memref<1x8192xf32, #tpu.memory_space<vmem>>, vector<1x128xf32>
    %add3A_363 = vector.broadcast %get3A_4 : vector<512x1xf32> to vector<512x128xf32>
    %add3A_364 = vector.broadcast %get3A_362 : vector<1x128xf32> to vector<512x128xf32>
    %add3A_365 = arith.addf %add3A_363, %add3A_364 : vector<512x128xf32>
    %add3A_366 = arith.addf %slice3A_359, %add3A_365 : vector<512x128xf32>
    %lt3A_367 = arith.cmpf olt, %add3A_366, %min3A_355 : vector<512x128xf32>
    %min3A_368 = arith.minimumf %min3A_355, %add3A_366 : vector<512x128xf32>
    %jit3A_369 = arith.constant 2.600000e+01 : f32
    %broadcast_in_dim3A_370 = vector.broadcast %jit3A_369 : f32 to vector<512x128xf32>
    %select_n3A_371 = arith.select %lt3A_367, %broadcast_in_dim3A_370, %select_n3A_358 : vector<512x128xi1>, vector<512x128xf32>
    %slice3A_372 = vector.extract_strided_slice %dot_general3A_332 {offsets = [0, 384], sizes = [512, 128], strides = [1, 1]} : vector<512x1024xf32> to vector<512x128xf32>
    %get3A_373 = arith.constant 0 : index
    %get3A_374 = arith.constant 3456 : index
    %get3A_375 = vector.load %arg4[%get3A_373, %get3A_374] : memref<1x8192xf32, #tpu.memory_space<vmem>>, vector<1x128xf32>
    %add3A_376 = vector.broadcast %get3A_4 : vector<512x1xf32> to vector<512x128xf32>
    %add3A_377 = vector.broadcast %get3A_375 : vector<1x128xf32> to vector<512x128xf32>
    %add3A_378 = arith.addf %add3A_376, %add3A_377 : vector<512x128xf32>
    %add3A_379 = arith.addf %slice3A_372, %add3A_378 : vector<512x128xf32>
    %lt3A_380 = arith.cmpf olt, %add3A_379, %min3A_368 : vector<512x128xf32>
    %min3A_381 = arith.minimumf %min3A_368, %add3A_379 : vector<512x128xf32>
    %jit3A_382 = arith.constant 2.700000e+01 : f32
    %broadcast_in_dim3A_383 = vector.broadcast %jit3A_382 : f32 to vector<512x128xf32>
    %select_n3A_384 = arith.select %lt3A_380, %broadcast_in_dim3A_383, %select_n3A_371 : vector<512x128xi1>, vector<512x128xf32>
    %slice3A_385 = vector.extract_strided_slice %dot_general3A_332 {offsets = [0, 512], sizes = [512, 128], strides = [1, 1]} : vector<512x1024xf32> to vector<512x128xf32>
    %get3A_386 = arith.constant 0 : index
    %get3A_387 = arith.constant 3584 : index
    %get3A_388 = vector.load %arg4[%get3A_386, %get3A_387] : memref<1x8192xf32, #tpu.memory_space<vmem>>, vector<1x128xf32>
    %add3A_389 = vector.broadcast %get3A_4 : vector<512x1xf32> to vector<512x128xf32>
    %add3A_390 = vector.broadcast %get3A_388 : vector<1x128xf32> to vector<512x128xf32>
    %add3A_391 = arith.addf %add3A_389, %add3A_390 : vector<512x128xf32>
    %add3A_392 = arith.addf %slice3A_385, %add3A_391 : vector<512x128xf32>
    %lt3A_393 = arith.cmpf olt, %add3A_392, %min3A_381 : vector<512x128xf32>
    %min3A_394 = arith.minimumf %min3A_381, %add3A_392 : vector<512x128xf32>
    %jit3A_395 = arith.constant 2.800000e+01 : f32
    %broadcast_in_dim3A_396 = vector.broadcast %jit3A_395 : f32 to vector<512x128xf32>
    %select_n3A_397 = arith.select %lt3A_393, %broadcast_in_dim3A_396, %select_n3A_384 : vector<512x128xi1>, vector<512x128xf32>
    %slice3A_398 = vector.extract_strided_slice %dot_general3A_332 {offsets = [0, 640], sizes = [512, 128], strides = [1, 1]} : vector<512x1024xf32> to vector<512x128xf32>
    %get3A_399 = arith.constant 0 : index
    %get3A_400 = arith.constant 3712 : index
    %get3A_401 = vector.load %arg4[%get3A_399, %get3A_400] : memref<1x8192xf32, #tpu.memory_space<vmem>>, vector<1x128xf32>
    %add3A_402 = vector.broadcast %get3A_4 : vector<512x1xf32> to vector<512x128xf32>
    %add3A_403 = vector.broadcast %get3A_401 : vector<1x128xf32> to vector<512x128xf32>
    %add3A_404 = arith.addf %add3A_402, %add3A_403 : vector<512x128xf32>
    %add3A_405 = arith.addf %slice3A_398, %add3A_404 : vector<512x128xf32>
    %lt3A_406 = arith.cmpf olt, %add3A_405, %min3A_394 : vector<512x128xf32>
    %min3A_407 = arith.minimumf %min3A_394, %add3A_405 : vector<512x128xf32>
    %jit3A_408 = arith.constant 2.900000e+01 : f32
    %broadcast_in_dim3A_409 = vector.broadcast %jit3A_408 : f32 to vector<512x128xf32>
    %select_n3A_410 = arith.select %lt3A_406, %broadcast_in_dim3A_409, %select_n3A_397 : vector<512x128xi1>, vector<512x128xf32>
    %slice3A_411 = vector.extract_strided_slice %dot_general3A_332 {offsets = [0, 768], sizes = [512, 128], strides = [1, 1]} : vector<512x1024xf32> to vector<512x128xf32>
    %get3A_412 = arith.constant 0 : index
    %get3A_413 = arith.constant 3840 : index
    %get3A_414 = vector.load %arg4[%get3A_412, %get3A_413] : memref<1x8192xf32, #tpu.memory_space<vmem>>, vector<1x128xf32>
    %add3A_415 = vector.broadcast %get3A_4 : vector<512x1xf32> to vector<512x128xf32>
    %add3A_416 = vector.broadcast %get3A_414 : vector<1x128xf32> to vector<512x128xf32>
    %add3A_417 = arith.addf %add3A_415, %add3A_416 : vector<512x128xf32>
    %add3A_418 = arith.addf %slice3A_411, %add3A_417 : vector<512x128xf32>
    %lt3A_419 = arith.cmpf olt, %add3A_418, %min3A_407 : vector<512x128xf32>
    %min3A_420 = arith.minimumf %min3A_407, %add3A_418 : vector<512x128xf32>
    %jit3A_421 = arith.constant 3.000000e+01 : f32
    %broadcast_in_dim3A_422 = vector.broadcast %jit3A_421 : f32 to vector<512x128xf32>
    %select_n3A_423 = arith.select %lt3A_419, %broadcast_in_dim3A_422, %select_n3A_410 : vector<512x128xi1>, vector<512x128xf32>
    %slice3A_424 = vector.extract_strided_slice %dot_general3A_332 {offsets = [0, 896], sizes = [512, 128], strides = [1, 1]} : vector<512x1024xf32> to vector<512x128xf32>
    %get3A_425 = arith.constant 0 : index
    %get3A_426 = arith.constant 3968 : index
    %get3A_427 = vector.load %arg4[%get3A_425, %get3A_426] : memref<1x8192xf32, #tpu.memory_space<vmem>>, vector<1x128xf32>
    %add3A_428 = vector.broadcast %get3A_4 : vector<512x1xf32> to vector<512x128xf32>
    %add3A_429 = vector.broadcast %get3A_427 : vector<1x128xf32> to vector<512x128xf32>
    %add3A_430 = arith.addf %add3A_428, %add3A_429 : vector<512x128xf32>
    %add3A_431 = arith.addf %slice3A_424, %add3A_430 : vector<512x128xf32>
    %lt3A_432 = arith.cmpf olt, %add3A_431, %min3A_420 : vector<512x128xf32>
    %min3A_433 = arith.minimumf %min3A_420, %add3A_431 : vector<512x128xf32>
    %jit3A_434 = arith.constant 3.100000e+01 : f32
    %broadcast_in_dim3A_435 = vector.broadcast %jit3A_434 : f32 to vector<512x128xf32>
    %select_n3A_436 = arith.select %lt3A_432, %broadcast_in_dim3A_435, %select_n3A_423 : vector<512x128xi1>, vector<512x128xf32>
    %get3A_437 = arith.constant 4096 : index
    %get3A_438 = arith.constant 0 : index
    %get3A_439 = vector.load %arg2[%get3A_437, %get3A_438] : memref<8192x256xbf16, #tpu.memory_space<vmem>>, vector<1024x256xbf16>
    %dot_general3A_440 = arith.constant dense<0.000000e+00> : vector<512x1024xf32>
    %dot_general3A_441 = tpu.matmul %convert_element_type3A, %get3A_439, %dot_general3A_440 {dimension_numbers = #tpu.dot_dimension_numbers<[1], [1], [0], [0], [0, 0, 1, 0], [], []>, transpose_lhs_hint = false} : vector<512x256xbf16>, vector<1024x256xbf16>, vector<512x1024xf32> -> vector<512x1024xf32>
    %slice3A_442 = vector.extract_strided_slice %dot_general3A_441 {offsets = [0, 0], sizes = [512, 128], strides = [1, 1]} : vector<512x1024xf32> to vector<512x128xf32>
    %get3A_443 = arith.constant 0 : index
    %get3A_444 = arith.constant 4096 : index
    %get3A_445 = vector.load %arg4[%get3A_443, %get3A_444] : memref<1x8192xf32, #tpu.memory_space<vmem>>, vector<1x128xf32>
    %add3A_446 = vector.broadcast %get3A_4 : vector<512x1xf32> to vector<512x128xf32>
    %add3A_447 = vector.broadcast %get3A_445 : vector<1x128xf32> to vector<512x128xf32>
    %add3A_448 = arith.addf %add3A_446, %add3A_447 : vector<512x128xf32>
    %add3A_449 = arith.addf %slice3A_442, %add3A_448 : vector<512x128xf32>
    %lt3A_450 = arith.cmpf olt, %add3A_449, %min3A_433 : vector<512x128xf32>
    %min3A_451 = arith.minimumf %min3A_433, %add3A_449 : vector<512x128xf32>
    %jit3A_452 = arith.constant 3.200000e+01 : f32
    %broadcast_in_dim3A_453 = vector.broadcast %jit3A_452 : f32 to vector<512x128xf32>
    %select_n3A_454 = arith.select %lt3A_450, %broadcast_in_dim3A_453, %select_n3A_436 : vector<512x128xi1>, vector<512x128xf32>
    %slice3A_455 = vector.extract_strided_slice %dot_general3A_441 {offsets = [0, 128], sizes = [512, 128], strides = [1, 1]} : vector<512x1024xf32> to vector<512x128xf32>
    %get3A_456 = arith.constant 0 : index
    %get3A_457 = arith.constant 4224 : index
    %get3A_458 = vector.load %arg4[%get3A_456, %get3A_457] : memref<1x8192xf32, #tpu.memory_space<vmem>>, vector<1x128xf32>
    %add3A_459 = vector.broadcast %get3A_4 : vector<512x1xf32> to vector<512x128xf32>
    %add3A_460 = vector.broadcast %get3A_458 : vector<1x128xf32> to vector<512x128xf32>
    %add3A_461 = arith.addf %add3A_459, %add3A_460 : vector<512x128xf32>
    %add3A_462 = arith.addf %slice3A_455, %add3A_461 : vector<512x128xf32>
    %lt3A_463 = arith.cmpf olt, %add3A_462, %min3A_451 : vector<512x128xf32>
    %min3A_464 = arith.minimumf %min3A_451, %add3A_462 : vector<512x128xf32>
    %jit3A_465 = arith.constant 3.300000e+01 : f32
    %broadcast_in_dim3A_466 = vector.broadcast %jit3A_465 : f32 to vector<512x128xf32>
    %select_n3A_467 = arith.select %lt3A_463, %broadcast_in_dim3A_466, %select_n3A_454 : vector<512x128xi1>, vector<512x128xf32>
    %slice3A_468 = vector.extract_strided_slice %dot_general3A_441 {offsets = [0, 256], sizes = [512, 128], strides = [1, 1]} : vector<512x1024xf32> to vector<512x128xf32>
    %get3A_469 = arith.constant 0 : index
    %get3A_470 = arith.constant 4352 : index
    %get3A_471 = vector.load %arg4[%get3A_469, %get3A_470] : memref<1x8192xf32, #tpu.memory_space<vmem>>, vector<1x128xf32>
    %add3A_472 = vector.broadcast %get3A_4 : vector<512x1xf32> to vector<512x128xf32>
    %add3A_473 = vector.broadcast %get3A_471 : vector<1x128xf32> to vector<512x128xf32>
    %add3A_474 = arith.addf %add3A_472, %add3A_473 : vector<512x128xf32>
    %add3A_475 = arith.addf %slice3A_468, %add3A_474 : vector<512x128xf32>
    %lt3A_476 = arith.cmpf olt, %add3A_475, %min3A_464 : vector<512x128xf32>
    %min3A_477 = arith.minimumf %min3A_464, %add3A_475 : vector<512x128xf32>
    %jit3A_478 = arith.constant 3.400000e+01 : f32
    %broadcast_in_dim3A_479 = vector.broadcast %jit3A_478 : f32 to vector<512x128xf32>
    %select_n3A_480 = arith.select %lt3A_476, %broadcast_in_dim3A_479, %select_n3A_467 : vector<512x128xi1>, vector<512x128xf32>
    %slice3A_481 = vector.extract_strided_slice %dot_general3A_441 {offsets = [0, 384], sizes = [512, 128], strides = [1, 1]} : vector<512x1024xf32> to vector<512x128xf32>
    %get3A_482 = arith.constant 0 : index
    %get3A_483 = arith.constant 4480 : index
    %get3A_484 = vector.load %arg4[%get3A_482, %get3A_483] : memref<1x8192xf32, #tpu.memory_space<vmem>>, vector<1x128xf32>
    %add3A_485 = vector.broadcast %get3A_4 : vector<512x1xf32> to vector<512x128xf32>
    %add3A_486 = vector.broadcast %get3A_484 : vector<1x128xf32> to vector<512x128xf32>
    %add3A_487 = arith.addf %add3A_485, %add3A_486 : vector<512x128xf32>
    %add3A_488 = arith.addf %slice3A_481, %add3A_487 : vector<512x128xf32>
    %lt3A_489 = arith.cmpf olt, %add3A_488, %min3A_477 : vector<512x128xf32>
    %min3A_490 = arith.minimumf %min3A_477, %add3A_488 : vector<512x128xf32>
    %jit3A_491 = arith.constant 3.500000e+01 : f32
    %broadcast_in_dim3A_492 = vector.broadcast %jit3A_491 : f32 to vector<512x128xf32>
    %select_n3A_493 = arith.select %lt3A_489, %broadcast_in_dim3A_492, %select_n3A_480 : vector<512x128xi1>, vector<512x128xf32>
    %slice3A_494 = vector.extract_strided_slice %dot_general3A_441 {offsets = [0, 512], sizes = [512, 128], strides = [1, 1]} : vector<512x1024xf32> to vector<512x128xf32>
    %get3A_495 = arith.constant 0 : index
    %get3A_496 = arith.constant 4608 : index
    %get3A_497 = vector.load %arg4[%get3A_495, %get3A_496] : memref<1x8192xf32, #tpu.memory_space<vmem>>, vector<1x128xf32>
    %add3A_498 = vector.broadcast %get3A_4 : vector<512x1xf32> to vector<512x128xf32>
    %add3A_499 = vector.broadcast %get3A_497 : vector<1x128xf32> to vector<512x128xf32>
    %add3A_500 = arith.addf %add3A_498, %add3A_499 : vector<512x128xf32>
    %add3A_501 = arith.addf %slice3A_494, %add3A_500 : vector<512x128xf32>
    %lt3A_502 = arith.cmpf olt, %add3A_501, %min3A_490 : vector<512x128xf32>
    %min3A_503 = arith.minimumf %min3A_490, %add3A_501 : vector<512x128xf32>
    %jit3A_504 = arith.constant 3.600000e+01 : f32
    %broadcast_in_dim3A_505 = vector.broadcast %jit3A_504 : f32 to vector<512x128xf32>
    %select_n3A_506 = arith.select %lt3A_502, %broadcast_in_dim3A_505, %select_n3A_493 : vector<512x128xi1>, vector<512x128xf32>
    %slice3A_507 = vector.extract_strided_slice %dot_general3A_441 {offsets = [0, 640], sizes = [512, 128], strides = [1, 1]} : vector<512x1024xf32> to vector<512x128xf32>
    %get3A_508 = arith.constant 0 : index
    %get3A_509 = arith.constant 4736 : index
    %get3A_510 = vector.load %arg4[%get3A_508, %get3A_509] : memref<1x8192xf32, #tpu.memory_space<vmem>>, vector<1x128xf32>
    %add3A_511 = vector.broadcast %get3A_4 : vector<512x1xf32> to vector<512x128xf32>
    %add3A_512 = vector.broadcast %get3A_510 : vector<1x128xf32> to vector<512x128xf32>
    %add3A_513 = arith.addf %add3A_511, %add3A_512 : vector<512x128xf32>
    %add3A_514 = arith.addf %slice3A_507, %add3A_513 : vector<512x128xf32>
    %lt3A_515 = arith.cmpf olt, %add3A_514, %min3A_503 : vector<512x128xf32>
    %min3A_516 = arith.minimumf %min3A_503, %add3A_514 : vector<512x128xf32>
    %jit3A_517 = arith.constant 3.700000e+01 : f32
    %broadcast_in_dim3A_518 = vector.broadcast %jit3A_517 : f32 to vector<512x128xf32>
    %select_n3A_519 = arith.select %lt3A_515, %broadcast_in_dim3A_518, %select_n3A_506 : vector<512x128xi1>, vector<512x128xf32>
    %slice3A_520 = vector.extract_strided_slice %dot_general3A_441 {offsets = [0, 768], sizes = [512, 128], strides = [1, 1]} : vector<512x1024xf32> to vector<512x128xf32>
    %get3A_521 = arith.constant 0 : index
    %get3A_522 = arith.constant 4864 : index
    %get3A_523 = vector.load %arg4[%get3A_521, %get3A_522] : memref<1x8192xf32, #tpu.memory_space<vmem>>, vector<1x128xf32>
    %add3A_524 = vector.broadcast %get3A_4 : vector<512x1xf32> to vector<512x128xf32>
    %add3A_525 = vector.broadcast %get3A_523 : vector<1x128xf32> to vector<512x128xf32>
    %add3A_526 = arith.addf %add3A_524, %add3A_525 : vector<512x128xf32>
    %add3A_527 = arith.addf %slice3A_520, %add3A_526 : vector<512x128xf32>
    %lt3A_528 = arith.cmpf olt, %add3A_527, %min3A_516 : vector<512x128xf32>
    %min3A_529 = arith.minimumf %min3A_516, %add3A_527 : vector<512x128xf32>
    %jit3A_530 = arith.constant 3.800000e+01 : f32
    %broadcast_in_dim3A_531 = vector.broadcast %jit3A_530 : f32 to vector<512x128xf32>
    %select_n3A_532 = arith.select %lt3A_528, %broadcast_in_dim3A_531, %select_n3A_519 : vector<512x128xi1>, vector<512x128xf32>
    %slice3A_533 = vector.extract_strided_slice %dot_general3A_441 {offsets = [0, 896], sizes = [512, 128], strides = [1, 1]} : vector<512x1024xf32> to vector<512x128xf32>
    %get3A_534 = arith.constant 0 : index
    %get3A_535 = arith.constant 4992 : index
    %get3A_536 = vector.load %arg4[%get3A_534, %get3A_535] : memref<1x8192xf32, #tpu.memory_space<vmem>>, vector<1x128xf32>
    %add3A_537 = vector.broadcast %get3A_4 : vector<512x1xf32> to vector<512x128xf32>
    %add3A_538 = vector.broadcast %get3A_536 : vector<1x128xf32> to vector<512x128xf32>
    %add3A_539 = arith.addf %add3A_537, %add3A_538 : vector<512x128xf32>
    %add3A_540 = arith.addf %slice3A_533, %add3A_539 : vector<512x128xf32>
    %lt3A_541 = arith.cmpf olt, %add3A_540, %min3A_529 : vector<512x128xf32>
    %min3A_542 = arith.minimumf %min3A_529, %add3A_540 : vector<512x128xf32>
    %jit3A_543 = arith.constant 3.900000e+01 : f32
    %broadcast_in_dim3A_544 = vector.broadcast %jit3A_543 : f32 to vector<512x128xf32>
    %select_n3A_545 = arith.select %lt3A_541, %broadcast_in_dim3A_544, %select_n3A_532 : vector<512x128xi1>, vector<512x128xf32>
    %get3A_546 = arith.constant 5120 : index
    %get3A_547 = arith.constant 0 : index
    %get3A_548 = vector.load %arg2[%get3A_546, %get3A_547] : memref<8192x256xbf16, #tpu.memory_space<vmem>>, vector<1024x256xbf16>
    %dot_general3A_549 = arith.constant dense<0.000000e+00> : vector<512x1024xf32>
    %dot_general3A_550 = tpu.matmul %convert_element_type3A, %get3A_548, %dot_general3A_549 {dimension_numbers = #tpu.dot_dimension_numbers<[1], [1], [0], [0], [0, 0, 1, 0], [], []>, transpose_lhs_hint = false} : vector<512x256xbf16>, vector<1024x256xbf16>, vector<512x1024xf32> -> vector<512x1024xf32>
    %slice3A_551 = vector.extract_strided_slice %dot_general3A_550 {offsets = [0, 0], sizes = [512, 128], strides = [1, 1]} : vector<512x1024xf32> to vector<512x128xf32>
    %get3A_552 = arith.constant 0 : index
    %get3A_553 = arith.constant 5120 : index
    %get3A_554 = vector.load %arg4[%get3A_552, %get3A_553] : memref<1x8192xf32, #tpu.memory_space<vmem>>, vector<1x128xf32>
    %add3A_555 = vector.broadcast %get3A_4 : vector<512x1xf32> to vector<512x128xf32>
    %add3A_556 = vector.broadcast %get3A_554 : vector<1x128xf32> to vector<512x128xf32>
    %add3A_557 = arith.addf %add3A_555, %add3A_556 : vector<512x128xf32>
    %add3A_558 = arith.addf %slice3A_551, %add3A_557 : vector<512x128xf32>
    %lt3A_559 = arith.cmpf olt, %add3A_558, %min3A_542 : vector<512x128xf32>
    %min3A_560 = arith.minimumf %min3A_542, %add3A_558 : vector<512x128xf32>
    %jit3A_561 = arith.constant 4.000000e+01 : f32
    %broadcast_in_dim3A_562 = vector.broadcast %jit3A_561 : f32 to vector<512x128xf32>
    %select_n3A_563 = arith.select %lt3A_559, %broadcast_in_dim3A_562, %select_n3A_545 : vector<512x128xi1>, vector<512x128xf32>
    %slice3A_564 = vector.extract_strided_slice %dot_general3A_550 {offsets = [0, 128], sizes = [512, 128], strides = [1, 1]} : vector<512x1024xf32> to vector<512x128xf32>
    %get3A_565 = arith.constant 0 : index
    %get3A_566 = arith.constant 5248 : index
    %get3A_567 = vector.load %arg4[%get3A_565, %get3A_566] : memref<1x8192xf32, #tpu.memory_space<vmem>>, vector<1x128xf32>
    %add3A_568 = vector.broadcast %get3A_4 : vector<512x1xf32> to vector<512x128xf32>
    %add3A_569 = vector.broadcast %get3A_567 : vector<1x128xf32> to vector<512x128xf32>
    %add3A_570 = arith.addf %add3A_568, %add3A_569 : vector<512x128xf32>
    %add3A_571 = arith.addf %slice3A_564, %add3A_570 : vector<512x128xf32>
    %lt3A_572 = arith.cmpf olt, %add3A_571, %min3A_560 : vector<512x128xf32>
    %min3A_573 = arith.minimumf %min3A_560, %add3A_571 : vector<512x128xf32>
    %jit3A_574 = arith.constant 4.100000e+01 : f32
    %broadcast_in_dim3A_575 = vector.broadcast %jit3A_574 : f32 to vector<512x128xf32>
    %select_n3A_576 = arith.select %lt3A_572, %broadcast_in_dim3A_575, %select_n3A_563 : vector<512x128xi1>, vector<512x128xf32>
    %slice3A_577 = vector.extract_strided_slice %dot_general3A_550 {offsets = [0, 256], sizes = [512, 128], strides = [1, 1]} : vector<512x1024xf32> to vector<512x128xf32>
    %get3A_578 = arith.constant 0 : index
    %get3A_579 = arith.constant 5376 : index
    %get3A_580 = vector.load %arg4[%get3A_578, %get3A_579] : memref<1x8192xf32, #tpu.memory_space<vmem>>, vector<1x128xf32>
    %add3A_581 = vector.broadcast %get3A_4 : vector<512x1xf32> to vector<512x128xf32>
    %add3A_582 = vector.broadcast %get3A_580 : vector<1x128xf32> to vector<512x128xf32>
    %add3A_583 = arith.addf %add3A_581, %add3A_582 : vector<512x128xf32>
    %add3A_584 = arith.addf %slice3A_577, %add3A_583 : vector<512x128xf32>
    %lt3A_585 = arith.cmpf olt, %add3A_584, %min3A_573 : vector<512x128xf32>
    %min3A_586 = arith.minimumf %min3A_573, %add3A_584 : vector<512x128xf32>
    %jit3A_587 = arith.constant 4.200000e+01 : f32
    %broadcast_in_dim3A_588 = vector.broadcast %jit3A_587 : f32 to vector<512x128xf32>
    %select_n3A_589 = arith.select %lt3A_585, %broadcast_in_dim3A_588, %select_n3A_576 : vector<512x128xi1>, vector<512x128xf32>
    %slice3A_590 = vector.extract_strided_slice %dot_general3A_550 {offsets = [0, 384], sizes = [512, 128], strides = [1, 1]} : vector<512x1024xf32> to vector<512x128xf32>
    %get3A_591 = arith.constant 0 : index
    %get3A_592 = arith.constant 5504 : index
    %get3A_593 = vector.load %arg4[%get3A_591, %get3A_592] : memref<1x8192xf32, #tpu.memory_space<vmem>>, vector<1x128xf32>
    %add3A_594 = vector.broadcast %get3A_4 : vector<512x1xf32> to vector<512x128xf32>
    %add3A_595 = vector.broadcast %get3A_593 : vector<1x128xf32> to vector<512x128xf32>
    %add3A_596 = arith.addf %add3A_594, %add3A_595 : vector<512x128xf32>
    %add3A_597 = arith.addf %slice3A_590, %add3A_596 : vector<512x128xf32>
    %lt3A_598 = arith.cmpf olt, %add3A_597, %min3A_586 : vector<512x128xf32>
    %min3A_599 = arith.minimumf %min3A_586, %add3A_597 : vector<512x128xf32>
    %jit3A_600 = arith.constant 4.300000e+01 : f32
    %broadcast_in_dim3A_601 = vector.broadcast %jit3A_600 : f32 to vector<512x128xf32>
    %select_n3A_602 = arith.select %lt3A_598, %broadcast_in_dim3A_601, %select_n3A_589 : vector<512x128xi1>, vector<512x128xf32>
    %slice3A_603 = vector.extract_strided_slice %dot_general3A_550 {offsets = [0, 512], sizes = [512, 128], strides = [1, 1]} : vector<512x1024xf32> to vector<512x128xf32>
    %get3A_604 = arith.constant 0 : index
    %get3A_605 = arith.constant 5632 : index
    %get3A_606 = vector.load %arg4[%get3A_604, %get3A_605] : memref<1x8192xf32, #tpu.memory_space<vmem>>, vector<1x128xf32>
    %add3A_607 = vector.broadcast %get3A_4 : vector<512x1xf32> to vector<512x128xf32>
    %add3A_608 = vector.broadcast %get3A_606 : vector<1x128xf32> to vector<512x128xf32>
    %add3A_609 = arith.addf %add3A_607, %add3A_608 : vector<512x128xf32>
    %add3A_610 = arith.addf %slice3A_603, %add3A_609 : vector<512x128xf32>
    %lt3A_611 = arith.cmpf olt, %add3A_610, %min3A_599 : vector<512x128xf32>
    %min3A_612 = arith.minimumf %min3A_599, %add3A_610 : vector<512x128xf32>
    %jit3A_613 = arith.constant 4.400000e+01 : f32
    %broadcast_in_dim3A_614 = vector.broadcast %jit3A_613 : f32 to vector<512x128xf32>
    %select_n3A_615 = arith.select %lt3A_611, %broadcast_in_dim3A_614, %select_n3A_602 : vector<512x128xi1>, vector<512x128xf32>
    %slice3A_616 = vector.extract_strided_slice %dot_general3A_550 {offsets = [0, 640], sizes = [512, 128], strides = [1, 1]} : vector<512x1024xf32> to vector<512x128xf32>
    %get3A_617 = arith.constant 0 : index
    %get3A_618 = arith.constant 5760 : index
    %get3A_619 = vector.load %arg4[%get3A_617, %get3A_618] : memref<1x8192xf32, #tpu.memory_space<vmem>>, vector<1x128xf32>
    %add3A_620 = vector.broadcast %get3A_4 : vector<512x1xf32> to vector<512x128xf32>
    %add3A_621 = vector.broadcast %get3A_619 : vector<1x128xf32> to vector<512x128xf32>
    %add3A_622 = arith.addf %add3A_620, %add3A_621 : vector<512x128xf32>
    %add3A_623 = arith.addf %slice3A_616, %add3A_622 : vector<512x128xf32>
    %lt3A_624 = arith.cmpf olt, %add3A_623, %min3A_612 : vector<512x128xf32>
    %min3A_625 = arith.minimumf %min3A_612, %add3A_623 : vector<512x128xf32>
    %jit3A_626 = arith.constant 4.500000e+01 : f32
    %broadcast_in_dim3A_627 = vector.broadcast %jit3A_626 : f32 to vector<512x128xf32>
    %select_n3A_628 = arith.select %lt3A_624, %broadcast_in_dim3A_627, %select_n3A_615 : vector<512x128xi1>, vector<512x128xf32>
    %slice3A_629 = vector.extract_strided_slice %dot_general3A_550 {offsets = [0, 768], sizes = [512, 128], strides = [1, 1]} : vector<512x1024xf32> to vector<512x128xf32>
    %get3A_630 = arith.constant 0 : index
    %get3A_631 = arith.constant 5888 : index
    %get3A_632 = vector.load %arg4[%get3A_630, %get3A_631] : memref<1x8192xf32, #tpu.memory_space<vmem>>, vector<1x128xf32>
    %add3A_633 = vector.broadcast %get3A_4 : vector<512x1xf32> to vector<512x128xf32>
    %add3A_634 = vector.broadcast %get3A_632 : vector<1x128xf32> to vector<512x128xf32>
    %add3A_635 = arith.addf %add3A_633, %add3A_634 : vector<512x128xf32>
    %add3A_636 = arith.addf %slice3A_629, %add3A_635 : vector<512x128xf32>
    %lt3A_637 = arith.cmpf olt, %add3A_636, %min3A_625 : vector<512x128xf32>
    %min3A_638 = arith.minimumf %min3A_625, %add3A_636 : vector<512x128xf32>
    %jit3A_639 = arith.constant 4.600000e+01 : f32
    %broadcast_in_dim3A_640 = vector.broadcast %jit3A_639 : f32 to vector<512x128xf32>
    %select_n3A_641 = arith.select %lt3A_637, %broadcast_in_dim3A_640, %select_n3A_628 : vector<512x128xi1>, vector<512x128xf32>
    %slice3A_642 = vector.extract_strided_slice %dot_general3A_550 {offsets = [0, 896], sizes = [512, 128], strides = [1, 1]} : vector<512x1024xf32> to vector<512x128xf32>
    %get3A_643 = arith.constant 0 : index
    %get3A_644 = arith.constant 6016 : index
    %get3A_645 = vector.load %arg4[%get3A_643, %get3A_644] : memref<1x8192xf32, #tpu.memory_space<vmem>>, vector<1x128xf32>
    %add3A_646 = vector.broadcast %get3A_4 : vector<512x1xf32> to vector<512x128xf32>
    %add3A_647 = vector.broadcast %get3A_645 : vector<1x128xf32> to vector<512x128xf32>
    %add3A_648 = arith.addf %add3A_646, %add3A_647 : vector<512x128xf32>
    %add3A_649 = arith.addf %slice3A_642, %add3A_648 : vector<512x128xf32>
    %lt3A_650 = arith.cmpf olt, %add3A_649, %min3A_638 : vector<512x128xf32>
    %min3A_651 = arith.minimumf %min3A_638, %add3A_649 : vector<512x128xf32>
    %jit3A_652 = arith.constant 4.700000e+01 : f32
    %broadcast_in_dim3A_653 = vector.broadcast %jit3A_652 : f32 to vector<512x128xf32>
    %select_n3A_654 = arith.select %lt3A_650, %broadcast_in_dim3A_653, %select_n3A_641 : vector<512x128xi1>, vector<512x128xf32>
    %get3A_655 = arith.constant 6144 : index
    %get3A_656 = arith.constant 0 : index
    %get3A_657 = vector.load %arg2[%get3A_655, %get3A_656] : memref<8192x256xbf16, #tpu.memory_space<vmem>>, vector<1024x256xbf16>
    %dot_general3A_658 = arith.constant dense<0.000000e+00> : vector<512x1024xf32>
    %dot_general3A_659 = tpu.matmul %convert_element_type3A, %get3A_657, %dot_general3A_658 {dimension_numbers = #tpu.dot_dimension_numbers<[1], [1], [0], [0], [0, 0, 1, 0], [], []>, transpose_lhs_hint = false} : vector<512x256xbf16>, vector<1024x256xbf16>, vector<512x1024xf32> -> vector<512x1024xf32>
    %slice3A_660 = vector.extract_strided_slice %dot_general3A_659 {offsets = [0, 0], sizes = [512, 128], strides = [1, 1]} : vector<512x1024xf32> to vector<512x128xf32>
    %get3A_661 = arith.constant 0 : index
    %get3A_662 = arith.constant 6144 : index
    %get3A_663 = vector.load %arg4[%get3A_661, %get3A_662] : memref<1x8192xf32, #tpu.memory_space<vmem>>, vector<1x128xf32>
    %add3A_664 = vector.broadcast %get3A_4 : vector<512x1xf32> to vector<512x128xf32>
    %add3A_665 = vector.broadcast %get3A_663 : vector<1x128xf32> to vector<512x128xf32>
    %add3A_666 = arith.addf %add3A_664, %add3A_665 : vector<512x128xf32>
    %add3A_667 = arith.addf %slice3A_660, %add3A_666 : vector<512x128xf32>
    %lt3A_668 = arith.cmpf olt, %add3A_667, %min3A_651 : vector<512x128xf32>
    %min3A_669 = arith.minimumf %min3A_651, %add3A_667 : vector<512x128xf32>
    %jit3A_670 = arith.constant 4.800000e+01 : f32
    %broadcast_in_dim3A_671 = vector.broadcast %jit3A_670 : f32 to vector<512x128xf32>
    %select_n3A_672 = arith.select %lt3A_668, %broadcast_in_dim3A_671, %select_n3A_654 : vector<512x128xi1>, vector<512x128xf32>
    %slice3A_673 = vector.extract_strided_slice %dot_general3A_659 {offsets = [0, 128], sizes = [512, 128], strides = [1, 1]} : vector<512x1024xf32> to vector<512x128xf32>
    %get3A_674 = arith.constant 0 : index
    %get3A_675 = arith.constant 6272 : index
    %get3A_676 = vector.load %arg4[%get3A_674, %get3A_675] : memref<1x8192xf32, #tpu.memory_space<vmem>>, vector<1x128xf32>
    %add3A_677 = vector.broadcast %get3A_4 : vector<512x1xf32> to vector<512x128xf32>
    %add3A_678 = vector.broadcast %get3A_676 : vector<1x128xf32> to vector<512x128xf32>
    %add3A_679 = arith.addf %add3A_677, %add3A_678 : vector<512x128xf32>
    %add3A_680 = arith.addf %slice3A_673, %add3A_679 : vector<512x128xf32>
    %lt3A_681 = arith.cmpf olt, %add3A_680, %min3A_669 : vector<512x128xf32>
    %min3A_682 = arith.minimumf %min3A_669, %add3A_680 : vector<512x128xf32>
    %jit3A_683 = arith.constant 4.900000e+01 : f32
    %broadcast_in_dim3A_684 = vector.broadcast %jit3A_683 : f32 to vector<512x128xf32>
    %select_n3A_685 = arith.select %lt3A_681, %broadcast_in_dim3A_684, %select_n3A_672 : vector<512x128xi1>, vector<512x128xf32>
    %slice3A_686 = vector.extract_strided_slice %dot_general3A_659 {offsets = [0, 256], sizes = [512, 128], strides = [1, 1]} : vector<512x1024xf32> to vector<512x128xf32>
    %get3A_687 = arith.constant 0 : index
    %get3A_688 = arith.constant 6400 : index
    %get3A_689 = vector.load %arg4[%get3A_687, %get3A_688] : memref<1x8192xf32, #tpu.memory_space<vmem>>, vector<1x128xf32>
    %add3A_690 = vector.broadcast %get3A_4 : vector<512x1xf32> to vector<512x128xf32>
    %add3A_691 = vector.broadcast %get3A_689 : vector<1x128xf32> to vector<512x128xf32>
    %add3A_692 = arith.addf %add3A_690, %add3A_691 : vector<512x128xf32>
    %add3A_693 = arith.addf %slice3A_686, %add3A_692 : vector<512x128xf32>
    %lt3A_694 = arith.cmpf olt, %add3A_693, %min3A_682 : vector<512x128xf32>
    %min3A_695 = arith.minimumf %min3A_682, %add3A_693 : vector<512x128xf32>
    %jit3A_696 = arith.constant 5.000000e+01 : f32
    %broadcast_in_dim3A_697 = vector.broadcast %jit3A_696 : f32 to vector<512x128xf32>
    %select_n3A_698 = arith.select %lt3A_694, %broadcast_in_dim3A_697, %select_n3A_685 : vector<512x128xi1>, vector<512x128xf32>
    %slice3A_699 = vector.extract_strided_slice %dot_general3A_659 {offsets = [0, 384], sizes = [512, 128], strides = [1, 1]} : vector<512x1024xf32> to vector<512x128xf32>
    %get3A_700 = arith.constant 0 : index
    %get3A_701 = arith.constant 6528 : index
    %get3A_702 = vector.load %arg4[%get3A_700, %get3A_701] : memref<1x8192xf32, #tpu.memory_space<vmem>>, vector<1x128xf32>
    %add3A_703 = vector.broadcast %get3A_4 : vector<512x1xf32> to vector<512x128xf32>
    %add3A_704 = vector.broadcast %get3A_702 : vector<1x128xf32> to vector<512x128xf32>
    %add3A_705 = arith.addf %add3A_703, %add3A_704 : vector<512x128xf32>
    %add3A_706 = arith.addf %slice3A_699, %add3A_705 : vector<512x128xf32>
    %lt3A_707 = arith.cmpf olt, %add3A_706, %min3A_695 : vector<512x128xf32>
    %min3A_708 = arith.minimumf %min3A_695, %add3A_706 : vector<512x128xf32>
    %jit3A_709 = arith.constant 5.100000e+01 : f32
    %broadcast_in_dim3A_710 = vector.broadcast %jit3A_709 : f32 to vector<512x128xf32>
    %select_n3A_711 = arith.select %lt3A_707, %broadcast_in_dim3A_710, %select_n3A_698 : vector<512x128xi1>, vector<512x128xf32>
    %slice3A_712 = vector.extract_strided_slice %dot_general3A_659 {offsets = [0, 512], sizes = [512, 128], strides = [1, 1]} : vector<512x1024xf32> to vector<512x128xf32>
    %get3A_713 = arith.constant 0 : index
    %get3A_714 = arith.constant 6656 : index
    %get3A_715 = vector.load %arg4[%get3A_713, %get3A_714] : memref<1x8192xf32, #tpu.memory_space<vmem>>, vector<1x128xf32>
    %add3A_716 = vector.broadcast %get3A_4 : vector<512x1xf32> to vector<512x128xf32>
    %add3A_717 = vector.broadcast %get3A_715 : vector<1x128xf32> to vector<512x128xf32>
    %add3A_718 = arith.addf %add3A_716, %add3A_717 : vector<512x128xf32>
    %add3A_719 = arith.addf %slice3A_712, %add3A_718 : vector<512x128xf32>
    %lt3A_720 = arith.cmpf olt, %add3A_719, %min3A_708 : vector<512x128xf32>
    %min3A_721 = arith.minimumf %min3A_708, %add3A_719 : vector<512x128xf32>
    %jit3A_722 = arith.constant 5.200000e+01 : f32
    %broadcast_in_dim3A_723 = vector.broadcast %jit3A_722 : f32 to vector<512x128xf32>
    %select_n3A_724 = arith.select %lt3A_720, %broadcast_in_dim3A_723, %select_n3A_711 : vector<512x128xi1>, vector<512x128xf32>
    %slice3A_725 = vector.extract_strided_slice %dot_general3A_659 {offsets = [0, 640], sizes = [512, 128], strides = [1, 1]} : vector<512x1024xf32> to vector<512x128xf32>
    %get3A_726 = arith.constant 0 : index
    %get3A_727 = arith.constant 6784 : index
    %get3A_728 = vector.load %arg4[%get3A_726, %get3A_727] : memref<1x8192xf32, #tpu.memory_space<vmem>>, vector<1x128xf32>
    %add3A_729 = vector.broadcast %get3A_4 : vector<512x1xf32> to vector<512x128xf32>
    %add3A_730 = vector.broadcast %get3A_728 : vector<1x128xf32> to vector<512x128xf32>
    %add3A_731 = arith.addf %add3A_729, %add3A_730 : vector<512x128xf32>
    %add3A_732 = arith.addf %slice3A_725, %add3A_731 : vector<512x128xf32>
    %lt3A_733 = arith.cmpf olt, %add3A_732, %min3A_721 : vector<512x128xf32>
    %min3A_734 = arith.minimumf %min3A_721, %add3A_732 : vector<512x128xf32>
    %jit3A_735 = arith.constant 5.300000e+01 : f32
    %broadcast_in_dim3A_736 = vector.broadcast %jit3A_735 : f32 to vector<512x128xf32>
    %select_n3A_737 = arith.select %lt3A_733, %broadcast_in_dim3A_736, %select_n3A_724 : vector<512x128xi1>, vector<512x128xf32>
    %slice3A_738 = vector.extract_strided_slice %dot_general3A_659 {offsets = [0, 768], sizes = [512, 128], strides = [1, 1]} : vector<512x1024xf32> to vector<512x128xf32>
    %get3A_739 = arith.constant 0 : index
    %get3A_740 = arith.constant 6912 : index
    %get3A_741 = vector.load %arg4[%get3A_739, %get3A_740] : memref<1x8192xf32, #tpu.memory_space<vmem>>, vector<1x128xf32>
    %add3A_742 = vector.broadcast %get3A_4 : vector<512x1xf32> to vector<512x128xf32>
    %add3A_743 = vector.broadcast %get3A_741 : vector<1x128xf32> to vector<512x128xf32>
    %add3A_744 = arith.addf %add3A_742, %add3A_743 : vector<512x128xf32>
    %add3A_745 = arith.addf %slice3A_738, %add3A_744 : vector<512x128xf32>
    %lt3A_746 = arith.cmpf olt, %add3A_745, %min3A_734 : vector<512x128xf32>
    %min3A_747 = arith.minimumf %min3A_734, %add3A_745 : vector<512x128xf32>
    %jit3A_748 = arith.constant 5.400000e+01 : f32
    %broadcast_in_dim3A_749 = vector.broadcast %jit3A_748 : f32 to vector<512x128xf32>
    %select_n3A_750 = arith.select %lt3A_746, %broadcast_in_dim3A_749, %select_n3A_737 : vector<512x128xi1>, vector<512x128xf32>
    %slice3A_751 = vector.extract_strided_slice %dot_general3A_659 {offsets = [0, 896], sizes = [512, 128], strides = [1, 1]} : vector<512x1024xf32> to vector<512x128xf32>
    %get3A_752 = arith.constant 0 : index
    %get3A_753 = arith.constant 7040 : index
    %get3A_754 = vector.load %arg4[%get3A_752, %get3A_753] : memref<1x8192xf32, #tpu.memory_space<vmem>>, vector<1x128xf32>
    %add3A_755 = vector.broadcast %get3A_4 : vector<512x1xf32> to vector<512x128xf32>
    %add3A_756 = vector.broadcast %get3A_754 : vector<1x128xf32> to vector<512x128xf32>
    %add3A_757 = arith.addf %add3A_755, %add3A_756 : vector<512x128xf32>
    %add3A_758 = arith.addf %slice3A_751, %add3A_757 : vector<512x128xf32>
    %lt3A_759 = arith.cmpf olt, %add3A_758, %min3A_747 : vector<512x128xf32>
    %min3A_760 = arith.minimumf %min3A_747, %add3A_758 : vector<512x128xf32>
    %jit3A_761 = arith.constant 5.500000e+01 : f32
    %broadcast_in_dim3A_762 = vector.broadcast %jit3A_761 : f32 to vector<512x128xf32>
    %select_n3A_763 = arith.select %lt3A_759, %broadcast_in_dim3A_762, %select_n3A_750 : vector<512x128xi1>, vector<512x128xf32>
    %get3A_764 = arith.constant 7168 : index
    %get3A_765 = arith.constant 0 : index
    %get3A_766 = vector.load %arg2[%get3A_764, %get3A_765] : memref<8192x256xbf16, #tpu.memory_space<vmem>>, vector<1024x256xbf16>
    %dot_general3A_767 = arith.constant dense<0.000000e+00> : vector<512x1024xf32>
    %dot_general3A_768 = tpu.matmul %convert_element_type3A, %get3A_766, %dot_general3A_767 {dimension_numbers = #tpu.dot_dimension_numbers<[1], [1], [0], [0], [0, 0, 1, 0], [], []>, transpose_lhs_hint = false} : vector<512x256xbf16>, vector<1024x256xbf16>, vector<512x1024xf32> -> vector<512x1024xf32>
    %slice3A_769 = vector.extract_strided_slice %dot_general3A_768 {offsets = [0, 0], sizes = [512, 128], strides = [1, 1]} : vector<512x1024xf32> to vector<512x128xf32>
    %get3A_770 = arith.constant 0 : index
    %get3A_771 = arith.constant 7168 : index
    %get3A_772 = vector.load %arg4[%get3A_770, %get3A_771] : memref<1x8192xf32, #tpu.memory_space<vmem>>, vector<1x128xf32>
    %add3A_773 = vector.broadcast %get3A_4 : vector<512x1xf32> to vector<512x128xf32>
    %add3A_774 = vector.broadcast %get3A_772 : vector<1x128xf32> to vector<512x128xf32>
    %add3A_775 = arith.addf %add3A_773, %add3A_774 : vector<512x128xf32>
    %add3A_776 = arith.addf %slice3A_769, %add3A_775 : vector<512x128xf32>
    %lt3A_777 = arith.cmpf olt, %add3A_776, %min3A_760 : vector<512x128xf32>
    %min3A_778 = arith.minimumf %min3A_760, %add3A_776 : vector<512x128xf32>
    %jit3A_779 = arith.constant 5.600000e+01 : f32
    %broadcast_in_dim3A_780 = vector.broadcast %jit3A_779 : f32 to vector<512x128xf32>
    %select_n3A_781 = arith.select %lt3A_777, %broadcast_in_dim3A_780, %select_n3A_763 : vector<512x128xi1>, vector<512x128xf32>
    %slice3A_782 = vector.extract_strided_slice %dot_general3A_768 {offsets = [0, 128], sizes = [512, 128], strides = [1, 1]} : vector<512x1024xf32> to vector<512x128xf32>
    %get3A_783 = arith.constant 0 : index
    %get3A_784 = arith.constant 7296 : index
    %get3A_785 = vector.load %arg4[%get3A_783, %get3A_784] : memref<1x8192xf32, #tpu.memory_space<vmem>>, vector<1x128xf32>
    %add3A_786 = vector.broadcast %get3A_4 : vector<512x1xf32> to vector<512x128xf32>
    %add3A_787 = vector.broadcast %get3A_785 : vector<1x128xf32> to vector<512x128xf32>
    %add3A_788 = arith.addf %add3A_786, %add3A_787 : vector<512x128xf32>
    %add3A_789 = arith.addf %slice3A_782, %add3A_788 : vector<512x128xf32>
    %lt3A_790 = arith.cmpf olt, %add3A_789, %min3A_778 : vector<512x128xf32>
    %min3A_791 = arith.minimumf %min3A_778, %add3A_789 : vector<512x128xf32>
    %jit3A_792 = arith.constant 5.700000e+01 : f32
    %broadcast_in_dim3A_793 = vector.broadcast %jit3A_792 : f32 to vector<512x128xf32>
    %select_n3A_794 = arith.select %lt3A_790, %broadcast_in_dim3A_793, %select_n3A_781 : vector<512x128xi1>, vector<512x128xf32>
    %slice3A_795 = vector.extract_strided_slice %dot_general3A_768 {offsets = [0, 256], sizes = [512, 128], strides = [1, 1]} : vector<512x1024xf32> to vector<512x128xf32>
    %get3A_796 = arith.constant 0 : index
    %get3A_797 = arith.constant 7424 : index
    %get3A_798 = vector.load %arg4[%get3A_796, %get3A_797] : memref<1x8192xf32, #tpu.memory_space<vmem>>, vector<1x128xf32>
    %add3A_799 = vector.broadcast %get3A_4 : vector<512x1xf32> to vector<512x128xf32>
    %add3A_800 = vector.broadcast %get3A_798 : vector<1x128xf32> to vector<512x128xf32>
    %add3A_801 = arith.addf %add3A_799, %add3A_800 : vector<512x128xf32>
    %add3A_802 = arith.addf %slice3A_795, %add3A_801 : vector<512x128xf32>
    %lt3A_803 = arith.cmpf olt, %add3A_802, %min3A_791 : vector<512x128xf32>
    %min3A_804 = arith.minimumf %min3A_791, %add3A_802 : vector<512x128xf32>
    %jit3A_805 = arith.constant 5.800000e+01 : f32
    %broadcast_in_dim3A_806 = vector.broadcast %jit3A_805 : f32 to vector<512x128xf32>
    %select_n3A_807 = arith.select %lt3A_803, %broadcast_in_dim3A_806, %select_n3A_794 : vector<512x128xi1>, vector<512x128xf32>
    %slice3A_808 = vector.extract_strided_slice %dot_general3A_768 {offsets = [0, 384], sizes = [512, 128], strides = [1, 1]} : vector<512x1024xf32> to vector<512x128xf32>
    %get3A_809 = arith.constant 0 : index
    %get3A_810 = arith.constant 7552 : index
    %get3A_811 = vector.load %arg4[%get3A_809, %get3A_810] : memref<1x8192xf32, #tpu.memory_space<vmem>>, vector<1x128xf32>
    %add3A_812 = vector.broadcast %get3A_4 : vector<512x1xf32> to vector<512x128xf32>
    %add3A_813 = vector.broadcast %get3A_811 : vector<1x128xf32> to vector<512x128xf32>
    %add3A_814 = arith.addf %add3A_812, %add3A_813 : vector<512x128xf32>
    %add3A_815 = arith.addf %slice3A_808, %add3A_814 : vector<512x128xf32>
    %lt3A_816 = arith.cmpf olt, %add3A_815, %min3A_804 : vector<512x128xf32>
    %min3A_817 = arith.minimumf %min3A_804, %add3A_815 : vector<512x128xf32>
    %jit3A_818 = arith.constant 5.900000e+01 : f32
    %broadcast_in_dim3A_819 = vector.broadcast %jit3A_818 : f32 to vector<512x128xf32>
    %select_n3A_820 = arith.select %lt3A_816, %broadcast_in_dim3A_819, %select_n3A_807 : vector<512x128xi1>, vector<512x128xf32>
    %slice3A_821 = vector.extract_strided_slice %dot_general3A_768 {offsets = [0, 512], sizes = [512, 128], strides = [1, 1]} : vector<512x1024xf32> to vector<512x128xf32>
    %get3A_822 = arith.constant 0 : index
    %get3A_823 = arith.constant 7680 : index
    %get3A_824 = vector.load %arg4[%get3A_822, %get3A_823] : memref<1x8192xf32, #tpu.memory_space<vmem>>, vector<1x128xf32>
    %add3A_825 = vector.broadcast %get3A_4 : vector<512x1xf32> to vector<512x128xf32>
    %add3A_826 = vector.broadcast %get3A_824 : vector<1x128xf32> to vector<512x128xf32>
    %add3A_827 = arith.addf %add3A_825, %add3A_826 : vector<512x128xf32>
    %add3A_828 = arith.addf %slice3A_821, %add3A_827 : vector<512x128xf32>
    %lt3A_829 = arith.cmpf olt, %add3A_828, %min3A_817 : vector<512x128xf32>
    %min3A_830 = arith.minimumf %min3A_817, %add3A_828 : vector<512x128xf32>
    %jit3A_831 = arith.constant 6.000000e+01 : f32
    %broadcast_in_dim3A_832 = vector.broadcast %jit3A_831 : f32 to vector<512x128xf32>
    %select_n3A_833 = arith.select %lt3A_829, %broadcast_in_dim3A_832, %select_n3A_820 : vector<512x128xi1>, vector<512x128xf32>
    %slice3A_834 = vector.extract_strided_slice %dot_general3A_768 {offsets = [0, 640], sizes = [512, 128], strides = [1, 1]} : vector<512x1024xf32> to vector<512x128xf32>
    %get3A_835 = arith.constant 0 : index
    %get3A_836 = arith.constant 7808 : index
    %get3A_837 = vector.load %arg4[%get3A_835, %get3A_836] : memref<1x8192xf32, #tpu.memory_space<vmem>>, vector<1x128xf32>
    %add3A_838 = vector.broadcast %get3A_4 : vector<512x1xf32> to vector<512x128xf32>
    %add3A_839 = vector.broadcast %get3A_837 : vector<1x128xf32> to vector<512x128xf32>
    %add3A_840 = arith.addf %add3A_838, %add3A_839 : vector<512x128xf32>
    %add3A_841 = arith.addf %slice3A_834, %add3A_840 : vector<512x128xf32>
    %lt3A_842 = arith.cmpf olt, %add3A_841, %min3A_830 : vector<512x128xf32>
    %min3A_843 = arith.minimumf %min3A_830, %add3A_841 : vector<512x128xf32>
    %jit3A_844 = arith.constant 6.100000e+01 : f32
    %broadcast_in_dim3A_845 = vector.broadcast %jit3A_844 : f32 to vector<512x128xf32>
    %select_n3A_846 = arith.select %lt3A_842, %broadcast_in_dim3A_845, %select_n3A_833 : vector<512x128xi1>, vector<512x128xf32>
    %slice3A_847 = vector.extract_strided_slice %dot_general3A_768 {offsets = [0, 768], sizes = [512, 128], strides = [1, 1]} : vector<512x1024xf32> to vector<512x128xf32>
    %get3A_848 = arith.constant 0 : index
    %get3A_849 = arith.constant 7936 : index
    %get3A_850 = vector.load %arg4[%get3A_848, %get3A_849] : memref<1x8192xf32, #tpu.memory_space<vmem>>, vector<1x128xf32>
    %add3A_851 = vector.broadcast %get3A_4 : vector<512x1xf32> to vector<512x128xf32>
    %add3A_852 = vector.broadcast %get3A_850 : vector<1x128xf32> to vector<512x128xf32>
    %add3A_853 = arith.addf %add3A_851, %add3A_852 : vector<512x128xf32>
    %add3A_854 = arith.addf %slice3A_847, %add3A_853 : vector<512x128xf32>
    %lt3A_855 = arith.cmpf olt, %add3A_854, %min3A_843 : vector<512x128xf32>
    %min3A_856 = arith.minimumf %min3A_843, %add3A_854 : vector<512x128xf32>
    %jit3A_857 = arith.constant 6.200000e+01 : f32
    %broadcast_in_dim3A_858 = vector.broadcast %jit3A_857 : f32 to vector<512x128xf32>
    %select_n3A_859 = arith.select %lt3A_855, %broadcast_in_dim3A_858, %select_n3A_846 : vector<512x128xi1>, vector<512x128xf32>
    %slice3A_860 = vector.extract_strided_slice %dot_general3A_768 {offsets = [0, 896], sizes = [512, 128], strides = [1, 1]} : vector<512x1024xf32> to vector<512x128xf32>
    %get3A_861 = arith.constant 0 : index
    %get3A_862 = arith.constant 8064 : index
    %get3A_863 = vector.load %arg4[%get3A_861, %get3A_862] : memref<1x8192xf32, #tpu.memory_space<vmem>>, vector<1x128xf32>
    %add3A_864 = vector.broadcast %get3A_4 : vector<512x1xf32> to vector<512x128xf32>
    %add3A_865 = vector.broadcast %get3A_863 : vector<1x128xf32> to vector<512x128xf32>
    %add3A_866 = arith.addf %add3A_864, %add3A_865 : vector<512x128xf32>
    %add3A_867 = arith.addf %slice3A_860, %add3A_866 : vector<512x128xf32>
    %lt3A_868 = arith.cmpf olt, %add3A_867, %min3A_856 : vector<512x128xf32>
    %min3A_869 = arith.minimumf %min3A_856, %add3A_867 : vector<512x128xf32>
    %jit3A_870 = arith.constant 6.300000e+01 : f32
    %broadcast_in_dim3A_871 = vector.broadcast %jit3A_870 : f32 to vector<512x128xf32>
    %select_n3A_872 = arith.select %lt3A_868, %broadcast_in_dim3A_871, %select_n3A_859 : vector<512x128xi1>, vector<512x128xf32>
    %iota3A = tpu.iota {dimensions = array<i32: 1>} : vector<512x128xi32>
    %convert_element_type3A_873 = arith.sitofp %iota3A : vector<512x128xi32> to vector<512x128xf32>
    %mul3A = arith.constant 1.280000e+02 : f32
    %mul3A_874 = vector.broadcast %mul3A : f32 to vector<512x128xf32>
    %mul3A_875 = arith.mulf %select_n3A_872, %mul3A_874 : vector<512x128xf32>
    %add3A_876 = arith.addf %mul3A_875, %convert_element_type3A_873 : vector<512x128xf32>
    %reduce_min3A = arith.constant dense<0x7F800000> : vector<512xf32>
    %reduce_min3A_877 = vector.multi_reduction <minimumf>, %min3A_869, %reduce_min3A [1] : vector<512x128xf32> to vector<512xf32>
    %broadcast_in_dim3A_878 = vector.shape_cast %reduce_min3A_877 : vector<512xf32> to vector<512x1xf32>
    %eq3A = vector.broadcast %broadcast_in_dim3A_878 : vector<512x1xf32> to vector<512x128xf32>
    %eq3A_879 = arith.cmpf oeq, %min3A_869, %eq3A : vector<512x128xf32>
    %jit3A_880 = arith.constant 0x7F800000 : f32
    %broadcast_in_dim3A_881 = vector.broadcast %jit3A_880 : f32 to vector<512x128xf32>
    %select_n3A_882 = arith.select %eq3A_879, %add3A_876, %broadcast_in_dim3A_881 : vector<512x128xi1>, vector<512x128xf32>
    %reduce_min3A_883 = arith.constant dense<0x7F800000> : vector<512xf32>
    %reduce_min3A_884 = vector.multi_reduction <minimumf>, %select_n3A_882, %reduce_min3A_883 [1] : vector<512x128xf32> to vector<512xf32>
    %convert_element_type3A_885 = arith.fptosi %reduce_min3A_884 : vector<512xf32> to vector<512xi32>
    %swap3A = arith.constant 0 : index
    %swap3A_886 = vector.load %arg5[%swap3A] : memref<512xi32, #tpu.memory_space<vmem>>, vector<512xi32>
    tpu.vector_store %arg5[%swap3A], %convert_element_type3A_885 {strides = array<i32>} : memref<512xi32, #tpu.memory_space<vmem>>, vector<512xi32>,
    return
  }
  func.func @transform_0(%arg0: i32) -> (i32, i32) {
    %c0_i32 = arith.constant 0 : i32
    %c0_i32_0 = arith.constant 0 : i32
    return %arg0, %c0_i32 : i32, i32
  }
  func.func @transform_1(%arg0: i32) -> (i32, i32) {
    %c0_i32 = arith.constant 0 : i32
    %c0_i32_0 = arith.constant 0 : i32
    %c0_i32_1 = arith.constant 0 : i32
    return %c0_i32, %c0_i32_0 : i32, i32
  }
  func.func @transform_2(%arg0: i32) -> (i32, i32) {
    %c0_i32 = arith.constant 0 : i32
    %c0_i32_0 = arith.constant 0 : i32
    return %arg0, %c0_i32 : i32, i32
  }
  func.func @transform_3(%arg0: i32) -> (i32, i32) {
    %c0_i32 = arith.constant 0 : i32
    %c0_i32_0 = arith.constant 0 : i32
    %c0_i32_1 = arith.constant 0 : i32
    return %c0_i32, %c0_i32_0 : i32, i32
  }
  func.func @transform_4(%arg0: i32) -> i32 {
    %c0_i32 = arith.constant 0 : i32
    return %arg0 : i32
  }
}

</mosaic_0001>

<sc_bundles>
// kernel: kernel.4.cloned.1.call-start
scs
__scs_entry_jumppad:
0x0: {  	(pc) =	sbr.rel $0x88, $3  }
0x1: {  	(tag) =	ssettag $0x0;
	lr =	simm.s32 $0x1  }
0x2: {  	[smem:$0x3F9F] =	sst lr;
	_ =	strace $0xD0000000  }
0x3: {  	_ = 	snop  }
0x4: {  	_ = 	snop  }
0x5: {  	_ = 	snop  }
0x6: {  	_ = 	snop  }
0x7: {  	_ = 	snop  }
__scs_overlays_trampoline_lowered:
0x8: {  	[smem:$0x3FAE] =	sst s0  }
0x9: {  	[smem:$0x3FAF] =	sst s1  }
0xa: {  	[smem:$0x3FB0] =	sst s2  }
0xb: {  	[smem:$0x3FB1] =	sst s3  }
0xc: {  	[smem:$0x3FB2] =	sst s4  }
0xd: {  	[smem:$0x3FB3] =	sst s5  }
0xe: {  	[smem:$0x3FB4] =	sst s6  }
0xf: {  	[smem:$0x3FB5] =	sst s7  }
0x10: {  	[smem:$0x3FB6] =	sst s8  }
0x11: {  	[smem:$0x3FB7] =	sst s9;
	s0 =	simm.s32 @!p0 $0x0  }
0x12: {  	s1 =	sld [smem:$0x3F9D];
	s0 =	simm.s32 @p0 $0x1  }
0x13: {  	[smem:$0x3FB8] =	sst s0;
	s0 =	simm.s32 @!p1 $0x0  }
0x14: {  	s2 =	sld [smem:$0x3F9C];
	s0 =	simm.s32 @p1 $0x1  }
0x15: {  	[smem:$0x3FB9] =	sst s0;
	s0 =	simm.s32 @!p2 $0x0  }
0x16: {  	s3 =	sld [smem:$0x3FDB];
	s0 =	simm.s32 @p2 $0x1  }
0x17: {  	s4 =	simm.s32 $0x1BF5;
	[smem:$0x3FBB] =	sst s0  }
0x18: {  	s0 =	sld [smem:$0x3F9E];
	_ =	swait.ge [sflag:s4], $0x0  }
0x19: {  	s7 =	sld [smem:$0x3F9F]  }
0x1a: {  	s8 =	sadd.s32 $0xFFFFE003, lr  }
0x1b: {  	s9 =	sadd.s32 $0xFFFFFEF7, lr;
	s5 =	simm.s32 $0xFFFFFFFF;
	p2 =	slt.u32 s8, $0xFFFFF086  }
0x1c: {  	p1 =	slt.u32 s9, $0xF7A;
	s5 =	simm.s32 @!p2 $0x0  }
0x1d: {  	s5 =	simm.s32 @p1 $0x1;
	p0 =	seq.s32 s7, s2  }
0x1e: {  	s7 =	smul.u32 @!p0 $0xF7A, s2;
	p2 =	seq.s32 @!p0 s5, $0x0  }
0x1f: {  	s9 =	smul.u32 $0xF7A, s1;
	s8 =	simm.s32 @!p0 $0x1BF5;
	p2 =	por !p2, p0  }
0x20: {  	[sflag:s8] =	ssyncset.s32 @!p0 $0xFFFFF086;
	s6 =	sadd.s32 @!p0 s3, s7;
	s7 =	simm.s32 @!p0 $0x108  }
0x21: {  	s3 =	sadd.s32 s3, s9;
	s6 =	sadd.s32 @!p0 $0x88, s6;
	s7 =	simm.s32 @p2 $0x1082  }
0x22: {  	[simem:s7], [sflag:s8] =	dma.local @!p0 [hbm:s6], $0xF7A  }
0x23: {  	s9 =	sor.u32 $0xD0000000, s2;
	s6 =	simm.s32 $0x108;
	_ =	swait.ge @!p0 [sflag:s8], $0x0  }
0x24: {  	s3 =	sadd.s32 $0x88, s3;
	s6 =	simm.s32 @!p1 $0x1082;
	[sflag:s4] =	ssyncset.s32 $0xFFFFF086  }
0x25: {  	[simem:s6], [sflag:s4] =	dma.local [hbm:s3], $0xF7A  }
0x26: {  	[smem:$0x3F9F] =	sst s1;
	(tag) =	ssettag s2;
	_ =	strace s9  }
0x27: {  	s1 =	sld [smem:$0x3FAF]  }
0x28: {  	s2 =	sld [smem:$0x3FB0]  }
0x29: {  	s4 =	sld [smem:$0x3FB2]  }
0x2a: {  	p0 =	seq.s32 s5, $0x0;
	s5 =	sld [smem:$0x3FB3]  }
0x2b: {  	s6 =	sld [smem:$0x3FB4]  }
0x2c: {  	s7 =	sld [smem:$0x3FB5]  }
0x2d: {  	s3 =	simm.s32 $0x108;
	s8 =	sld [smem:$0x3FB6]  }
0x2e: {  	s3 =	simm.s32 @!p0 $0x1082;
	s9 =	sld [smem:$0x3FB7]  }
0x2f: {  	lr =	sadd.s32 s0, s3;
	s0 =	sld [smem:$0x3FAE]  }
0x30: {  	s3 =	sld [smem:$0x3FB1]  }
0x31: {  	[smem:$0x3FBA] =	sst s10  }
0x32: {  	s10 =	sld [smem:$0x3FB8];
	_ =	sdelay $0x3  }
0x33: {  	p0 =	seq.s32 s10, $0x1;
	s10 =	sld [smem:$0x3FBA];
	_ =	sdelay $0x3  }
0x34: {  	[smem:$0x3FBA] =	sst s10  }
0x35: {  	s10 =	sld [smem:$0x3FB9];
	_ =	sdelay $0x3  }
0x36: {  	p1 =	seq.s32 s10, $0x1;
	s10 =	sld [smem:$0x3FBA];
	_ =	sdelay $0x3  }
0x37: {  	[smem:$0x3FBA] =	sst s10  }
0x38: {  	s10 =	sld [smem:$0x3FBB]  }
0x39: {  	_ = 	snop;
	(pc) =	sbr.ind lr, $3  }
0x3a: {  	_ = 	snop  }
0x3b: {  	_ = 	snop  }
0x3c: {  	p2 =	seq.s32 s10, $0x1;
	s10 =	sld [smem:$0x3FBA]  }
0x3d: {  	_ =	shalt  }
0x3e: {  	_ =	shalt  }
0x3f: {  	_ =	shalt  }
0x40: {  	_ =	shalt  }
0x41: {  	_ =	shalt  }
0x42: {  	_ =	shalt  }
0x43: {  	_ =	shalt  }
0x44: {  	_ =	shalt  }
0x45: {  	_ =	shalt  }
0x46: {  	_ =	shalt  }
0x47: {  	_ =	shalt  }
0x48: {  	_ =	shalt  }
0x49: {  	_ =	shalt  }
0x4a: {  	_ =	shalt  }
0x4b: {  	_ =	shalt  }
0x4c: {  	_ =	shalt  }
0x4d: {  	_ =	shalt  }
0x4e: {  	_ =	shalt  }
0x4f: {  	_ =	shalt  }
0x50: {  	_ =	shalt  }
0x51: {  	_ =	shalt  }
0x52: {  	_ =	shalt  }
0x53: {  	_ =	shalt  }
0x54: {  	_ =	shalt  }
0x55: {  	_ =	shalt  }
0x56: {  	_ =	shalt  }
0x57: {  	_ =	shalt  }
0x58: {  	_ =	shalt  }
0x59: {  	_ =	shalt  }
0x5a: {  	_ =	shalt  }
0x5b: {  	_ =	shalt  }
0x5c: {  	_ =	shalt  }
0x5d: {  	_ =	shalt  }
0x5e: {  	_ =	shalt  }
0x5f: {  	_ =	shalt  }
0x60: {  	_ =	shalt  }
0x61: {  	_ =	shalt  }
0x62: {  	_ =	shalt  }
0x63: {  	_ =	shalt  }
0x64: {  	_ =	shalt  }
0x65: {  	_ =	shalt  }
0x66: {  	_ =	shalt  }
0x67: {  	_ =	shalt  }
0x68: {  	_ =	shalt  }
0x69: {  	_ =	shalt  }
0x6a: {  	_ =	shalt  }
0x6b: {  	_ =	shalt  }
0x6c: {  	_ =	shalt  }
0x6d: {  	_ =	shalt  }
0x6e: {  	_ =	shalt  }
0x6f: {  	_ =	shalt  }
0x70: {  	_ =	shalt  }
0x71: {  	_ =	shalt  }
0x72: {  	_ =	shalt  }
0x73: {  	_ =	shalt  }
0x74: {  	_ =	shalt  }
0x75: {  	_ =	shalt  }
0x76: {  	_ =	shalt  }
0x77: {  	_ =	shalt  }
0x78: {  	_ =	shalt  }
0x79: {  	_ =	shalt  }
0x7a: {  	_ =	shalt  }
0x7b: {  	_ =	shalt  }
0x7c: {  	_ =	shalt  }
0x7d: {  	_ =	shalt  }
0x7e: {  	_ =	shalt  }
0x7f: {  	_ =	shalt  }
0x80: {  	_ =	shalt  }
0x81: {  	_ =	shalt  }
0x82: {  	_ =	shalt  }
0x83: {  	_ =	shalt  }
0x84: {  	_ =	shalt  }
0x85: {  	_ =	shalt  }
0x86: {  	_ =	shalt  }
0x87: {  	_ =	shalt  }
.Lfunc_end0:
.L_simem_size_0:
called_computation_lowered:
.L_overlay_start_0:
0x88: {  	s2 =	sld [smem:$0x3FD9]  }
0x89: {  	s3 =	sld [smem:$0x3FFE];
	_ =	sdelay $0x1  }
0x8a: {  	s1 =	srdreg.scid  }
0x8b: {  	s0 =	sand.u32 $0x1, s1  }
0x8c: {  	s15 =	sshll.u32 s0, $0xA;
	s2 =	sadd.s32 s3, s2  }
0x8d: {  	s2 =	sadd.s32 s2, s15  }
0x8e: {  	[smem:$0x3FC6] =	sst s2  }
0x8f: {  	_ = 	snop  }
0x90: {  	s2 =	sld [smem:$0x3FD0];
	_ =	sdelay $0x2  }
0x91: {  	s4 =	simm.s32 $0xA;
	s5 =	simm.s32 $0x10;
	s16 =	sld [smem:$0x3FC8]  }
0x92: {  	[smem:s5], [sflag:s4] =	dma.local [hbm:s2], $0x1  }
0x93: {  	_ =	swait.eq [sflag:s4], $0x1  }
0x94: {  	[sflag:s4] =	ssyncset.done $0x0  }
0x95: {  	s17 =	sld [smem:$0x10];
	[sflag:s4] =	ssyncadd.s32 $0xFFFFFFFF  }
0x96: {  	s18 =	sld [smem:$0x11];
	(tm) =	ssettm $0x1  }
0x97: {  	s19 =	sld [smem:$0x3FFB];
	_ =	sdelay $0x3  }
0x98: {  	_ =	strace s19  }
0x99: {  	s5 =	sld [smem:$0x3FFC];
	_ =	sdelay $0x3  }
0x9a: {  	_ =	strace s5  }
0x9b: {  	s5 =	sld [smem:$0x3FFD];
	_ =	sdelay $0x3  }
0x9c: {  	_ =	strace s5  }
0x9d: {  	_ =	strace $0x8FFFFFFF  }
0x9e: {  	s20 =	sld [smem:$0x3FDB];
	_ =	sdelay $0x1  }
0x9f: {  	s6 =	simm.s32 $_scs_section_size  }
0xa0: {  	s7 =	simm.s32 $_size__tile_overlayer_lowered;
	s8 =	simm.s32 $_tile_overlayer_lowered  }
0xa1: {  	s23 =	simm.s32 $0x1BFF;
	s22 =	sshll.u32 s8, $0x1;
	s5 =	sadd.s32 s6, s20  }
0xa2: {  	s9 =	simm.s32 $0x0;
	s21 =	sshll.u32 s7, $0x1;
	s7 =	sadd.s32 s22, s5  }
0xa3: {  	[timem:s9], [sflag:s23] =	dma.local [hbm:s7], s21  }
0xa4: {  	_ =	swait.ge [sflag:s23], s21  }
0xa5: {  	s6 =	ssub.s32 $0x0, s21;
	[sflag:s23] =	ssyncset.done $0x0  }
0xa6: {  	[sflag:s23] =	ssyncadd.s32 s6;
	_ =	sdelay $0x1  }
0xa7: {  	s24 =	simm.s32 $0x1B8B  }
0xa8: {  	_ =	swait.ge [sflag:s24], $0x1  }
0xa9: {  	[sflag:s24] =	ssyncset.done $0x0  }
0xaa: {  	s25 =	simm.s32 $0x1B8E;
	[sflag:s24] =	ssyncadd.s32 $0xFFFFFFFF  }
0xab: {  	s26 =	simm.s32 $execute0_lowered;
	[smem:$0x3FD2] =	sst s25  }
0xac: {  	s6 =	sshll.u32 s26, $0x1;
	_ =	strace $0x80000046;
	[dreg:$0x1] =	wrdreg $0xFFFFFFFF  }
0xad: {  	s28 =	simm.s32 $_size_execute0_lowered;
	s5 =	sadd.s32 s5, s6;
	[dreg:$0x0] =	wrdreg $0x0  }
0xae: {  	s6 =	sshll.u32 s28, $0x1;
	[dreg:$0x2] =	wrdreg s5  }
0xaf: {  	[dreg:$0x3] =	wrdreg s6  }
0xb0: {  	[dreg:$0x4] =	wrdreg $0xC0  }
0xb1: {  	_ =	task [dreg:s9], $0x5FFFF  }
0xb2: {  	[dreg:$0x1] =	wrdreg $0xFFFFFFFF  }
0xb3: {  	[dreg:$0x0] =	wrdreg $0x60  }
0xb4: {  	[dreg:$0x2] =	wrdreg s16  }
0xb5: {  	[dreg:$0x3] =	wrdreg s17  }
0xb6: {  	[dreg:$0x4] =	wrdreg s18  }
0xb7: {  	[dreg:$0x5] =	wrdreg $0x9  }
0xb8: {  	_ =	task.clear_ibuf [dreg:s9], $0x6FFFF;
	_ =	strace $0x90000046  }
0xb9: {  	s29 =	simm.s32 $0x9;
	_ =	strace $0x80000048  }
0xba: {  	_ =	swait.ge [sflag:s29], $0x1  }
0xbb: {  	[sflag:s29] =	ssyncadd.s32 $0xFFFFFFFF  }
0xbc: {  	_ =	strace $0x90000048  }
0xbd: {  	_ =	sfence  }
0xbe: {  	s30 =	sld [smem:$0x0];
	_ =	sdelay $0x2  }
0xbf: {  	s31 =	sshll.u32 s1, $0xD;
	s1 =	sshrl.u32 s1, $0x2  }
0xc0: {  	s3 =	sand.u32 $0x4000, s31;
	s1 =	sadd.s32 s1, s30  }
0xc1: {  	s0 =	sor.u32 s3, s0;
	s1 =	sshll.u32 s1, $0x11  }
0xc2: {  	s0 =	sor.u32 s1, s0  }
0xc3: {  	s0 =	sadd.s32 $0x8F2B, s0  }
0xc4: {  	[sflag:s0] =	ssyncadd.remote.s32 $0x1  }
0xc5: {  	_ =	sfence.sel $0xFFFF  }
0xc6: {  	[dreg:$0x0] =	wrdreg $0xFFFFFFFF;
	(pc) =	sbr.abs _section_cstart, $3  }
0xc7: {  	[dreg:$0x1] =	wrdreg $0xFFFFFFFF  }
0xc8: {  	_ =	task.clear_ibuf [dreg:s9], $0x2FFFF;
	_ =	strace $0x9FFFFFFF  }
0xc9: {  	(tm) =	ssettm $0x7FFFFFFF  }
tec
execute0_lowered:
.L_overlay_start_1:
0x0: {  	(tag) =	ssettag $0x1  }
0x1: {  	s1 =	rddreg [dreg:$0x0]  }
0x2: {  	s0 =	srdreg.scid;
	s2 =	rddreg [dreg:$0x1]  }
0x3: {  	s3 =	stileid.u32;
	s4 =	sand.u32 $0x1, s0;
	s0 =	rddreg [dreg:$0x2]  }
0x4: {  	s5 =	sshll.u32 s3, $0xB;
	s3 =	simm.s32 $0x0;
	s6 =	sshll.u32 s4, $0xA  }
0x5: {  	s31 =	simm.s32 $0x100;
	[smem:$0x7FF] =	sst s3;
	s5 =	sor.u32 s6, s5  }
0x6: {  	s4 =	ssub.s32 $0x2, s4;
	_ =	strace $0x80000047;
	s6 =	sshrl.u32 s5, $0x3  }
0x7: {  	s7 =	sor.u32 $0x80, s5;
	s24 =	sshll.u32 s5, $0x5;
	s26 =	sor.u32 $0x100, s5  }
0x8: {  	s9 =	sor.u32 $0x180, s5;
	s13 =	sor.u32 $0x200, s5;
	s16 =	sor.u32 $0x280, s5  }
0x9: {  	s21 =	sor.u32 $0x300, s5;
	s5 =	sor.u32 $0x380, s5;
	s6 =	sadd.s32 s2, s6  }
0xa: {  	s8 =	sshrl.u32 s7, $0x3;
	s25 =	sadd.s32 s0, s24;
	s28 =	sshrl.u32 s26, $0x3  }
0xb: {  	s7 =	sshll.u32 s7, $0x5;
	s30 =	sshrl.u32 s9, $0x3;
	s11 =	sshll.u32 s26, $0x5  }
0xc: {  	s14 =	sshrl.u32 s13, $0x3;
	s15 =	sshll.u32 s9, $0x5;
	[dreg:$0x4] =	wrdreg s6  }
0xd: {  	s18 =	sshrl.u32 s16, $0x3;
	s23 =	sadd.s32 s2, s8;
	[dreg:$0x6] =	wrdreg s25  }
0xe: {  	s22 =	sshrl.u32 s21, $0x3;
	s6 =	sadd.s32 s2, s28;
	[dreg:$0x5] =	wrdreg s23  }
0xf: {  	s26 =	sshll.u32 s21, $0x5;
	s29 =	sadd.s32 s0, s7;
	[dreg:$0x7] =	wrdreg s6  }
0x10: {  	s10 =	sadd.s32 s2, s30;
	s12 =	sadd.s32 s0, s11;
	[dreg:$0x8] =	wrdreg s29  }
0x11: {  	s17 =	sadd.s32 s0, s15;
	s19 =	sadd.s32 s2, s18;
	[dreg:$0x9] =	wrdreg s10  }
0x12: {  	s7 =	sshll.u32 s13, $0x5;
	s25 =	sshrl.u32 s5, $0x3;
	[dreg:$0xa] =	wrdreg s12  }
0x13: {  	s28 =	sadd.s32 s0, s26;
	s5 =	sshll.u32 s5, $0x5;
	[dreg:$0xc] =	wrdreg s17  }
0x14: {  	s13 =	simm.s32 $0x1;
	s15 =	simm.s32 $0x2;
	[dreg:$0xd] =	wrdreg s19  }
0x15: {  	s6 =	sadd.s32 s2, s14;
	s20 =	sadd.s32 s0, s7;
	[dreg:$0x12] =	wrdreg s28  }
0x16: {  	s23 =	sshll.u32 s16, $0x5;
	s29 =	sshrl.u32 s4, $0x1;
	[dreg:$0xb] =	wrdreg s6  }
0x17: {  	s14 =	simm.s32 $0x3;
	[dreg:$0xe] =	wrdreg s20;
	s6 =	sadd.s32 s2, s22  }
0x18: {  	s16 =	simm.s32 $0x4;
	s24 =	sadd.s32 s0, s23;
	[dreg:$0xf] =	wrdreg s6  }
0x19: {  	v2 =	vlaneseq.u32;
	s2 =	sadd.s32 s2, s25;
	s0 =	sadd.s32 s0, s5;
	[dreg:$0x10] =	wrdreg s24  }
0x1a: {  	vm0 =	vmmov $0xffff;
	v1 =	vshrl.u32 v2, $0x3;
	s30 =	ssub.s32 s4, s29;
	s5 =	simm.s32 $0x5;
	[dreg:$0x11] =	wrdreg s2  }
0x1b: {  	v0 =	vand.u32 $0x7, v2;
	v2 =	vor.u32 $0x8, v2;
	v1 =	vmul.u32 $0x8, v1;
	s23 =	simm.s32 $0x8100;
	[dreg:$0x13] =	wrdreg s0;
	s4 =	smax.u32 s30, $0x1  }
.LBB2_1:
0x1c: {  	s17 =	rddreg [dreg:$0x4]  }
0x1d: {  	[tilespmem:s3], [sflag:$0x5] =	stream.linear.gather [hbm4b:s17+s3], $0x80, $0x38;
	[tilespmem:$0x10100] =	vst v63  }
0x1e: {  	_ =	swait.ge [sflag:s5], $0x80  }
0x1f: {  	[sflag:s5] =	ssyncset.done $0x0  }
0x20: {  	[sflag:s5] =	ssyncadd.s32 $0xFFFFFF80  }
0x21: {  	v3 =	vld [tilespmem:$0x0];
	_ =	sdelay $0x4  }
0x22: {  	v4 =	vshll.u32 v3, $0x1  }
0x23: {  	v3 =	vand.u32 $0x7, v3;
	v4 =	vand.u32 $0xFFFFFFF0, v4  }
0x24: {  	v3 =	vor.u32 v3, v4  }
0x25: {  	v4 =	vperm.xlane v3, v0;
	_ =	sdelay $0x1  }
0x26: {  	v3 =	vperm.xlane v3, v2;
	v4 =	vadd.s32 v1, v4;
	_ =	sdelay $0x1  }
0x27: {  	v3 =	vadd.s32 v1, v3;
	_ =	sdelay $0x2  }
0x28: {  	[tilespmem:s31], [sflag:$0x1] =	stream.indirect_vreg.gather [hbm4b:s1+s3], $0x80, v4, vm0, $0xb8;
	[tilespmem:$0x10100] =	vst v63  }
0x29: {  	s0 =	simm.s32 $0x900  }
0x2a: {  	[tilespmem:s0], [sflag:$0x1] =	stream.indirect_vreg.gather [hbm4b:s1+s3], $0x80, v3, vm0, $0xb8;
	[tilespmem:$0x10100] =	vst v63  }
0x2b: {  	v3 =	vld [tilespmem:$0x10];
	_ =	sdelay $0x4  }
0x2c: {  	v57 =	vshll.u32 v3, $0x1  }
0x2d: {  	v3 =	vand.u32 $0x7, v3;
	v4 =	vand.u32 $0xFFFFFFF0, v57  }
0x2e: {  	v3 =	vor.u32 v3, v4  }
0x2f: {  	v4 =	vperm.xlane v3, v0;
	_ =	sdelay $0x1  }
0x30: {  	v3 =	vperm.xlane v3, v2;
	v4 =	vadd.s32 v1, v4;
	_ =	sdelay $0x1  }
0x31: {  	v3 =	vadd.s32 v1, v3;
	_ =	sdelay $0x1  }
0x32: {  	s12 =	simm.s32 $0x1100  }
0x33: {  	[tilespmem:s12], [sflag:$0x1] =	stream.indirect_vreg.gather [hbm4b:s1+s3], $0x80, v4, vm0, $0xb8;
	[tilespmem:$0x10100] =	vst v63  }
0x34: {  	s17 =	simm.s32 $0x1900  }
0x35: {  	[tilespmem:s17], [sflag:$0x1] =	stream.indirect_vreg.gather [hbm4b:s1+s3], $0x80, v3, vm0, $0xb8;
	[tilespmem:$0x10100] =	vst v63  }
0x36: {  	v3 =	vld [tilespmem:$0x20];
	_ =	sdelay $0x4  }
0x37: {  	v58 =	vshll.u32 v3, $0x1  }
0x38: {  	v3 =	vand.u32 $0x7, v3;
	v4 =	vand.u32 $0xFFFFFFF0, v58  }
0x39: {  	v3 =	vor.u32 v3, v4  }
0x3a: {  	v4 =	vperm.xlane v3, v0;
	_ =	sdelay $0x1  }
0x3b: {  	v3 =	vperm.xlane v3, v2;
	v4 =	vadd.s32 v1, v4;
	_ =	sdelay $0x1  }
0x3c: {  	v3 =	vadd.s32 v1, v3;
	_ =	sdelay $0x1  }
0x3d: {  	s18 =	simm.s32 $0x2100  }
0x3e: {  	[tilespmem:s18], [sflag:$0x1] =	stream.indirect_vreg.gather [hbm4b:s1+s3], $0x80, v4, vm0, $0xb8;
	[tilespmem:$0x10100] =	vst v63  }
0x3f: {  	s19 =	simm.s32 $0x2900  }
0x40: {  	[tilespmem:s19], [sflag:$0x1] =	stream.indirect_vreg.gather [hbm4b:s1+s3], $0x80, v3, vm0, $0xb8;
	[tilespmem:$0x10100] =	vst v63  }
0x41: {  	v3 =	vld [tilespmem:$0x30];
	_ =	sdelay $0x4  }
0x42: {  	v59 =	vshll.u32 v3, $0x1  }
0x43: {  	v3 =	vand.u32 $0x7, v3;
	v4 =	vand.u32 $0xFFFFFFF0, v59  }
0x44: {  	v3 =	vor.u32 v3, v4  }
0x45: {  	v4 =	vperm.xlane v3, v0;
	_ =	sdelay $0x1  }
0x46: {  	v3 =	vperm.xlane v3, v2;
	v4 =	vadd.s32 v1, v4;
	_ =	sdelay $0x1  }
0x47: {  	v3 =	vadd.s32 v1, v3;
	_ =	sdelay $0x1  }
0x48: {  	s20 =	simm.s32 $0x3100  }
0x49: {  	[tilespmem:s20], [sflag:$0x1] =	stream.indirect_vreg.gather [hbm4b:s1+s3], $0x80, v4, vm0, $0xb8;
	[tilespmem:$0x10100] =	vst v63  }
0x4a: {  	s21 =	simm.s32 $0x3900  }
0x4b: {  	[tilespmem:s21], [sflag:$0x1] =	stream.indirect_vreg.gather [hbm4b:s1+s3], $0x80, v3, vm0, $0xb8;
	[tilespmem:$0x10100] =	vst v63  }
0x4c: {  	v3 =	vld [tilespmem:$0x40];
	_ =	sdelay $0x4  }
0x4d: {  	v60 =	vshll.u32 v3, $0x1  }
0x4e: {  	v3 =	vand.u32 $0x7, v3;
	v4 =	vand.u32 $0xFFFFFFF0, v60  }
0x4f: {  	v3 =	vor.u32 v3, v4  }
0x50: {  	v4 =	vperm.xlane v3, v0;
	_ =	sdelay $0x1  }
0x51: {  	v3 =	vperm.xlane v3, v2;
	v4 =	vadd.s32 v1, v4;
	_ =	sdelay $0x1  }
0x52: {  	v3 =	vadd.s32 v1, v3;
	_ =	sdelay $0x1  }
0x53: {  	s22 =	simm.s32 $0x4100  }
0x54: {  	[tilespmem:s22], [sflag:$0x1] =	stream.indirect_vreg.gather [hbm4b:s1+s3], $0x80, v4, vm0, $0xb8;
	[tilespmem:$0x10100] =	vst v63  }
0x55: {  	s24 =	simm.s32 $0x4900  }
0x56: {  	[tilespmem:s24], [sflag:$0x1] =	stream.indirect_vreg.gather [hbm4b:s1+s3], $0x80, v3, vm0, $0xb8;
	[tilespmem:$0x10100] =	vst v63  }
0x57: {  	v3 =	vld [tilespmem:$0x50];
	_ =	sdelay $0x4  }
0x58: {  	v61 =	vshll.u32 v3, $0x1  }
0x59: {  	v3 =	vand.u32 $0x7, v3;
	v4 =	vand.u32 $0xFFFFFFF0, v61  }
0x5a: {  	v3 =	vor.u32 v3, v4  }
0x5b: {  	v4 =	vperm.xlane v3, v0;
	_ =	sdelay $0x1  }
0x5c: {  	v3 =	vperm.xlane v3, v2;
	v4 =	vadd.s32 v1, v4;
	_ =	sdelay $0x1  }
0x5d: {  	v3 =	vadd.s32 v1, v3;
	_ =	sdelay $0x1  }
0x5e: {  	s25 =	simm.s32 $0x5100  }
0x5f: {  	[tilespmem:s25], [sflag:$0x1] =	stream.indirect_vreg.gather [hbm4b:s1+s3], $0x80, v4, vm0, $0xb8;
	[tilespmem:$0x10100] =	vst v63  }
0x60: {  	s26 =	simm.s32 $0x5900  }
0x61: {  	[tilespmem:s26], [sflag:$0x1] =	stream.indirect_vreg.gather [hbm4b:s1+s3], $0x80, v3, vm0, $0xb8;
	[tilespmem:$0x10100] =	vst v63  }
0x62: {  	v3 =	vld [tilespmem:$0x60];
	_ =	sdelay $0x4  }
0x63: {  	v62 =	vshll.u32 v3, $0x1  }
0x64: {  	v3 =	vand.u32 $0x7, v3;
	v4 =	vand.u32 $0xFFFFFFF0, v62  }
0x65: {  	v3 =	vor.u32 v3, v4  }
0x66: {  	v4 =	vperm.xlane v3, v0;
	_ =	sdelay $0x1  }
0x67: {  	v3 =	vperm.xlane v3, v2;
	v4 =	vadd.s32 v1, v4;
	_ =	sdelay $0x1  }
0x68: {  	v3 =	vadd.s32 v1, v3;
	_ =	sdelay $0x1  }
0x69: {  	s28 =	simm.s32 $0x6100  }
0x6a: {  	[tilespmem:s28], [sflag:$0x1] =	stream.indirect_vreg.gather [hbm4b:s1+s3], $0x80, v4, vm0, $0xb8;
	[tilespmem:$0x10100] =	vst v63  }
0x6b: {  	s29 =	simm.s32 $0x6900  }
0x6c: {  	[tilespmem:s29], [sflag:$0x1] =	stream.indirect_vreg.gather [hbm4b:s1+s3], $0x80, v3, vm0, $0xb8;
	[tilespmem:$0x10100] =	vst v63  }
0x6d: {  	v3 =	vld [tilespmem:$0x70];
	_ =	sdelay $0x4  }
0x6e: {  	v63 =	vshll.u32 v3, $0x1  }
0x6f: {  	v3 =	vand.u32 $0x7, v3;
	v4 =	vand.u32 $0xFFFFFFF0, v63  }
0x70: {  	v3 =	vor.u32 v3, v4  }
0x71: {  	v4 =	vperm.xlane v3, v0;
	_ =	sdelay $0x1  }
0x72: {  	v3 =	vperm.xlane v3, v2;
	v4 =	vadd.s32 v1, v4;
	_ =	sdelay $0x1  }
0x73: {  	v3 =	vadd.s32 v1, v3;
	_ =	sdelay $0x1  }
0x74: {  	s30 =	simm.s32 $0x7100  }
0x75: {  	[tilespmem:s30], [sflag:$0x1] =	stream.indirect_vreg.gather [hbm4b:s1+s3], $0x80, v4, vm0, $0xb8;
	[tilespmem:$0x10100] =	vst v63  }
0x76: {  	s18 =	simm.s32 $0x7900  }
0x77: {  	[tilespmem:s18], [sflag:$0x1] =	stream.indirect_vreg.gather [hbm4b:s1+s3], $0x80, v3, vm0, $0xb8;
	[tilespmem:$0x10100] =	vst v63  }
0x78: {  	s11 =	rddreg [dreg:$0x5];
	s19 =	simm.s32 $0x80  }
0x79: {  	[tilespmem:s19], [sflag:$0x5] =	stream.linear.gather [hbm4b:s11+s3], $0x80, $0x38;
	[tilespmem:$0x10100] =	vst v63  }
0x7a: {  	_ =	swait.ge [sflag:s5], $0x80  }
0x7b: {  	[sflag:s5] =	ssyncset.done $0x0  }
0x7c: {  	[sflag:s5] =	ssyncadd.s32 $0xFFFFFF80  }
0x7d: {  	v3 =	vld [tilespmem:$0x80];
	_ =	sdelay $0x4  }
0x7e: {  	v8 =	vshll.u32 v3, $0x1  }
0x7f: {  	v3 =	vand.u32 $0x7, v3;
	v4 =	vand.u32 $0xFFFFFFF0, v8  }
0x80: {  	v3 =	vor.u32 v3, v4  }
0x81: {  	v4 =	vperm.xlane v3, v0;
	_ =	sdelay $0x1  }
0x82: {  	v3 =	vperm.xlane v3, v2;
	v4 =	vadd.s32 v1, v4;
	_ =	sdelay $0x1  }
0x83: {  	v3 =	vadd.s32 v1, v3;
	_ =	sdelay $0x2  }
0x84: {  	[tilespmem:s23], [sflag:$0x2] =	stream.indirect_vreg.gather [hbm4b:s1+s3], $0x80, v4, vm0, $0xb8;
	[tilespmem:$0x10100] =	vst v63  }
0x85: {  	s20 =	simm.s32 $0x8900  }
0x86: {  	[tilespmem:s20], [sflag:$0x2] =	stream.indirect_vreg.gather [hbm4b:s1+s3], $0x80, v3, vm0, $0xb8;
	[tilespmem:$0x10100] =	vst v63  }
0x87: {  	v3 =	vld [tilespmem:$0x90];
	_ =	sdelay $0x4  }
0x88: {  	v9 =	vshll.u32 v3, $0x1  }
0x89: {  	v3 =	vand.u32 $0x7, v3;
	v4 =	vand.u32 $0xFFFFFFF0, v9  }
0x8a: {  	v3 =	vor.u32 v3, v4  }
0x8b: {  	v4 =	vperm.xlane v3, v0;
	_ =	sdelay $0x1  }
0x8c: {  	v3 =	vperm.xlane v3, v2;
	v4 =	vadd.s32 v1, v4;
	_ =	sdelay $0x1  }
0x8d: {  	v3 =	vadd.s32 v1, v3;
	_ =	sdelay $0x1  }
0x8e: {  	s21 =	simm.s32 $0x9100  }
0x8f: {  	[tilespmem:s21], [sflag:$0x2] =	stream.indirect_vreg.gather [hbm4b:s1+s3], $0x80, v4, vm0, $0xb8;
	[tilespmem:$0x10100] =	vst v63  }
0x90: {  	s22 =	simm.s32 $0x9900  }
0x91: {  	[tilespmem:s22], [sflag:$0x2] =	stream.indirect_vreg.gather [hbm4b:s1+s3], $0x80, v3, vm0, $0xb8;
	[tilespmem:$0x10100] =	vst v63  }
0x92: {  	v3 =	vld [tilespmem:$0xA0];
	_ =	sdelay $0x4  }
0x93: {  	v10 =	vshll.u32 v3, $0x1  }
0x94: {  	v3 =	vand.u32 $0x7, v3;
	v4 =	vand.u32 $0xFFFFFFF0, v10  }
0x95: {  	v3 =	vor.u32 v3, v4  }
0x96: {  	v4 =	vperm.xlane v3, v0;
	_ =	sdelay $0x1  }
0x97: {  	v3 =	vperm.xlane v3, v2;
	v4 =	vadd.s32 v1, v4;
	_ =	sdelay $0x1  }
0x98: {  	v3 =	vadd.s32 v1, v3;
	_ =	sdelay $0x1  }
0x99: {  	s24 =	simm.s32 $0xA100  }
0x9a: {  	[tilespmem:s24], [sflag:$0x2] =	stream.indirect_vreg.gather [hbm4b:s1+s3], $0x80, v4, vm0, $0xb8;
	[tilespmem:$0x10100] =	vst v63  }
0x9b: {  	s25 =	simm.s32 $0xA900  }
0x9c: {  	[tilespmem:s25], [sflag:$0x2] =	stream.indirect_vreg.gather [hbm4b:s1+s3], $0x80, v3, vm0, $0xb8;
	[tilespmem:$0x10100] =	vst v63  }
0x9d: {  	v3 =	vld [tilespmem:$0xB0];
	_ =	sdelay $0x4  }
0x9e: {  	v11 =	vshll.u32 v3, $0x1  }
0x9f: {  	v3 =	vand.u32 $0x7, v3;
	v4 =	vand.u32 $0xFFFFFFF0, v11  }
0xa0: {  	v3 =	vor.u32 v3, v4  }
0xa1: {  	v4 =	vperm.xlane v3, v0;
	_ =	sdelay $0x1  }
0xa2: {  	v3 =	vperm.xlane v3, v2;
	v4 =	vadd.s32 v1, v4;
	_ =	sdelay $0x1  }
0xa3: {  	v3 =	vadd.s32 v1, v3;
	_ =	sdelay $0x1  }
0xa4: {  	s26 =	simm.s32 $0xB100  }
0xa5: {  	[tilespmem:s26], [sflag:$0x2] =	stream.indirect_vreg.gather [hbm4b:s1+s3], $0x80, v4, vm0, $0xb8;
	[tilespmem:$0x10100] =	vst v63  }
0xa6: {  	s28 =	simm.s32 $0xB900  }
0xa7: {  	[tilespmem:s28], [sflag:$0x2] =	stream.indirect_vreg.gather [hbm4b:s1+s3], $0x80, v3, vm0, $0xb8;
	[tilespmem:$0x10100] =	vst v63  }
0xa8: {  	v3 =	vld [tilespmem:$0xC0];
	_ =	sdelay $0x4  }
0xa9: {  	v12 =	vshll.u32 v3, $0x1  }
0xaa: {  	v3 =	vand.u32 $0x7, v3;
	v4 =	vand.u32 $0xFFFFFFF0, v12  }
0xab: {  	v3 =	vor.u32 v3, v4  }
0xac: {  	v4 =	vperm.xlane v3, v0;
	_ =	sdelay $0x1  }
0xad: {  	v3 =	vperm.xlane v3, v2;
	v4 =	vadd.s32 v1, v4;
	_ =	sdelay $0x1  }
0xae: {  	v3 =	vadd.s32 v1, v3;
	_ =	sdelay $0x1  }
0xaf: {  	s30 =	simm.s32 $0xC100  }
0xb0: {  	[tilespmem:s30], [sflag:$0x2] =	stream.indirect_vreg.gather [hbm4b:s1+s3], $0x80, v4, vm0, $0xb8;
	[tilespmem:$0x10100] =	vst v63  }
0xb1: {  	s0 =	simm.s32 $0xC900  }
0xb2: {  	[tilespmem:s0], [sflag:$0x2] =	stream.indirect_vreg.gather [hbm4b:s1+s3], $0x80, v3, vm0, $0xb8;
	[tilespmem:$0x10100] =	vst v63  }
0xb3: {  	v3 =	vld [tilespmem:$0xD0];
	_ =	sdelay $0x4  }
0xb4: {  	v13 =	vshll.u32 v3, $0x1  }
0xb5: {  	v3 =	vand.u32 $0x7, v3;
	v4 =	vand.u32 $0xFFFFFFF0, v13  }
0xb6: {  	v3 =	vor.u32 v3, v4  }
0xb7: {  	v4 =	vperm.xlane v3, v0;
	_ =	sdelay $0x1  }
0xb8: {  	v3 =	vperm.xlane v3, v2;
	v4 =	vadd.s32 v1, v4;
	_ =	sdelay $0x1  }
0xb9: {  	v3 =	vadd.s32 v1, v3;
	_ =	sdelay $0x1  }
0xba: {  	s11 =	simm.s32 $0xD100  }
0xbb: {  	[tilespmem:s11], [sflag:$0x2] =	stream.indirect_vreg.gather [hbm4b:s1+s3], $0x80, v4, vm0, $0xb8;
	[tilespmem:$0x10100] =	vst v63  }
0xbc: {  	s18 =	simm.s32 $0xD900  }
0xbd: {  	[tilespmem:s18], [sflag:$0x2] =	stream.indirect_vreg.gather [hbm4b:s1+s3], $0x80, v3, vm0, $0xb8;
	[tilespmem:$0x10100] =	vst v63  }
0xbe: {  	v3 =	vld [tilespmem:$0xE0];
	_ =	sdelay $0x4  }
0xbf: {  	v14 =	vshll.u32 v3, $0x1  }
0xc0: {  	v3 =	vand.u32 $0x7, v3;
	v4 =	vand.u32 $0xFFFFFFF0, v14  }
0xc1: {  	v3 =	vor.u32 v3, v4  }
0xc2: {  	v4 =	vperm.xlane v3, v0;
	_ =	sdelay $0x1  }
0xc3: {  	v3 =	vperm.xlane v3, v2;
	v4 =	vadd.s32 v1, v4;
	_ =	sdelay $0x1  }
0xc4: {  	v3 =	vadd.s32 v1, v3;
	_ =	sdelay $0x1  }
0xc5: {  	s19 =	simm.s32 $0xE100  }
0xc6: {  	[tilespmem:s19], [sflag:$0x2] =	stream.indirect_vreg.gather [hbm4b:s1+s3], $0x80, v4, vm0, $0xb8;
	[tilespmem:$0x10100] =	vst v63  }
0xc7: {  	s21 =	simm.s32 $0xE900  }
0xc8: {  	[tilespmem:s21], [sflag:$0x2] =	stream.indirect_vreg.gather [hbm4b:s1+s3], $0x80, v3, vm0, $0xb8;
	[tilespmem:$0x10100] =	vst v63  }
0xc9: {  	v3 =	vld [tilespmem:$0xF0];
	_ =	sdelay $0x4  }
0xca: {  	v15 =	vshll.u32 v3, $0x1  }
0xcb: {  	v3 =	vand.u32 $0x7, v3;
	v4 =	vand.u32 $0xFFFFFFF0, v15  }
0xcc: {  	v3 =	vor.u32 v3, v4  }
0xcd: {  	v4 =	vperm.xlane v3, v0;
	_ =	sdelay $0x1  }
0xce: {  	v3 =	vperm.xlane v3, v2;
	v4 =	vadd.s32 v1, v4;
	_ =	sdelay $0x1  }
0xcf: {  	v3 =	vadd.s32 v1, v3;
	_ =	sdelay $0x1  }
0xd0: {  	s22 =	simm.s32 $0xF100  }
0xd1: {  	[tilespmem:s22], [sflag:$0x2] =	stream.indirect_vreg.gather [hbm4b:s1+s3], $0x80, v4, vm0, $0xb8;
	[tilespmem:$0x10100] =	vst v63  }
0xd2: {  	s26 =	simm.s32 $0xF900  }
0xd3: {  	[tilespmem:s26], [sflag:$0x2] =	stream.indirect_vreg.gather [hbm4b:s1+s3], $0x80, v3, vm0, $0xb8;
	[tilespmem:$0x10100] =	vst v63  }
0xd4: {  	_ =	swait.ge [sflag:s13], $0x8000  }
0xd5: {  	[sflag:s13] =	ssyncset.done $0x0  }
0xd6: {  	s30 =	rddreg [dreg:$0x6];
	[sflag:s13] =	ssyncadd.s32 $0xFFFF8000  }
0xd7: {  	[hbm4b:s30+s3] =	stream.linear.scatter [tilespmem:s31], [sflag:$0x3], $0x8000, $0x38;
	[tilespmem:$0x10100] =	vst v63  }
0xd8: {  	_ =	swait.ge [sflag:s14], $0x8000  }
0xd9: {  	[sflag:s14] =	ssyncset.done $0x0  }
0xda: {  	s0 =	rddreg [dreg:$0x7];
	[sflag:s14] =	ssyncadd.s32 $0xFFFF8000  }
0xdb: {  	[tilespmem:s3], [sflag:$0x5] =	stream.linear.gather [hbm4b:s0+s3], $0x80, $0x38;
	[tilespmem:$0x10100] =	vst v63  }
0xdc: {  	_ =	swait.ge [sflag:s5], $0x80  }
0xdd: {  	[sflag:s5] =	ssyncset.done $0x0  }
0xde: {  	[sflag:s5] =	ssyncadd.s32 $0xFFFFFF80  }
0xdf: {  	v3 =	vld [tilespmem:$0x0];
	_ =	sdelay $0x4  }
0xe0: {  	v16 =	vshll.u32 v3, $0x1  }
0xe1: {  	v3 =	vand.u32 $0x7, v3;
	v4 =	vand.u32 $0xFFFFFFF0, v16  }
0xe2: {  	v3 =	vor.u32 v3, v4  }
0xe3: {  	v4 =	vperm.xlane v3, v0;
	_ =	sdelay $0x1  }
0xe4: {  	v3 =	vperm.xlane v3, v2;
	v4 =	vadd.s32 v1, v4;
	_ =	sdelay $0x1  }
0xe5: {  	v3 =	vadd.s32 v1, v3;
	_ =	sdelay $0x2  }
0xe6: {  	[tilespmem:s31], [sflag:$0x1] =	stream.indirect_vreg.gather [hbm4b:s1+s3], $0x80, v4, vm0, $0xb8;
	[tilespmem:$0x10100] =	vst v63  }
0xe7: {  	s8 =	simm.s32 $0x900  }
0xe8: {  	[tilespmem:s8], [sflag:$0x1] =	stream.indirect_vreg.gather [hbm4b:s1+s3], $0x80, v3, vm0, $0xb8;
	[tilespmem:$0x10100] =	vst v63  }
0xe9: {  	v3 =	vld [tilespmem:$0x10];
	_ =	sdelay $0x4  }
0xea: {  	v17 =	vshll.u32 v3, $0x1  }
0xeb: {  	v3 =	vand.u32 $0x7, v3;
	v4 =	vand.u32 $0xFFFFFFF0, v17  }
0xec: {  	v3 =	vor.u32 v3, v4  }
0xed: {  	v4 =	vperm.xlane v3, v0;
	_ =	sdelay $0x1  }
0xee: {  	v3 =	vperm.xlane v3, v2;
	v4 =	vadd.s32 v1, v4;
	_ =	sdelay $0x1  }
0xef: {  	v3 =	vadd.s32 v1, v3;
	_ =	sdelay $0x1  }
0xf0: {  	s2 =	simm.s32 $0x1100  }
0xf1: {  	[tilespmem:s2], [sflag:$0x1] =	stream.indirect_vreg.gather [hbm4b:s1+s3], $0x80, v4, vm0, $0xb8;
	[tilespmem:$0x10100] =	vst v63  }
0xf2: {  	s9 =	simm.s32 $0x1900  }
0xf3: {  	[tilespmem:s9], [sflag:$0x1] =	stream.indirect_vreg.gather [hbm4b:s1+s3], $0x80, v3, vm0, $0xb8;
	[tilespmem:$0x10100] =	vst v63  }
0xf4: {  	v3 =	vld [tilespmem:$0x20];
	_ =	sdelay $0x4  }
0xf5: {  	v18 =	vshll.u32 v3, $0x1  }
0xf6: {  	v3 =	vand.u32 $0x7, v3;
	v4 =	vand.u32 $0xFFFFFFF0, v18  }
0xf7: {  	v3 =	vor.u32 v3, v4  }
0xf8: {  	v4 =	vperm.xlane v3, v0;
	_ =	sdelay $0x1  }
0xf9: {  	v3 =	vperm.xlane v3, v2;
	v4 =	vadd.s32 v1, v4;
	_ =	sdelay $0x1  }
0xfa: {  	v3 =	vadd.s32 v1, v3;
	_ =	sdelay $0x1  }
0xfb: {  	s6 =	simm.s32 $0x2100  }
0xfc: {  	[tilespmem:s6], [sflag:$0x1] =	stream.indirect_vreg.gather [hbm4b:s1+s3], $0x80, v4, vm0, $0xb8;
	[tilespmem:$0x10100] =	vst v63  }
0xfd: {  	s26 =	simm.s32 $0x2900  }
0xfe: {  	[tilespmem:s26], [sflag:$0x1] =	stream.indirect_vreg.gather [hbm4b:s1+s3], $0x80, v3, vm0, $0xb8;
	[tilespmem:$0x10100] =	vst v63  }
0xff: {  	v3 =	vld [tilespmem:$0x30];
	_ =	sdelay $0x4  }
0x100: {  	v19 =	vshll.u32 v3, $0x1  }
0x101: {  	v3 =	vand.u32 $0x7, v3;
	v4 =	vand.u32 $0xFFFFFFF0, v19  }
0x102: {  	v3 =	vor.u32 v3, v4  }
0x103: {  	v4 =	vperm.xlane v3, v0;
	_ =	sdelay $0x1  }
0x104: {  	v3 =	vperm.xlane v3, v2;
	v4 =	vadd.s32 v1, v4;
	_ =	sdelay $0x1  }
0x105: {  	v3 =	vadd.s32 v1, v3;
	_ =	sdelay $0x1  }
0x106: {  	s7 =	simm.s32 $0x3100  }
0x107: {  	[tilespmem:s7], [sflag:$0x1] =	stream.indirect_vreg.gather [hbm4b:s1+s3], $0x80, v4, vm0, $0xb8;
	[tilespmem:$0x10100] =	vst v63  }
0x108: {  	s10 =	simm.s32 $0x3900  }
0x109: {  	[tilespmem:s10], [sflag:$0x1] =	stream.indirect_vreg.gather [hbm4b:s1+s3], $0x80, v3, vm0, $0xb8;
	[tilespmem:$0x10100] =	vst v63  }
0x10a: {  	v3 =	vld [tilespmem:$0x40];
	_ =	sdelay $0x4  }
0x10b: {  	v20 =	vshll.u32 v3, $0x1  }
0x10c: {  	v3 =	vand.u32 $0x7, v3;
	v4 =	vand.u32 $0xFFFFFFF0, v20  }
0x10d: {  	v3 =	vor.u32 v3, v4  }
0x10e: {  	v4 =	vperm.xlane v3, v0;
	_ =	sdelay $0x1  }
0x10f: {  	v3 =	vperm.xlane v3, v2;
	v4 =	vadd.s32 v1, v4;
	_ =	sdelay $0x1  }
0x110: {  	v3 =	vadd.s32 v1, v3;
	_ =	sdelay $0x1  }
0x111: {  	s8 =	simm.s32 $0x4100  }
0x112: {  	[tilespmem:s8], [sflag:$0x1] =	stream.indirect_vreg.gather [hbm4b:s1+s3], $0x80, v4, vm0, $0xb8;
	[tilespmem:$0x10100] =	vst v63  }
0x113: {  	s11 =	simm.s32 $0x4900  }
0x114: {  	[tilespmem:s11], [sflag:$0x1] =	stream.indirect_vreg.gather [hbm4b:s1+s3], $0x80, v3, vm0, $0xb8;
	[tilespmem:$0x10100] =	vst v63  }
0x115: {  	v3 =	vld [tilespmem:$0x50];
	_ =	sdelay $0x4  }
0x116: {  	v21 =	vshll.u32 v3, $0x1  }
0x117: {  	v3 =	vand.u32 $0x7, v3;
	v4 =	vand.u32 $0xFFFFFFF0, v21  }
0x118: {  	v3 =	vor.u32 v3, v4  }
0x119: {  	v4 =	vperm.xlane v3, v0;
	_ =	sdelay $0x1  }
0x11a: {  	v3 =	vperm.xlane v3, v2;
	v4 =	vadd.s32 v1, v4;
	_ =	sdelay $0x1  }
0x11b: {  	v3 =	vadd.s32 v1, v3;
	_ =	sdelay $0x1  }
0x11c: {  	s9 =	simm.s32 $0x5100  }
0x11d: {  	[tilespmem:s9], [sflag:$0x1] =	stream.indirect_vreg.gather [hbm4b:s1+s3], $0x80, v4, vm0, $0xb8;
	[tilespmem:$0x10100] =	vst v63  }
0x11e: {  	s12 =	simm.s32 $0x5900  }
0x11f: {  	[tilespmem:s12], [sflag:$0x1] =	stream.indirect_vreg.gather [hbm4b:s1+s3], $0x80, v3, vm0, $0xb8;
	[tilespmem:$0x10100] =	vst v63  }
0x120: {  	v3 =	vld [tilespmem:$0x60];
	_ =	sdelay $0x4  }
0x121: {  	v22 =	vshll.u32 v3, $0x1  }
0x122: {  	v3 =	vand.u32 $0x7, v3;
	v4 =	vand.u32 $0xFFFFFFF0, v22  }
0x123: {  	v3 =	vor.u32 v3, v4  }
0x124: {  	v4 =	vperm.xlane v3, v0;
	_ =	sdelay $0x1  }
0x125: {  	v3 =	vperm.xlane v3, v2;
	v4 =	vadd.s32 v1, v4;
	_ =	sdelay $0x1  }
0x126: {  	v3 =	vadd.s32 v1, v3;
	_ =	sdelay $0x1  }
0x127: {  	s10 =	simm.s32 $0x6100  }
0x128: {  	[tilespmem:s10], [sflag:$0x1] =	stream.indirect_vreg.gather [hbm4b:s1+s3], $0x80, v4, vm0, $0xb8;
	[tilespmem:$0x10100] =	vst v63  }
0x129: {  	s12 =	simm.s32 $0x6900  }
0x12a: {  	[tilespmem:s12], [sflag:$0x1] =	stream.indirect_vreg.gather [hbm4b:s1+s3], $0x80, v3, vm0, $0xb8;
	[tilespmem:$0x10100] =	vst v63  }
0x12b: {  	v3 =	vld [tilespmem:$0x70];
	_ =	sdelay $0x4  }
0x12c: {  	v23 =	vshll.u32 v3, $0x1  }
0x12d: {  	v3 =	vand.u32 $0x7, v3;
	v4 =	vand.u32 $0xFFFFFFF0, v23  }
0x12e: {  	v3 =	vor.u32 v3, v4  }
0x12f: {  	v4 =	vperm.xlane v3, v0;
	_ =	sdelay $0x1  }
0x130: {  	v3 =	vperm.xlane v3, v2;
	v4 =	vadd.s32 v1, v4;
	_ =	sdelay $0x1  }
0x131: {  	v3 =	vadd.s32 v1, v3;
	_ =	sdelay $0x1  }
0x132: {  	s18 =	simm.s32 $0x7100  }
0x133: {  	[tilespmem:s18], [sflag:$0x1] =	stream.indirect_vreg.gather [hbm4b:s1+s3], $0x80, v4, vm0, $0xb8;
	[tilespmem:$0x10100] =	vst v63  }
0x134: {  	s19 =	simm.s32 $0x7900  }
0x135: {  	[tilespmem:s19], [sflag:$0x1] =	stream.indirect_vreg.gather [hbm4b:s1+s3], $0x80, v3, vm0, $0xb8;
	[tilespmem:$0x10100] =	vst v63  }
0x136: {  	_ =	swait.ge [sflag:s15], $0x8000  }
0x137: {  	[sflag:s15] =	ssyncset.done $0x0  }
0x138: {  	s6 =	rddreg [dreg:$0x8];
	[sflag:s15] =	ssyncadd.s32 $0xFFFF8000  }
0x139: {  	[hbm4b:s6+s3] =	stream.linear.scatter [tilespmem:s23], [sflag:$0x4], $0x8000, $0x38;
	[tilespmem:$0x10100] =	vst v63  }
0x13a: {  	_ =	swait.ge [sflag:s16], $0x8000  }
0x13b: {  	[sflag:s16] =	ssyncset.done $0x0  }
0x13c: {  	s2 =	simm.s32 $0x80;
	s7 =	rddreg [dreg:$0x9];
	[sflag:s16] =	ssyncadd.s32 $0xFFFF8000  }
0x13d: {  	[tilespmem:s2], [sflag:$0x5] =	stream.linear.gather [hbm4b:s7+s3], $0x80, $0x38;
	[tilespmem:$0x10100] =	vst v63  }
0x13e: {  	_ =	swait.ge [sflag:s5], $0x80  }
0x13f: {  	[sflag:s5] =	ssyncset.done $0x0  }
0x140: {  	[sflag:s5] =	ssyncadd.s32 $0xFFFFFF80  }
0x141: {  	v3 =	vld [tilespmem:$0x80];
	_ =	sdelay $0x4  }
0x142: {  	v24 =	vshll.u32 v3, $0x1  }
0x143: {  	v3 =	vand.u32 $0x7, v3;
	v4 =	vand.u32 $0xFFFFFFF0, v24  }
0x144: {  	v3 =	vor.u32 v3, v4  }
0x145: {  	v4 =	vperm.xlane v3, v0;
	_ =	sdelay $0x1  }
0x146: {  	v3 =	vperm.xlane v3, v2;
	v4 =	vadd.s32 v1, v4;
	_ =	sdelay $0x1  }
0x147: {  	v3 =	vadd.s32 v1, v3;
	_ =	sdelay $0x2  }
0x148: {  	[tilespmem:s23], [sflag:$0x2] =	stream.indirect_vreg.gather [hbm4b:s1+s3], $0x80, v4, vm0, $0xb8;
	[tilespmem:$0x10100] =	vst v63  }
0x149: {  	s6 =	simm.s32 $0x8900  }
0x14a: {  	[tilespmem:s6], [sflag:$0x2] =	stream.indirect_vreg.gather [hbm4b:s1+s3], $0x80, v3, vm0, $0xb8;
	[tilespmem:$0x10100] =	vst v63  }
0x14b: {  	v3 =	vld [tilespmem:$0x90];
	_ =	sdelay $0x4  }
0x14c: {  	v25 =	vshll.u32 v3, $0x1  }
0x14d: {  	v3 =	vand.u32 $0x7, v3;
	v4 =	vand.u32 $0xFFFFFFF0, v25  }
0x14e: {  	v3 =	vor.u32 v3, v4  }
0x14f: {  	v4 =	vperm.xlane v3, v0;
	_ =	sdelay $0x1  }
0x150: {  	v3 =	vperm.xlane v3, v2;
	v4 =	vadd.s32 v1, v4;
	_ =	sdelay $0x1  }
0x151: {  	v3 =	vadd.s32 v1, v3;
	_ =	sdelay $0x1  }
0x152: {  	s0 =	simm.s32 $0x9100  }
0x153: {  	[tilespmem:s0], [sflag:$0x2] =	stream.indirect_vreg.gather [hbm4b:s1+s3], $0x80, v4, vm0, $0xb8;
	[tilespmem:$0x10100] =	vst v63  }
0x154: {  	s7 =	simm.s32 $0x9900  }
0x155: {  	[tilespmem:s7], [sflag:$0x2] =	stream.indirect_vreg.gather [hbm4b:s1+s3], $0x80, v3, vm0, $0xb8;
	[tilespmem:$0x10100] =	vst v63  }
0x156: {  	v3 =	vld [tilespmem:$0xA0];
	_ =	sdelay $0x4  }
0x157: {  	v26 =	vshll.u32 v3, $0x1  }
0x158: {  	v3 =	vand.u32 $0x7, v3;
	v4 =	vand.u32 $0xFFFFFFF0, v26  }
0x159: {  	v3 =	vor.u32 v3, v4  }
0x15a: {  	v4 =	vperm.xlane v3, v0;
	_ =	sdelay $0x1  }
0x15b: {  	v3 =	vperm.xlane v3, v2;
	v4 =	vadd.s32 v1, v4;
	_ =	sdelay $0x1  }
0x15c: {  	v3 =	vadd.s32 v1, v3;
	_ =	sdelay $0x1  }
0x15d: {  	s29 =	simm.s32 $0xA100  }
0x15e: {  	[tilespmem:s29], [sflag:$0x2] =	stream.indirect_vreg.gather [hbm4b:s1+s3], $0x80, v4, vm0, $0xb8;
	[tilespmem:$0x10100] =	vst v63  }
0x15f: {  	s24 =	simm.s32 $0xA900  }
0x160: {  	[tilespmem:s24], [sflag:$0x2] =	stream.indirect_vreg.gather [hbm4b:s1+s3], $0x80, v3, vm0, $0xb8;
	[tilespmem:$0x10100] =	vst v63  }
0x161: {  	v3 =	vld [tilespmem:$0xB0];
	_ =	sdelay $0x4  }
0x162: {  	v27 =	vshll.u32 v3, $0x1  }
0x163: {  	v3 =	vand.u32 $0x7, v3;
	v4 =	vand.u32 $0xFFFFFFF0, v27  }
0x164: {  	v3 =	vor.u32 v3, v4  }
0x165: {  	v4 =	vperm.xlane v3, v0;
	_ =	sdelay $0x1  }
0x166: {  	v3 =	vperm.xlane v3, v2;
	v4 =	vadd.s32 v1, v4;
	_ =	sdelay $0x1  }
0x167: {  	v3 =	vadd.s32 v1, v3;
	_ =	sdelay $0x1  }
0x168: {  	s24 =	simm.s32 $0xB100  }
0x169: {  	[tilespmem:s24], [sflag:$0x2] =	stream.indirect_vreg.gather [hbm4b:s1+s3], $0x80, v4, vm0, $0xb8;
	[tilespmem:$0x10100] =	vst v63  }
0x16a: {  	s25 =	simm.s32 $0xB900  }
0x16b: {  	[tilespmem:s25], [sflag:$0x2] =	stream.indirect_vreg.gather [hbm4b:s1+s3], $0x80, v3, vm0, $0xb8;
	[tilespmem:$0x10100] =	vst v63  }
0x16c: {  	v3 =	vld [tilespmem:$0xC0];
	_ =	sdelay $0x4  }
0x16d: {  	v28 =	vshll.u32 v3, $0x1  }
0x16e: {  	v3 =	vand.u32 $0x7, v3;
	v4 =	vand.u32 $0xFFFFFFF0, v28  }
0x16f: {  	v3 =	vor.u32 v3, v4  }
0x170: {  	v4 =	vperm.xlane v3, v0;
	_ =	sdelay $0x1  }
0x171: {  	v3 =	vperm.xlane v3, v2;
	v4 =	vadd.s32 v1, v4;
	_ =	sdelay $0x1  }
0x172: {  	v3 =	vadd.s32 v1, v3;
	_ =	sdelay $0x1  }
0x173: {  	s25 =	simm.s32 $0xC100  }
0x174: {  	[tilespmem:s25], [sflag:$0x2] =	stream.indirect_vreg.gather [hbm4b:s1+s3], $0x80, v4, vm0, $0xb8;
	[tilespmem:$0x10100] =	vst v63  }
0x175: {  	s28 =	simm.s32 $0xC900  }
0x176: {  	[tilespmem:s28], [sflag:$0x2] =	stream.indirect_vreg.gather [hbm4b:s1+s3], $0x80, v3, vm0, $0xb8;
	[tilespmem:$0x10100] =	vst v63  }
0x177: {  	v3 =	vld [tilespmem:$0xD0];
	_ =	sdelay $0x4  }
0x178: {  	v29 =	vshll.u32 v3, $0x1  }
0x179: {  	v3 =	vand.u32 $0x7, v3;
	v4 =	vand.u32 $0xFFFFFFF0, v29  }
0x17a: {  	v3 =	vor.u32 v3, v4  }
0x17b: {  	v4 =	vperm.xlane v3, v0;
	_ =	sdelay $0x1  }
0x17c: {  	v3 =	vperm.xlane v3, v2;
	v4 =	vadd.s32 v1, v4;
	_ =	sdelay $0x1  }
0x17d: {  	v3 =	vadd.s32 v1, v3;
	_ =	sdelay $0x1  }
0x17e: {  	s28 =	simm.s32 $0xD100  }
0x17f: {  	[tilespmem:s28], [sflag:$0x2] =	stream.indirect_vreg.gather [hbm4b:s1+s3], $0x80, v4, vm0, $0xb8;
	[tilespmem:$0x10100] =	vst v63  }
0x180: {  	s20 =	simm.s32 $0xD900  }
0x181: {  	[tilespmem:s20], [sflag:$0x2] =	stream.indirect_vreg.gather [hbm4b:s1+s3], $0x80, v3, vm0, $0xb8;
	[tilespmem:$0x10100] =	vst v63  }
0x182: {  	v3 =	vld [tilespmem:$0xE0];
	_ =	sdelay $0x4  }
0x183: {  	v30 =	vshll.u32 v3, $0x1  }
0x184: {  	v3 =	vand.u32 $0x7, v3;
	v4 =	vand.u32 $0xFFFFFFF0, v30  }
0x185: {  	v3 =	vor.u32 v3, v4  }
0x186: {  	v4 =	vperm.xlane v3, v0;
	_ =	sdelay $0x1  }
0x187: {  	v3 =	vperm.xlane v3, v2;
	v4 =	vadd.s32 v1, v4;
	_ =	sdelay $0x1  }
0x188: {  	v3 =	vadd.s32 v1, v3;
	_ =	sdelay $0x1  }
0x189: {  	s20 =	simm.s32 $0xE100  }
0x18a: {  	[tilespmem:s20], [sflag:$0x2] =	stream.indirect_vreg.gather [hbm4b:s1+s3], $0x80, v4, vm0, $0xb8;
	[tilespmem:$0x10100] =	vst v63  }
0x18b: {  	s21 =	simm.s32 $0xE900  }
0x18c: {  	[tilespmem:s21], [sflag:$0x2] =	stream.indirect_vreg.gather [hbm4b:s1+s3], $0x80, v3, vm0, $0xb8;
	[tilespmem:$0x10100] =	vst v63  }
0x18d: {  	v3 =	vld [tilespmem:$0xF0];
	_ =	sdelay $0x4  }
0x18e: {  	v31 =	vshll.u32 v3, $0x1  }
0x18f: {  	v3 =	vand.u32 $0x7, v3;
	v4 =	vand.u32 $0xFFFFFFF0, v31  }
0x190: {  	v3 =	vor.u32 v3, v4  }
0x191: {  	v4 =	vperm.xlane v3, v0;
	_ =	sdelay $0x1  }
0x192: {  	v3 =	vperm.xlane v3, v2;
	v4 =	vadd.s32 v1, v4;
	_ =	sdelay $0x1  }
0x193: {  	v3 =	vadd.s32 v1, v3;
	_ =	sdelay $0x1  }
0x194: {  	s21 =	simm.s32 $0xF100  }
0x195: {  	[tilespmem:s21], [sflag:$0x2] =	stream.indirect_vreg.gather [hbm4b:s1+s3], $0x80, v4, vm0, $0xb8;
	[tilespmem:$0x10100] =	vst v63  }
0x196: {  	s22 =	simm.s32 $0xF900  }
0x197: {  	[tilespmem:s22], [sflag:$0x2] =	stream.indirect_vreg.gather [hbm4b:s1+s3], $0x80, v3, vm0, $0xb8;
	[tilespmem:$0x10100] =	vst v63  }
0x198: {  	_ =	swait.ge [sflag:s13], $0x8000  }
0x199: {  	[sflag:s13] =	ssyncset.done $0x0  }
0x19a: {  	s22 =	rddreg [dreg:$0xa];
	[sflag:s13] =	ssyncadd.s32 $0xFFFF8000  }
0x19b: {  	[hbm4b:s22+s3] =	stream.linear.scatter [tilespmem:s31], [sflag:$0x3], $0x8000, $0x38;
	[tilespmem:$0x10100] =	vst v63  }
0x19c: {  	_ =	swait.ge [sflag:s14], $0x8000  }
0x19d: {  	[sflag:s14] =	ssyncset.done $0x0  }
0x19e: {  	s22 =	rddreg [dreg:$0xb];
	[sflag:s14] =	ssyncadd.s32 $0xFFFF8000  }
0x19f: {  	[tilespmem:s3], [sflag:$0x5] =	stream.linear.gather [hbm4b:s22+s3], $0x80, $0x38;
	[tilespmem:$0x10100] =	vst v63  }
0x1a0: {  	_ =	swait.ge [sflag:s5], $0x80  }
0x1a1: {  	[sflag:s5] =	ssyncset.done $0x0  }
0x1a2: {  	[sflag:s5] =	ssyncadd.s32 $0xFFFFFF80  }
0x1a3: {  	v3 =	vld [tilespmem:$0x0];
	_ =	sdelay $0x4  }
0x1a4: {  	v32 =	vshll.u32 v3, $0x1  }
0x1a5: {  	v3 =	vand.u32 $0x7, v3;
	v4 =	vand.u32 $0xFFFFFFF0, v32  }
0x1a6: {  	v3 =	vor.u32 v3, v4  }
0x1a7: {  	v4 =	vperm.xlane v3, v0;
	_ =	sdelay $0x1  }
0x1a8: {  	v3 =	vperm.xlane v3, v2;
	v4 =	vadd.s32 v1, v4;
	_ =	sdelay $0x1  }
0x1a9: {  	v3 =	vadd.s32 v1, v3;
	_ =	sdelay $0x2  }
0x1aa: {  	[tilespmem:s31], [sflag:$0x1] =	stream.indirect_vreg.gather [hbm4b:s1+s3], $0x80, v4, vm0, $0xb8;
	[tilespmem:$0x10100] =	vst v63  }
0x1ab: {  	s22 =	simm.s32 $0x900  }
0x1ac: {  	[tilespmem:s22], [sflag:$0x1] =	stream.indirect_vreg.gather [hbm4b:s1+s3], $0x80, v3, vm0, $0xb8;
	[tilespmem:$0x10100] =	vst v63  }
0x1ad: {  	v3 =	vld [tilespmem:$0x10];
	_ =	sdelay $0x4  }
0x1ae: {  	v33 =	vshll.u32 v3, $0x1  }
0x1af: {  	v3 =	vand.u32 $0x7, v3;
	v4 =	vand.u32 $0xFFFFFFF0, v33  }
0x1b0: {  	v3 =	vor.u32 v3, v4  }
0x1b1: {  	v4 =	vperm.xlane v3, v0;
	_ =	sdelay $0x1  }
0x1b2: {  	v3 =	vperm.xlane v3, v2;
	v4 =	vadd.s32 v1, v4;
	_ =	sdelay $0x1  }
0x1b3: {  	v3 =	vadd.s32 v1, v3;
	_ =	sdelay $0x1  }
0x1b4: {  	s22 =	simm.s32 $0x1100  }
0x1b5: {  	[tilespmem:s22], [sflag:$0x1] =	stream.indirect_vreg.gather [hbm4b:s1+s3], $0x80, v4, vm0, $0xb8;
	[tilespmem:$0x10100] =	vst v63  }
0x1b6: {  	s22 =	simm.s32 $0x1900  }
0x1b7: {  	[tilespmem:s22], [sflag:$0x1] =	stream.indirect_vreg.gather [hbm4b:s1+s3], $0x80, v3, vm0, $0xb8;
	[tilespmem:$0x10100] =	vst v63  }
0x1b8: {  	v3 =	vld [tilespmem:$0x20];
	_ =	sdelay $0x4  }
0x1b9: {  	v34 =	vshll.u32 v3, $0x1  }
0x1ba: {  	v3 =	vand.u32 $0x7, v3;
	v4 =	vand.u32 $0xFFFFFFF0, v34  }
0x1bb: {  	v3 =	vor.u32 v3, v4  }
0x1bc: {  	v4 =	vperm.xlane v3, v0;
	_ =	sdelay $0x1  }
0x1bd: {  	v3 =	vperm.xlane v3, v2;
	v4 =	vadd.s32 v1, v4;
	_ =	sdelay $0x1  }
0x1be: {  	v3 =	vadd.s32 v1, v3;
	_ =	sdelay $0x1  }
0x1bf: {  	s22 =	simm.s32 $0x2100  }
0x1c0: {  	[tilespmem:s22], [sflag:$0x1] =	stream.indirect_vreg.gather [hbm4b:s1+s3], $0x80, v4, vm0, $0xb8;
	[tilespmem:$0x10100] =	vst v63  }
0x1c1: {  	_ = 	snop  }
0x1c2: {  	[tilespmem:s26], [sflag:$0x1] =	stream.indirect_vreg.gather [hbm4b:s1+s3], $0x80, v3, vm0, $0xb8;
	[tilespmem:$0x10100] =	vst v63  }
0x1c3: {  	v3 =	vld [tilespmem:$0x30];
	_ =	sdelay $0x4  }
0x1c4: {  	v35 =	vshll.u32 v3, $0x1  }
0x1c5: {  	v3 =	vand.u32 $0x7, v3;
	v4 =	vand.u32 $0xFFFFFFF0, v35  }
0x1c6: {  	v3 =	vor.u32 v3, v4  }
0x1c7: {  	v4 =	vperm.xlane v3, v0;
	_ =	sdelay $0x1  }
0x1c8: {  	v3 =	vperm.xlane v3, v2;
	v4 =	vadd.s32 v1, v4;
	_ =	sdelay $0x1  }
0x1c9: {  	v3 =	vadd.s32 v1, v3;
	_ =	sdelay $0x1  }
0x1ca: {  	s26 =	simm.s32 $0x3100  }
0x1cb: {  	[tilespmem:s26], [sflag:$0x1] =	stream.indirect_vreg.gather [hbm4b:s1+s3], $0x80, v4, vm0, $0xb8;
	[tilespmem:$0x10100] =	vst v63  }
0x1cc: {  	s26 =	simm.s32 $0x3900  }
0x1cd: {  	[tilespmem:s26], [sflag:$0x1] =	stream.indirect_vreg.gather [hbm4b:s1+s3], $0x80, v3, vm0, $0xb8;
	[tilespmem:$0x10100] =	vst v63  }
0x1ce: {  	v3 =	vld [tilespmem:$0x40];
	_ =	sdelay $0x4  }
0x1cf: {  	v36 =	vshll.u32 v3, $0x1  }
0x1d0: {  	v3 =	vand.u32 $0x7, v3;
	v4 =	vand.u32 $0xFFFFFFF0, v36  }
0x1d1: {  	v3 =	vor.u32 v3, v4  }
0x1d2: {  	v4 =	vperm.xlane v3, v0;
	_ =	sdelay $0x1  }
0x1d3: {  	v3 =	vperm.xlane v3, v2;
	v4 =	vadd.s32 v1, v4;
	_ =	sdelay $0x1  }
0x1d4: {  	v3 =	vadd.s32 v1, v3;
	_ =	sdelay $0x2  }
0x1d5: {  	[tilespmem:s8], [sflag:$0x1] =	stream.indirect_vreg.gather [hbm4b:s1+s3], $0x80, v4, vm0, $0xb8;
	[tilespmem:$0x10100] =	vst v63  }
0x1d6: {  	_ = 	snop  }
0x1d7: {  	[tilespmem:s11], [sflag:$0x1] =	stream.indirect_vreg.gather [hbm4b:s1+s3], $0x80, v3, vm0, $0xb8;
	[tilespmem:$0x10100] =	vst v63  }
0x1d8: {  	v3 =	vld [tilespmem:$0x50];
	_ =	sdelay $0x4  }
0x1d9: {  	v37 =	vshll.u32 v3, $0x1  }
0x1da: {  	v3 =	vand.u32 $0x7, v3;
	v4 =	vand.u32 $0xFFFFFFF0, v37  }
0x1db: {  	v3 =	vor.u32 v3, v4  }
0x1dc: {  	v4 =	vperm.xlane v3, v0;
	_ =	sdelay $0x1  }
0x1dd: {  	v3 =	vperm.xlane v3, v2;
	v4 =	vadd.s32 v1, v4;
	_ =	sdelay $0x1  }
0x1de: {  	v3 =	vadd.s32 v1, v3;
	_ =	sdelay $0x2  }
0x1df: {  	[tilespmem:s9], [sflag:$0x1] =	stream.indirect_vreg.gather [hbm4b:s1+s3], $0x80, v4, vm0, $0xb8;
	[tilespmem:$0x10100] =	vst v63  }
0x1e0: {  	s26 =	simm.s32 $0x5900  }
0x1e1: {  	[tilespmem:s26], [sflag:$0x1] =	stream.indirect_vreg.gather [hbm4b:s1+s3], $0x80, v3, vm0, $0xb8;
	[tilespmem:$0x10100] =	vst v63  }
0x1e2: {  	v3 =	vld [tilespmem:$0x60];
	_ =	sdelay $0x4  }
0x1e3: {  	v38 =	vshll.u32 v3, $0x1  }
0x1e4: {  	v3 =	vand.u32 $0x7, v3;
	v4 =	vand.u32 $0xFFFFFFF0, v38  }
0x1e5: {  	v3 =	vor.u32 v3, v4  }
0x1e6: {  	v4 =	vperm.xlane v3, v0;
	_ =	sdelay $0x1  }
0x1e7: {  	v3 =	vperm.xlane v3, v2;
	v4 =	vadd.s32 v1, v4;
	_ =	sdelay $0x1  }
0x1e8: {  	v3 =	vadd.s32 v1, v3;
	_ =	sdelay $0x2  }
0x1e9: {  	[tilespmem:s10], [sflag:$0x1] =	stream.indirect_vreg.gather [hbm4b:s1+s3], $0x80, v4, vm0, $0xb8;
	[tilespmem:$0x10100] =	vst v63  }
0x1ea: {  	_ = 	snop  }
0x1eb: {  	[tilespmem:s12], [sflag:$0x1] =	stream.indirect_vreg.gather [hbm4b:s1+s3], $0x80, v3, vm0, $0xb8;
	[tilespmem:$0x10100] =	vst v63  }
0x1ec: {  	v3 =	vld [tilespmem:$0x70];
	_ =	sdelay $0x4  }
0x1ed: {  	v39 =	vshll.u32 v3, $0x1  }
0x1ee: {  	v3 =	vand.u32 $0x7, v3;
	v4 =	vand.u32 $0xFFFFFFF0, v39  }
0x1ef: {  	v3 =	vor.u32 v3, v4  }
0x1f0: {  	v4 =	vperm.xlane v3, v0;
	_ =	sdelay $0x1  }
0x1f1: {  	v3 =	vperm.xlane v3, v2;
	v4 =	vadd.s32 v1, v4;
	_ =	sdelay $0x1  }
0x1f2: {  	v3 =	vadd.s32 v1, v3;
	_ =	sdelay $0x2  }
0x1f3: {  	[tilespmem:s18], [sflag:$0x1] =	stream.indirect_vreg.gather [hbm4b:s1+s3], $0x80, v4, vm0, $0xb8;
	[tilespmem:$0x10100] =	vst v63  }
0x1f4: {  	_ = 	snop  }
0x1f5: {  	[tilespmem:s19], [sflag:$0x1] =	stream.indirect_vreg.gather [hbm4b:s1+s3], $0x80, v3, vm0, $0xb8;
	[tilespmem:$0x10100] =	vst v63  }
0x1f6: {  	_ =	swait.ge [sflag:s15], $0x8000  }
0x1f7: {  	[sflag:s15] =	ssyncset.done $0x0  }
0x1f8: {  	s26 =	rddreg [dreg:$0xc];
	[sflag:s15] =	ssyncadd.s32 $0xFFFF8000  }
0x1f9: {  	[hbm4b:s26+s3] =	stream.linear.scatter [tilespmem:s23], [sflag:$0x4], $0x8000, $0x38;
	[tilespmem:$0x10100] =	vst v63  }
0x1fa: {  	_ =	swait.ge [sflag:s16], $0x8000  }
0x1fb: {  	[sflag:s16] =	ssyncset.done $0x0  }
0x1fc: {  	s26 =	rddreg [dreg:$0xd];
	[sflag:s16] =	ssyncadd.s32 $0xFFFF8000  }
0x1fd: {  	[tilespmem:s2], [sflag:$0x5] =	stream.linear.gather [hbm4b:s26+s3], $0x80, $0x38;
	[tilespmem:$0x10100] =	vst v63  }
0x1fe: {  	_ =	swait.ge [sflag:s5], $0x80  }
0x1ff: {  	[sflag:s5] =	ssyncset.done $0x0  }
0x200: {  	[sflag:s5] =	ssyncadd.s32 $0xFFFFFF80  }
0x201: {  	v3 =	vld [tilespmem:$0x80];
	_ =	sdelay $0x4  }
0x202: {  	v40 =	vshll.u32 v3, $0x1  }
0x203: {  	v3 =	vand.u32 $0x7, v3;
	v4 =	vand.u32 $0xFFFFFFF0, v40  }
0x204: {  	v3 =	vor.u32 v3, v4  }
0x205: {  	v4 =	vperm.xlane v3, v0;
	_ =	sdelay $0x1  }
0x206: {  	v3 =	vperm.xlane v3, v2;
	v4 =	vadd.s32 v1, v4;
	_ =	sdelay $0x1  }
0x207: {  	v3 =	vadd.s32 v1, v3;
	_ =	sdelay $0x2  }
0x208: {  	[tilespmem:s23], [sflag:$0x2] =	stream.indirect_vreg.gather [hbm4b:s1+s3], $0x80, v4, vm0, $0xb8;
	[tilespmem:$0x10100] =	vst v63  }
0x209: {  	_ = 	snop  }
0x20a: {  	[tilespmem:s6], [sflag:$0x2] =	stream.indirect_vreg.gather [hbm4b:s1+s3], $0x80, v3, vm0, $0xb8;
	[tilespmem:$0x10100] =	vst v63  }
0x20b: {  	v3 =	vld [tilespmem:$0x90];
	_ =	sdelay $0x4  }
0x20c: {  	v41 =	vshll.u32 v3, $0x1  }
0x20d: {  	v3 =	vand.u32 $0x7, v3;
	v4 =	vand.u32 $0xFFFFFFF0, v41  }
0x20e: {  	v3 =	vor.u32 v3, v4  }
0x20f: {  	v4 =	vperm.xlane v3, v0;
	_ =	sdelay $0x1  }
0x210: {  	v3 =	vperm.xlane v3, v2;
	v4 =	vadd.s32 v1, v4;
	_ =	sdelay $0x1  }
0x211: {  	v3 =	vadd.s32 v1, v3;
	_ =	sdelay $0x2  }
0x212: {  	[tilespmem:s0], [sflag:$0x2] =	stream.indirect_vreg.gather [hbm4b:s1+s3], $0x80, v4, vm0, $0xb8;
	[tilespmem:$0x10100] =	vst v63  }
0x213: {  	_ = 	snop  }
0x214: {  	[tilespmem:s7], [sflag:$0x2] =	stream.indirect_vreg.gather [hbm4b:s1+s3], $0x80, v3, vm0, $0xb8;
	[tilespmem:$0x10100] =	vst v63  }
0x215: {  	v3 =	vld [tilespmem:$0xA0];
	_ =	sdelay $0x4  }
0x216: {  	v42 =	vshll.u32 v3, $0x1  }
0x217: {  	v3 =	vand.u32 $0x7, v3;
	v4 =	vand.u32 $0xFFFFFFF0, v42  }
0x218: {  	v3 =	vor.u32 v3, v4  }
0x219: {  	v4 =	vperm.xlane v3, v0;
	_ =	sdelay $0x1  }
0x21a: {  	v3 =	vperm.xlane v3, v2;
	v4 =	vadd.s32 v1, v4;
	_ =	sdelay $0x1  }
0x21b: {  	v3 =	vadd.s32 v1, v3;
	_ =	sdelay $0x1  }
0x21c: {  	s29 =	simm.s32 $0xA100  }
0x21d: {  	[tilespmem:s29], [sflag:$0x2] =	stream.indirect_vreg.gather [hbm4b:s1+s3], $0x80, v4, vm0, $0xb8;
	[tilespmem:$0x10100] =	vst v63  }
0x21e: {  	s30 =	simm.s32 $0xA900  }
0x21f: {  	[tilespmem:s30], [sflag:$0x2] =	stream.indirect_vreg.gather [hbm4b:s1+s3], $0x80, v3, vm0, $0xb8;
	[tilespmem:$0x10100] =	vst v63  }
0x220: {  	v3 =	vld [tilespmem:$0xB0];
	_ =	sdelay $0x4  }
0x221: {  	v43 =	vshll.u32 v3, $0x1  }
0x222: {  	v3 =	vand.u32 $0x7, v3;
	v4 =	vand.u32 $0xFFFFFFF0, v43  }
0x223: {  	v3 =	vor.u32 v3, v4  }
0x224: {  	v4 =	vperm.xlane v3, v0;
	_ =	sdelay $0x1  }
0x225: {  	v3 =	vperm.xlane v3, v2;
	v4 =	vadd.s32 v1, v4;
	_ =	sdelay $0x1  }
0x226: {  	v3 =	vadd.s32 v1, v3;
	_ =	sdelay $0x1  }
0x227: {  	s24 =	simm.s32 $0xB100  }
0x228: {  	[tilespmem:s24], [sflag:$0x2] =	stream.indirect_vreg.gather [hbm4b:s1+s3], $0x80, v4, vm0, $0xb8;
	[tilespmem:$0x10100] =	vst v63  }
0x229: {  	s24 =	simm.s32 $0xB900  }
0x22a: {  	[tilespmem:s24], [sflag:$0x2] =	stream.indirect_vreg.gather [hbm4b:s1+s3], $0x80, v3, vm0, $0xb8;
	[tilespmem:$0x10100] =	vst v63  }
0x22b: {  	v3 =	vld [tilespmem:$0xC0];
	_ =	sdelay $0x4  }
0x22c: {  	v44 =	vshll.u32 v3, $0x1  }
0x22d: {  	v3 =	vand.u32 $0x7, v3;
	v4 =	vand.u32 $0xFFFFFFF0, v44  }
0x22e: {  	v3 =	vor.u32 v3, v4  }
0x22f: {  	v4 =	vperm.xlane v3, v0;
	_ =	sdelay $0x1  }
0x230: {  	v3 =	vperm.xlane v3, v2;
	v4 =	vadd.s32 v1, v4;
	_ =	sdelay $0x1  }
0x231: {  	v3 =	vadd.s32 v1, v3;
	_ =	sdelay $0x1  }
0x232: {  	s25 =	simm.s32 $0xC100  }
0x233: {  	[tilespmem:s25], [sflag:$0x2] =	stream.indirect_vreg.gather [hbm4b:s1+s3], $0x80, v4, vm0, $0xb8;
	[tilespmem:$0x10100] =	vst v63  }
0x234: {  	s25 =	simm.s32 $0xC900  }
0x235: {  	[tilespmem:s25], [sflag:$0x2] =	stream.indirect_vreg.gather [hbm4b:s1+s3], $0x80, v3, vm0, $0xb8;
	[tilespmem:$0x10100] =	vst v63  }
0x236: {  	v3 =	vld [tilespmem:$0xD0];
	_ =	sdelay $0x4  }
0x237: {  	v45 =	vshll.u32 v3, $0x1  }
0x238: {  	v3 =	vand.u32 $0x7, v3;
	v4 =	vand.u32 $0xFFFFFFF0, v45  }
0x239: {  	v3 =	vor.u32 v3, v4  }
0x23a: {  	v4 =	vperm.xlane v3, v0;
	_ =	sdelay $0x1  }
0x23b: {  	v3 =	vperm.xlane v3, v2;
	v4 =	vadd.s32 v1, v4;
	_ =	sdelay $0x1  }
0x23c: {  	v3 =	vadd.s32 v1, v3;
	_ =	sdelay $0x1  }
0x23d: {  	s28 =	simm.s32 $0xD100  }
0x23e: {  	[tilespmem:s28], [sflag:$0x2] =	stream.indirect_vreg.gather [hbm4b:s1+s3], $0x80, v4, vm0, $0xb8;
	[tilespmem:$0x10100] =	vst v63  }
0x23f: {  	s28 =	simm.s32 $0xD900  }
0x240: {  	[tilespmem:s28], [sflag:$0x2] =	stream.indirect_vreg.gather [hbm4b:s1+s3], $0x80, v3, vm0, $0xb8;
	[tilespmem:$0x10100] =	vst v63  }
0x241: {  	v3 =	vld [tilespmem:$0xE0];
	_ =	sdelay $0x4  }
0x242: {  	v46 =	vshll.u32 v3, $0x1  }
0x243: {  	v3 =	vand.u32 $0x7, v3;
	v4 =	vand.u32 $0xFFFFFFF0, v46  }
0x244: {  	v3 =	vor.u32 v3, v4  }
0x245: {  	v4 =	vperm.xlane v3, v0;
	_ =	sdelay $0x1  }
0x246: {  	v3 =	vperm.xlane v3, v2;
	v4 =	vadd.s32 v1, v4;
	_ =	sdelay $0x1  }
0x247: {  	v3 =	vadd.s32 v1, v3;
	_ =	sdelay $0x1  }
0x248: {  	s20 =	simm.s32 $0xE100  }
0x249: {  	[tilespmem:s20], [sflag:$0x2] =	stream.indirect_vreg.gather [hbm4b:s1+s3], $0x80, v4, vm0, $0xb8;
	[tilespmem:$0x10100] =	vst v63  }
0x24a: {  	s20 =	simm.s32 $0xE900  }
0x24b: {  	[tilespmem:s20], [sflag:$0x2] =	stream.indirect_vreg.gather [hbm4b:s1+s3], $0x80, v3, vm0, $0xb8;
	[tilespmem:$0x10100] =	vst v63  }
0x24c: {  	v3 =	vld [tilespmem:$0xF0];
	_ =	sdelay $0x4  }
0x24d: {  	v47 =	vshll.u32 v3, $0x1  }
0x24e: {  	v3 =	vand.u32 $0x7, v3;
	v4 =	vand.u32 $0xFFFFFFF0, v47  }
0x24f: {  	v3 =	vor.u32 v3, v4  }
0x250: {  	v4 =	vperm.xlane v3, v0;
	_ =	sdelay $0x1  }
0x251: {  	v3 =	vperm.xlane v3, v2;
	v4 =	vadd.s32 v1, v4;
	_ =	sdelay $0x1  }
0x252: {  	v3 =	vadd.s32 v1, v3;
	_ =	sdelay $0x1  }
0x253: {  	s21 =	simm.s32 $0xF100  }
0x254: {  	[tilespmem:s21], [sflag:$0x2] =	stream.indirect_vreg.gather [hbm4b:s1+s3], $0x80, v4, vm0, $0xb8;
	[tilespmem:$0x10100] =	vst v63  }
0x255: {  	s21 =	simm.s32 $0xF900  }
0x256: {  	[tilespmem:s21], [sflag:$0x2] =	stream.indirect_vreg.gather [hbm4b:s1+s3], $0x80, v3, vm0, $0xb8;
	[tilespmem:$0x10100] =	vst v63  }
0x257: {  	_ =	swait.ge [sflag:s13], $0x8000  }
0x258: {  	[sflag:s13] =	ssyncset.done $0x0  }
0x259: {  	s17 =	rddreg [dreg:$0xe];
	[sflag:s13] =	ssyncadd.s32 $0xFFFF8000  }
0x25a: {  	[hbm4b:s17+s3] =	stream.linear.scatter [tilespmem:s31], [sflag:$0x3], $0x8000, $0x38;
	[tilespmem:$0x10100] =	vst v63  }
0x25b: {  	_ =	swait.ge [sflag:s14], $0x8000  }
0x25c: {  	[sflag:s14] =	ssyncset.done $0x0  }
0x25d: {  	s17 =	rddreg [dreg:$0xf];
	[sflag:s14] =	ssyncadd.s32 $0xFFFF8000  }
0x25e: {  	[tilespmem:s3], [sflag:$0x5] =	stream.linear.gather [hbm4b:s17+s3], $0x80, $0x38;
	[tilespmem:$0x10100] =	vst v63  }
0x25f: {  	_ =	swait.ge [sflag:s5], $0x80  }
0x260: {  	[sflag:s5] =	ssyncset.done $0x0  }
0x261: {  	[sflag:s5] =	ssyncadd.s32 $0xFFFFFF80  }
0x262: {  	v3 =	vld [tilespmem:$0x0];
	_ =	sdelay $0x4  }
0x263: {  	v48 =	vshll.u32 v3, $0x1  }
0x264: {  	v3 =	vand.u32 $0x7, v3;
	v4 =	vand.u32 $0xFFFFFFF0, v48  }
0x265: {  	v3 =	vor.u32 v3, v4  }
0x266: {  	v4 =	vperm.xlane v3, v0;
	_ =	sdelay $0x1  }
0x267: {  	v3 =	vperm.xlane v3, v2;
	v4 =	vadd.s32 v1, v4;
	_ =	sdelay $0x1  }
0x268: {  	v3 =	vadd.s32 v1, v3;
	_ =	sdelay $0x2  }
0x269: {  	[tilespmem:s31], [sflag:$0x1] =	stream.indirect_vreg.gather [hbm4b:s1+s3], $0x80, v4, vm0, $0xb8;
	[tilespmem:$0x10100] =	vst v63  }
0x26a: {  	s17 =	simm.s32 $0x900  }
0x26b: {  	[tilespmem:s17], [sflag:$0x1] =	stream.indirect_vreg.gather [hbm4b:s1+s3], $0x80, v3, vm0, $0xb8;
	[tilespmem:$0x10100] =	vst v63  }
0x26c: {  	v3 =	vld [tilespmem:$0x10];
	_ =	sdelay $0x4  }
0x26d: {  	v49 =	vshll.u32 v3, $0x1  }
0x26e: {  	v3 =	vand.u32 $0x7, v3;
	v4 =	vand.u32 $0xFFFFFFF0, v49  }
0x26f: {  	v3 =	vor.u32 v3, v4  }
0x270: {  	v4 =	vperm.xlane v3, v0;
	_ =	sdelay $0x1  }
0x271: {  	v3 =	vperm.xlane v3, v2;
	v4 =	vadd.s32 v1, v4;
	_ =	sdelay $0x1  }
0x272: {  	v3 =	vadd.s32 v1, v3;
	_ =	sdelay $0x1  }
0x273: {  	s17 =	simm.s32 $0x1100  }
0x274: {  	[tilespmem:s17], [sflag:$0x1] =	stream.indirect_vreg.gather [hbm4b:s1+s3], $0x80, v4, vm0, $0xb8;
	[tilespmem:$0x10100] =	vst v63  }
0x275: {  	s17 =	simm.s32 $0x1900  }
0x276: {  	[tilespmem:s17], [sflag:$0x1] =	stream.indirect_vreg.gather [hbm4b:s1+s3], $0x80, v3, vm0, $0xb8;
	[tilespmem:$0x10100] =	vst v63  }
0x277: {  	v3 =	vld [tilespmem:$0x20];
	_ =	sdelay $0x4  }
0x278: {  	v50 =	vshll.u32 v3, $0x1  }
0x279: {  	v3 =	vand.u32 $0x7, v3;
	v4 =	vand.u32 $0xFFFFFFF0, v50  }
0x27a: {  	v3 =	vor.u32 v3, v4  }
0x27b: {  	v4 =	vperm.xlane v3, v0;
	_ =	sdelay $0x1  }
0x27c: {  	v3 =	vperm.xlane v3, v2;
	v4 =	vadd.s32 v1, v4;
	_ =	sdelay $0x1  }
0x27d: {  	v3 =	vadd.s32 v1, v3;
	_ =	sdelay $0x1  }
0x27e: {  	s17 =	simm.s32 $0x2100  }
0x27f: {  	[tilespmem:s17], [sflag:$0x1] =	stream.indirect_vreg.gather [hbm4b:s1+s3], $0x80, v4, vm0, $0xb8;
	[tilespmem:$0x10100] =	vst v63  }
0x280: {  	s22 =	simm.s32 $0x2900  }
0x281: {  	[tilespmem:s22], [sflag:$0x1] =	stream.indirect_vreg.gather [hbm4b:s1+s3], $0x80, v3, vm0, $0xb8;
	[tilespmem:$0x10100] =	vst v63  }
0x282: {  	v3 =	vld [tilespmem:$0x30];
	_ =	sdelay $0x4  }
0x283: {  	v51 =	vshll.u32 v3, $0x1  }
0x284: {  	v3 =	vand.u32 $0x7, v3;
	v4 =	vand.u32 $0xFFFFFFF0, v51  }
0x285: {  	v3 =	vor.u32 v3, v4  }
0x286: {  	v4 =	vperm.xlane v3, v0;
	_ =	sdelay $0x1  }
0x287: {  	v3 =	vperm.xlane v3, v2;
	v4 =	vadd.s32 v1, v4;
	_ =	sdelay $0x1  }
0x288: {  	v3 =	vadd.s32 v1, v3;
	_ =	sdelay $0x1  }
0x289: {  	s22 =	simm.s32 $0x3100  }
0x28a: {  	[tilespmem:s22], [sflag:$0x1] =	stream.indirect_vreg.gather [hbm4b:s1+s3], $0x80, v4, vm0, $0xb8;
	[tilespmem:$0x10100] =	vst v63  }
0x28b: {  	s22 =	simm.s32 $0x3900  }
0x28c: {  	[tilespmem:s22], [sflag:$0x1] =	stream.indirect_vreg.gather [hbm4b:s1+s3], $0x80, v3, vm0, $0xb8;
	[tilespmem:$0x10100] =	vst v63  }
0x28d: {  	v3 =	vld [tilespmem:$0x40];
	_ =	sdelay $0x4  }
0x28e: {  	v52 =	vshll.u32 v3, $0x1  }
0x28f: {  	v3 =	vand.u32 $0x7, v3;
	v4 =	vand.u32 $0xFFFFFFF0, v52  }
0x290: {  	v3 =	vor.u32 v3, v4  }
0x291: {  	v4 =	vperm.xlane v3, v0;
	_ =	sdelay $0x1  }
0x292: {  	v3 =	vperm.xlane v3, v2;
	v4 =	vadd.s32 v1, v4;
	_ =	sdelay $0x1  }
0x293: {  	v3 =	vadd.s32 v1, v3;
	_ =	sdelay $0x1  }
0x294: {  	s8 =	simm.s32 $0x4100  }
0x295: {  	[tilespmem:s8], [sflag:$0x1] =	stream.indirect_vreg.gather [hbm4b:s1+s3], $0x80, v4, vm0, $0xb8;
	[tilespmem:$0x10100] =	vst v63  }
0x296: {  	s11 =	simm.s32 $0x4900  }
0x297: {  	[tilespmem:s11], [sflag:$0x1] =	stream.indirect_vreg.gather [hbm4b:s1+s3], $0x80, v3, vm0, $0xb8;
	[tilespmem:$0x10100] =	vst v63  }
0x298: {  	v3 =	vld [tilespmem:$0x50];
	_ =	sdelay $0x4  }
0x299: {  	v53 =	vshll.u32 v3, $0x1  }
0x29a: {  	v3 =	vand.u32 $0x7, v3;
	v4 =	vand.u32 $0xFFFFFFF0, v53  }
0x29b: {  	v3 =	vor.u32 v3, v4  }
0x29c: {  	v4 =	vperm.xlane v3, v0;
	_ =	sdelay $0x1  }
0x29d: {  	v3 =	vperm.xlane v3, v2;
	v4 =	vadd.s32 v1, v4;
	_ =	sdelay $0x1  }
0x29e: {  	v3 =	vadd.s32 v1, v3;
	_ =	sdelay $0x1  }
0x29f: {  	s9 =	simm.s32 $0x5100  }
0x2a0: {  	[tilespmem:s9], [sflag:$0x1] =	stream.indirect_vreg.gather [hbm4b:s1+s3], $0x80, v4, vm0, $0xb8;
	[tilespmem:$0x10100] =	vst v63  }
0x2a1: {  	s17 =	simm.s32 $0x5900  }
0x2a2: {  	[tilespmem:s17], [sflag:$0x1] =	stream.indirect_vreg.gather [hbm4b:s1+s3], $0x80, v3, vm0, $0xb8;
	[tilespmem:$0x10100] =	vst v63  }
0x2a3: {  	v3 =	vld [tilespmem:$0x60];
	_ =	sdelay $0x4  }
0x2a4: {  	v54 =	vshll.u32 v3, $0x1  }
0x2a5: {  	v3 =	vand.u32 $0x7, v3;
	v4 =	vand.u32 $0xFFFFFFF0, v54  }
0x2a6: {  	v3 =	vor.u32 v3, v4  }
0x2a7: {  	v4 =	vperm.xlane v3, v0;
	_ =	sdelay $0x1  }
0x2a8: {  	v3 =	vperm.xlane v3, v2;
	v4 =	vadd.s32 v1, v4;
	_ =	sdelay $0x1  }
0x2a9: {  	v3 =	vadd.s32 v1, v3;
	_ =	sdelay $0x1  }
0x2aa: {  	s10 =	simm.s32 $0x6100  }
0x2ab: {  	[tilespmem:s10], [sflag:$0x1] =	stream.indirect_vreg.gather [hbm4b:s1+s3], $0x80, v4, vm0, $0xb8;
	[tilespmem:$0x10100] =	vst v63  }
0x2ac: {  	s12 =	simm.s32 $0x6900  }
0x2ad: {  	[tilespmem:s12], [sflag:$0x1] =	stream.indirect_vreg.gather [hbm4b:s1+s3], $0x80, v3, vm0, $0xb8;
	[tilespmem:$0x10100] =	vst v63  }
0x2ae: {  	v3 =	vld [tilespmem:$0x70];
	_ =	sdelay $0x4  }
0x2af: {  	v55 =	vshll.u32 v3, $0x1  }
0x2b0: {  	v3 =	vand.u32 $0x7, v3;
	v4 =	vand.u32 $0xFFFFFFF0, v55  }
0x2b1: {  	v3 =	vor.u32 v3, v4  }
0x2b2: {  	v4 =	vperm.xlane v3, v0;
	_ =	sdelay $0x1  }
0x2b3: {  	v3 =	vperm.xlane v3, v2;
	v4 =	vadd.s32 v1, v4;
	_ =	sdelay $0x1  }
0x2b4: {  	v3 =	vadd.s32 v1, v3;
	_ =	sdelay $0x1  }
0x2b5: {  	s18 =	simm.s32 $0x7100  }
0x2b6: {  	[tilespmem:s18], [sflag:$0x1] =	stream.indirect_vreg.gather [hbm4b:s1+s3], $0x80, v4, vm0, $0xb8;
	[tilespmem:$0x10100] =	vst v63  }
0x2b7: {  	s19 =	simm.s32 $0x7900  }
0x2b8: {  	[tilespmem:s19], [sflag:$0x1] =	stream.indirect_vreg.gather [hbm4b:s1+s3], $0x80, v3, vm0, $0xb8;
	[tilespmem:$0x10100] =	vst v63  }
0x2b9: {  	_ =	swait.ge [sflag:s15], $0x8000  }
0x2ba: {  	[sflag:s15] =	ssyncset.done $0x0  }
0x2bb: {  	s18 =	rddreg [dreg:$0x10];
	[sflag:s15] =	ssyncadd.s32 $0xFFFF8000  }
0x2bc: {  	[hbm4b:s18+s3] =	stream.linear.scatter [tilespmem:s23], [sflag:$0x4], $0x8000, $0x38;
	[tilespmem:$0x10100] =	vst v63  }
0x2bd: {  	_ =	swait.ge [sflag:s16], $0x8000  }
0x2be: {  	[sflag:s16] =	ssyncset.done $0x0  }
0x2bf: {  	s2 =	simm.s32 $0x80;
	s19 =	rddreg [dreg:$0x11];
	[sflag:s16] =	ssyncadd.s32 $0xFFFF8000  }
0x2c0: {  	[tilespmem:s2], [sflag:$0x5] =	stream.linear.gather [hbm4b:s19+s3], $0x80, $0x38;
	[tilespmem:$0x10100] =	vst v63  }
0x2c1: {  	_ =	swait.ge [sflag:s5], $0x80  }
0x2c2: {  	[sflag:s5] =	ssyncset.done $0x0  }
0x2c3: {  	[sflag:s5] =	ssyncadd.s32 $0xFFFFFF80  }
0x2c4: {  	v3 =	vld [tilespmem:$0x80];
	_ =	sdelay $0x4  }
0x2c5: {  	v56 =	vshll.u32 v3, $0x1  }
0x2c6: {  	v3 =	vand.u32 $0x7, v3;
	v4 =	vand.u32 $0xFFFFFFF0, v56  }
0x2c7: {  	v3 =	vor.u32 v3, v4  }
0x2c8: {  	v4 =	vperm.xlane v3, v0;
	_ =	sdelay $0x1  }
0x2c9: {  	v3 =	vperm.xlane v3, v2;
	v4 =	vadd.s32 v1, v4;
	_ =	sdelay $0x1  }
0x2ca: {  	v3 =	vadd.s32 v1, v3;
	_ =	sdelay $0x2  }
0x2cb: {  	[tilespmem:s23], [sflag:$0x2] =	stream.indirect_vreg.gather [hbm4b:s1+s3], $0x80, v4, vm0, $0xb8;
	[tilespmem:$0x10100] =	vst v63  }
0x2cc: {  	s6 =	simm.s32 $0x8900  }
0x2cd: {  	[tilespmem:s6], [sflag:$0x2] =	stream.indirect_vreg.gather [hbm4b:s1+s3], $0x80, v3, vm0, $0xb8;
	[tilespmem:$0x10100] =	vst v63  }
0x2ce: {  	v3 =	vld [tilespmem:$0x90];
	_ =	sdelay $0x4  }
0x2cf: {  	v57 =	vshll.u32 v3, $0x1  }
0x2d0: {  	v3 =	vand.u32 $0x7, v3;
	v4 =	vand.u32 $0xFFFFFFF0, v57  }
0x2d1: {  	v3 =	vor.u32 v3, v4  }
0x2d2: {  	v4 =	vperm.xlane v3, v0;
	_ =	sdelay $0x1  }
0x2d3: {  	v3 =	vperm.xlane v3, v2;
	v4 =	vadd.s32 v1, v4;
	_ =	sdelay $0x1  }
0x2d4: {  	v3 =	vadd.s32 v1, v3;
	_ =	sdelay $0x1  }
0x2d5: {  	s0 =	simm.s32 $0x9100  }
0x2d6: {  	[tilespmem:s0], [sflag:$0x2] =	stream.indirect_vreg.gather [hbm4b:s1+s3], $0x80, v4, vm0, $0xb8;
	[tilespmem:$0x10100] =	vst v63  }
0x2d7: {  	s7 =	simm.s32 $0x9900  }
0x2d8: {  	[tilespmem:s7], [sflag:$0x2] =	stream.indirect_vreg.gather [hbm4b:s1+s3], $0x80, v3, vm0, $0xb8;
	[tilespmem:$0x10100] =	vst v63  }
0x2d9: {  	v3 =	vld [tilespmem:$0xA0];
	_ =	sdelay $0x4  }
0x2da: {  	v58 =	vshll.u32 v3, $0x1  }
0x2db: {  	v3 =	vand.u32 $0x7, v3;
	v4 =	vand.u32 $0xFFFFFFF0, v58  }
0x2dc: {  	v3 =	vor.u32 v3, v4  }
0x2dd: {  	v4 =	vperm.xlane v3, v0;
	_ =	sdelay $0x1  }
0x2de: {  	v3 =	vperm.xlane v3, v2;
	v4 =	vadd.s32 v1, v4;
	_ =	sdelay $0x1  }
0x2df: {  	v3 =	vadd.s32 v1, v3;
	_ =	sdelay $0x1  }
0x2e0: {  	s29 =	simm.s32 $0xA100  }
0x2e1: {  	[tilespmem:s29], [sflag:$0x2] =	stream.indirect_vreg.gather [hbm4b:s1+s3], $0x80, v4, vm0, $0xb8;
	[tilespmem:$0x10100] =	vst v63  }
0x2e2: {  	s30 =	simm.s32 $0xA900  }
0x2e3: {  	[tilespmem:s30], [sflag:$0x2] =	stream.indirect_vreg.gather [hbm4b:s1+s3], $0x80, v3, vm0, $0xb8;
	[tilespmem:$0x10100] =	vst v63  }
0x2e4: {  	v3 =	vld [tilespmem:$0xB0];
	_ =	sdelay $0x4  }
0x2e5: {  	v59 =	vshll.u32 v3, $0x1  }
0x2e6: {  	v3 =	vand.u32 $0x7, v3;
	v4 =	vand.u32 $0xFFFFFFF0, v59  }
0x2e7: {  	v3 =	vor.u32 v3, v4  }
0x2e8: {  	v4 =	vperm.xlane v3, v0;
	_ =	sdelay $0x1  }
0x2e9: {  	v3 =	vperm.xlane v3, v2;
	v4 =	vadd.s32 v1, v4;
	_ =	sdelay $0x1  }
0x2ea: {  	v3 =	vadd.s32 v1, v3;
	_ =	sdelay $0x1  }
0x2eb: {  	s26 =	simm.s32 $0xB100  }
0x2ec: {  	[tilespmem:s26], [sflag:$0x2] =	stream.indirect_vreg.gather [hbm4b:s1+s3], $0x80, v4, vm0, $0xb8;
	[tilespmem:$0x10100] =	vst v63  }
0x2ed: {  	s22 =	simm.s32 $0xB900  }
0x2ee: {  	[tilespmem:s22], [sflag:$0x2] =	stream.indirect_vreg.gather [hbm4b:s1+s3], $0x80, v3, vm0, $0xb8;
	[tilespmem:$0x10100] =	vst v63  }
0x2ef: {  	v3 =	vld [tilespmem:$0xC0];
	_ =	sdelay $0x4  }
0x2f0: {  	v60 =	vshll.u32 v3, $0x1  }
0x2f1: {  	v3 =	vand.u32 $0x7, v3;
	v4 =	vand.u32 $0xFFFFFFF0, v60  }
0x2f2: {  	v3 =	vor.u32 v3, v4  }
0x2f3: {  	v4 =	vperm.xlane v3, v0;
	_ =	sdelay $0x1  }
0x2f4: {  	v3 =	vperm.xlane v3, v2;
	v4 =	vadd.s32 v1, v4;
	_ =	sdelay $0x1  }
0x2f5: {  	v3 =	vadd.s32 v1, v3;
	_ =	sdelay $0x1  }
0x2f6: {  	s24 =	simm.s32 $0xC100  }
0x2f7: {  	[tilespmem:s24], [sflag:$0x2] =	stream.indirect_vreg.gather [hbm4b:s1+s3], $0x80, v4, vm0, $0xb8;
	[tilespmem:$0x10100] =	vst v63  }
0x2f8: {  	s24 =	simm.s32 $0xC900  }
0x2f9: {  	[tilespmem:s24], [sflag:$0x2] =	stream.indirect_vreg.gather [hbm4b:s1+s3], $0x80, v3, vm0, $0xb8;
	[tilespmem:$0x10100] =	vst v63  }
0x2fa: {  	v3 =	vld [tilespmem:$0xD0];
	_ =	sdelay $0x4  }
0x2fb: {  	v61 =	vshll.u32 v3, $0x1  }
0x2fc: {  	v3 =	vand.u32 $0x7, v3;
	v4 =	vand.u32 $0xFFFFFFF0, v61  }
0x2fd: {  	v3 =	vor.u32 v3, v4  }
0x2fe: {  	v4 =	vperm.xlane v3, v0;
	_ =	sdelay $0x1  }
0x2ff: {  	v3 =	vperm.xlane v3, v2;
	v4 =	vadd.s32 v1, v4;
	_ =	sdelay $0x1  }
0x300: {  	v3 =	vadd.s32 v1, v3;
	_ =	sdelay $0x1  }
0x301: {  	s25 =	simm.s32 $0xD100  }
0x302: {  	[tilespmem:s25], [sflag:$0x2] =	stream.indirect_vreg.gather [hbm4b:s1+s3], $0x80, v4, vm0, $0xb8;
	[tilespmem:$0x10100] =	vst v63  }
0x303: {  	s26 =	simm.s32 $0xD900  }
0x304: {  	[tilespmem:s26], [sflag:$0x2] =	stream.indirect_vreg.gather [hbm4b:s1+s3], $0x80, v3, vm0, $0xb8;
	[tilespmem:$0x10100] =	vst v63  }
0x305: {  	v3 =	vld [tilespmem:$0xE0];
	_ =	sdelay $0x4  }
0x306: {  	v62 =	vshll.u32 v3, $0x1  }
0x307: {  	v3 =	vand.u32 $0x7, v3;
	v4 =	vand.u32 $0xFFFFFFF0, v62  }
0x308: {  	v3 =	vor.u32 v3, v4  }
0x309: {  	v4 =	vperm.xlane v3, v0;
	_ =	sdelay $0x1  }
0x30a: {  	v3 =	vperm.xlane v3, v2;
	v4 =	vadd.s32 v1, v4;
	_ =	sdelay $0x1  }
0x30b: {  	v3 =	vadd.s32 v1, v3;
	_ =	sdelay $0x1  }
0x30c: {  	s28 =	simm.s32 $0xE100  }
0x30d: {  	[tilespmem:s28], [sflag:$0x2] =	stream.indirect_vreg.gather [hbm4b:s1+s3], $0x80, v4, vm0, $0xb8;
	[tilespmem:$0x10100] =	vst v63  }
0x30e: {  	s28 =	simm.s32 $0xE900  }
0x30f: {  	[tilespmem:s28], [sflag:$0x2] =	stream.indirect_vreg.gather [hbm4b:s1+s3], $0x80, v3, vm0, $0xb8;
	[tilespmem:$0x10100] =	vst v63  }
0x310: {  	v3 =	vld [tilespmem:$0xF0];
	_ =	sdelay $0x4  }
0x311: {  	v63 =	vshll.u32 v3, $0x1  }
0x312: {  	v3 =	vand.u32 $0x7, v3;
	v4 =	vand.u32 $0xFFFFFFF0, v63  }
0x313: {  	v3 =	vor.u32 v3, v4  }
0x314: {  	v4 =	vperm.xlane v3, v0;
	_ =	sdelay $0x1  }
0x315: {  	v3 =	vperm.xlane v3, v2;
	v4 =	vadd.s32 v1, v4;
	_ =	sdelay $0x1  }
0x316: {  	v3 =	vadd.s32 v1, v3;
	_ =	sdelay $0x1  }
0x317: {  	s20 =	simm.s32 $0xF100  }
0x318: {  	[tilespmem:s20], [sflag:$0x2] =	stream.indirect_vreg.gather [hbm4b:s1+s3], $0x80, v4, vm0, $0xb8;
	[tilespmem:$0x10100] =	vst v63  }
0x319: {  	s21 =	simm.s32 $0xF900  }
0x31a: {  	[tilespmem:s21], [sflag:$0x2] =	stream.indirect_vreg.gather [hbm4b:s1+s3], $0x80, v3, vm0, $0xb8;
	[tilespmem:$0x10100] =	vst v63  }
0x31b: {  	_ =	swait.ge [sflag:s13], $0x8000  }
0x31c: {  	[sflag:s13] =	ssyncset.done $0x0  }
0x31d: {  	s29 =	rddreg [dreg:$0x12];
	[sflag:s13] =	ssyncadd.s32 $0xFFFF8000  }
0x31e: {  	[hbm4b:s29+s3] =	stream.linear.scatter [tilespmem:s31], [sflag:$0x3], $0x8000, $0x38;
	[tilespmem:$0x10100] =	vst v63  }
0x31f: {  	_ =	swait.ge [sflag:s15], $0x8000  }
0x320: {  	[sflag:s15] =	ssyncset.done $0x0  }
0x321: {  	s30 =	rddreg [dreg:$0x13];
	[sflag:s15] =	ssyncadd.s32 $0xFFFF8000  }
0x322: {  	[hbm4b:s30+s3] =	stream.linear.scatter [tilespmem:s23], [sflag:$0x4], $0x8000, $0x38;
	[tilespmem:$0x10100] =	vst v63  }
0x323: {  	p0 =	sne.s32 s4, $0x1;
	_ =	swait.ge [sflag:s14], $0x8000  }
.Ltmp0:
0x324: {  	[sflag:s14] =	ssyncset.done $0x0;
	(pc) =	sbr.rel @p0 .LBB2_1-.Ltmp0, $4  }
0x325: {  	[sflag:s14] =	ssyncadd.s32 $0xFFFF8000  }
0x326: {  	_ =	swait.ge [sflag:s16], $0x8000  }
0x327: {  	[sflag:s16] =	ssyncset.done $0x0  }
0x328: {  	s4 =	sadd.s32 $0xFFFFFFFF, s4;
	[sflag:s16] =	ssyncadd.s32 $0xFFFF8000  }
0x329: {  	_ =	sfence.sel $0x180000  }
0x32a: {  	[bflag:$0x0] =	sbarrier.arrive $0xFFFF  }
0x32b: {  	_ =	strace $0x90000047  }
0x32c: {  	s0 =	stileid.u32;
	[bflag:$0x2] =	sbarrier.arrive $0xFFFF  }
0x32d: {  	p0 =	sne.s32 s0, $0x0;
	s0 =	rddreg [dreg:$0x3]  }
0x32e: {  	s0 =	sadd.s32 @!p0 $0x100000, s0  }
0x32f: {  	[sflag:s0] =	ssyncadd.tile.s32 @!p0 $0x1;
	_ =	shalt  }
.Lfunc_end2:
_tile_overlayer_lowered:
.L_overlay_start_2:
0x330: {  	(tag) =	ssettag $0x2  }
0x331: {  	s0 =	rddreg [dreg:$0x0];
	s2 =	stileid.u32  }
0x332: {  	s1 =	rddreg [dreg:$0x1];
	p0 =	sne.s32 s2, $0x0  }
0x333: {  	s3 =	rddreg [dreg:$0x2];
	[bflag:$0x3] =	sbarrier.arrive $0xFFFF;
	s2 =	simm.s32 @!p0 $0x1C05  }
0x334: {  	[timem:s3], [sflag:s2] =	dma.local @!p0 [hbm:s0], s1  }
0x335: {  	s0 =	simm.s32 @!p0 $0x5  }
0x336: {  	_ =	swait.ge @!p0 [sflag:s0], s1  }
0x337: {  	s1 =	ssub.s32 @!p0 $0x0, s1;
	[sflag:s0] =	ssyncset.done @!p0 $0x0  }
0x338: {  	[sflag:s0] =	ssyncadd.s32 @!p0 s1  }
0x339: {  	[bflag:$0x3] =	sbarrier.arrive $0xFFFF  }
0x33a: {  	_ =	shalt  }

</sc_bundles>
